<compile_context>
chip_gen: v7x
topology: tpu7x:2x2x1
jax: 0.10.2.dev20260603
libtpu: 0.0.44.dev20260713+nightly
codegen_flags: <defaults>
</compile_context>

<pallas_src>
import functools

import jax
import jax.numpy as jnp
from jax import lax
from jax.experimental import pallas as pl
from jax.experimental.pallas import tpu as pltpu
from jax.experimental.pallas import tpu_sc as plsc

_NC = 2
_NS = 16
_NW = _NC * _NS
_L = 16


def _mesh():
    return plsc.VectorSubcoreMesh(core_axis_name="c", subcore_axis_name="s")


def _wid():
    return lax.axis_index("s") * _NC + lax.axis_index("c")


def _make_idx_kernel(N, res):
    C = 16384
    per = N // _NW
    hi = jnp.float32(res - 1.001)
    scale = jnp.float32(res - 1)

    @functools.partial(
        pl.kernel,
        mesh=_mesh(),
        compiler_params=pltpu.CompilerParams(needs_layout_passes=False),
        out_type=jax.ShapeDtypeStruct((N,), jnp.int32),
        scratch_types=[
            pltpu.VMEM((C,), jnp.float32),
            pltpu.VMEM((C,), jnp.float32),
            pltpu.VMEM((C,), jnp.float32),
            pltpu.VMEM((C,), jnp.int32),
        ],
    )
    def k(x_hbm, y_hbm, z_hbm, idx_hbm, xb, yb, zb, ob):
        base = _wid() * per

        def chunk(ci, carry):
            off = base + ci * C
            pltpu.sync_copy(x_hbm.at[pl.ds(off, C)], xb)
            pltpu.sync_copy(y_hbm.at[pl.ds(off, C)], yb)
            pltpu.sync_copy(z_hbm.at[pl.ds(off, C)], zb)

            def vreg(i, c2):
                s = pl.ds(i * _L, _L)
                ix = jnp.clip(xb[s] * scale, 0.0, hi).astype(jnp.int32)
                iy = jnp.clip(yb[s] * scale, 0.0, hi).astype(jnp.int32)
                iz = jnp.clip(zb[s] * scale, 0.0, hi).astype(jnp.int32)
                ob[s] = ix * (res * res) + iy * res + iz
                return c2

            lax.fori_loop(0, C // _L, vreg, 0)
            pltpu.sync_copy(ob, idx_hbm.at[pl.ds(off, C)])
            return carry

        lax.fori_loop(0, per // C, chunk, 0)

    return k


def _make_scatter_kernel(N, NV):
    C = 4096
    NCH = N // C
    NP = NCH // 2
    per_slab = NV // _NW

    STG = C + _L
    OVF = C + _L

    @functools.partial(
        pl.kernel,
        mesh=_mesh(),
        compiler_params=pltpu.CompilerParams(needs_layout_passes=False),
        out_type=jax.ShapeDtypeStruct((NV,), jnp.float32),
        scratch_types=[
            pltpu.VMEM((per_slab + _L,), jnp.float32),
            pltpu.VMEM((C,), jnp.int32),
            pltpu.VMEM((C,), jnp.float32),
            pltpu.VMEM((C,), jnp.int32),
            pltpu.VMEM((C,), jnp.float32),
            pltpu.VMEM((STG,), jnp.int32),
            pltpu.VMEM((STG,), jnp.float32),
            pltpu.VMEM((OVF,), jnp.int32),
            pltpu.VMEM((OVF,), jnp.float32),
            pltpu.SemaphoreType.DMA,
            pltpu.SemaphoreType.DMA,
        ],
    )
    def k(idx_hbm, val_hbm, g0_hbm, gout_hbm, slab,
          iba, vba, ibb, vbb, sti, stv, ovi, ovv, sema, semb):
        lo = _wid() * per_slab
        dumpvec = per_slab + lax.iota(jnp.int32, _L)
        lane0 = lax.iota(jnp.int32, _L) == 0
        pltpu.sync_copy(
            g0_hbm.at[pl.ds(lo, per_slab)], slab.at[pl.ds(0, per_slab)]
        )

        def issue(ci, ib, vb, sem):
            pltpu.async_copy(idx_hbm.at[pl.ds(ci * C, C)], ib, sem)
            pltpu.async_copy(val_hbm.at[pl.ds(ci * C, C)], vb, sem)

        def drain_dma(ib, vb, sem):
            pltpu.make_async_copy(idx_hbm.at[pl.ds(0, C)], ib, sem).wait()
            pltpu.make_async_copy(val_hbm.at[pl.ds(0, C)], vb, sem).wait()

        def compute(ib, vb):
            def pa(i, cnt):
                s = pl.ds(i * _L, _L)
                loc = ib[s] - lo
                vv = vb[s]
                msk = jnp.logical_and(loc >= 0, loc < per_slab)
                plsc.store_compressed(sti.at[pl.ds(cnt, _L)], loc, mask=msk)
                plsc.store_compressed(stv.at[pl.ds(cnt, _L)], vv, mask=msk)
                return cnt + plsc.all_reduce_population_count(msk)[0]

            cnt = lax.fori_loop(0, C // _L, pa, 0, unroll=8)

            sti[pl.ds(cnt, _L)] = dumpvec
            stv[pl.ds(cnt, _L)] = jnp.full((_L,), -1.0, jnp.float32)
            nb = cnt // _L + 1

            def pb(i, cnt2):
                s = pl.ds(i * _L, _L)
                lc = sti[s]
                vv = stv[s]
                g = plsc.load_gather(slab, [lc])
                plsc.store_scatter(slab, [lc], jnp.maximum(g, vv))
                g2 = plsc.load_gather(slab, [lc])
                bad = jnp.logical_and(g2 < vv, lc < per_slab)
                plsc.store_compressed(ovi.at[pl.ds(cnt2, _L)], lc, mask=bad)
                plsc.store_compressed(ovv.at[pl.ds(cnt2, _L)], vv, mask=bad)
                return cnt2 + plsc.all_reduce_population_count(bad)[0]

            cnt2 = lax.fori_loop(0, nb, pb, 0)

            def dbody(e):
                iivec = jnp.bitwise_and(ovi[pl.ds(e, _L)], per_slab - 1)
                uvec = ovv[pl.ds(e, _L)]
                g = plsc.load_gather(slab, [iivec])
                plsc.store_scatter(
                    slab, [iivec], jnp.maximum(g, uvec), mask=lane0
                )
                return e + 1

            lax.while_loop(lambda e: e < cnt2, dbody, 0)

        issue(0, iba, vba, sema)

        def pair(kk, carry):
            issue(2 * kk + 1, ibb, vbb, semb)
            drain_dma(iba, vba, sema)
            compute(iba, vba)
            issue(2 * kk + 2, iba, vba, sema)
            drain_dma(ibb, vbb, semb)
            compute(ibb, vbb)
            return carry

        lax.fori_loop(0, NP - 1, pair, 0)
        issue(NCH - 1, ibb, vbb, semb)
        drain_dma(iba, vba, sema)
        compute(iba, vba)
        drain_dma(ibb, vbb, semb)
        compute(ibb, vbb)

        pltpu.sync_copy(
            slab.at[pl.ds(0, per_slab)], gout_hbm.at[pl.ds(lo, per_slab)]
        )

    return k


def _make_gather_kernel(N, NV):
    C = 8192
    per = N // _NW
    NCH = per // C

    @functools.partial(
        pl.kernel,
        mesh=_mesh(),
        compiler_params=pltpu.CompilerParams(needs_layout_passes=False),
        out_type=jax.ShapeDtypeStruct((N,), jnp.float32),
        scratch_types=[
            pltpu.VMEM((C,), jnp.int32),
            pltpu.VMEM((C,), jnp.float32),
            pltpu.SemaphoreType.DMA,
        ],
    )
    def k(g_hbm, idx_hbm, out_hbm, ib, ob, sem):
        base = _wid() * per

        def chunk(ci, carry):
            off = base + ci * C
            pltpu.sync_copy(idx_hbm.at[pl.ds(off, C)], ib)
            pltpu.async_copy(g_hbm.at[ib], ob, sem).wait()
            pltpu.sync_copy(ob, out_hbm.at[pl.ds(off, C)])
            return carry

        lax.fori_loop(0, NCH, chunk, 0)

    return k


def kernel(positions, new_levels, grid):
    N = positions.shape[0]
    res = grid.shape[0]
    NV = res * res * res

    x = positions[:, 0]
    y = positions[:, 1]
    z = positions[:, 2]

    idx = _make_idx_kernel(N, res)(x, y, z)
    gridf = grid.reshape(NV)
    g_final = _make_scatter_kernel(N, NV)(idx, new_levels, gridf)
    out = _make_gather_kernel(N, NV)(g_final, idx)
    return out.reshape(N, 1)

# --- scband reference (transcript-rebuilt; emitter-appended) ---
"""Pipeline reference for scband-frequency-grid-manager-11201274708328 (READ-ONLY COPY).

The authoritative reference and input builder live on the scoring server;
editing this copy changes nothing except your own understanding.
"""

import jax, jax.numpy as jnp
import numpy as np

RES = 128
AABB_MIN = 0.0
AABB_MAX = 1.0
NUM_LEVELS = 16
N = 2097152


def setup_inputs(seed: int = 0) -> dict:
    key = jax.random.key(seed)
    k1, k2 = jax.random.split(key)
    positions = jax.random.uniform(k1, (N, 3), dtype=jnp.float32)  # inside aabb [0,1]^3
    # frequency levels in [0, num_levels-1)
    new_levels = jax.random.uniform(k2, (N,), dtype=jnp.float32) * (NUM_LEVELS - 1)
    grid = jnp.zeros((RES, RES, RES), dtype=jnp.float32)
    return {"positions": positions, "new_levels": new_levels, "grid": grid}


def reference(positions, new_levels, grid):
    # world_to_grid: normalize into [0, res-1] and clamp
    res = grid.shape[0]
    norm_pos = (positions - AABB_MIN) / (AABB_MAX - AABB_MIN)
    grid_coords = jnp.clip(norm_pos * (res - 1), 0.0, res - 1.001)
    # grid_to_indices: truncate to long (values are non-negative after clamp)
    idx = grid_coords.astype(jnp.int32)
    flat_indices = idx[:, 0] * res * res + idx[:, 1] * res + idx[:, 2]
    # update_max: scatter-reduce amax into the flattened grid (include_self=True)
    flat_grid = grid.reshape(-1)
    flat_grid = flat_grid.at[flat_indices].max(new_levels.reshape(-1))
    # query: nearest-neighbor gather at the same positions, returns (N, 1)
    levels = flat_grid[flat_indices]
    return levels[:, None]

if __name__ == "__main__":
    import jax
    _d = setup_inputs()
    print(jax.jit(kernel)(*tuple(_d.values())))

</pallas_src>

<mosaic_0001>
#map = affine_map<(d0, d1) -> (0)>
module attributes {stable_mosaic.version = 14 : i64} {
  func.func @_rewritten_body(%arg0: i32, %arg1: i32, %arg2: memref<2097152xf32, #tpu.memory_space<hbm>>, %arg3: memref<2097152xf32, #tpu.memory_space<hbm>>, %arg4: memref<2097152xf32, #tpu.memory_space<hbm>>, %arg5: memref<1xf32, #tpu.memory_space<hbm>>, %arg6: memref<1xf32, #tpu.memory_space<hbm>>, %arg7: memref<2097152xi32, #tpu.memory_space<hbm>>, %arg8: memref<16384xf32, #tpu.memory_space<vmem>>, %arg9: memref<16384xf32, #tpu.memory_space<vmem>>, %arg10: memref<16384xf32, #tpu.memory_space<vmem>>, %arg11: memref<16384xi32, #tpu.memory_space<vmem>>) attributes {dimension_semantics = [#tpu.dimension_semantics<core_parallel>, #tpu.dimension_semantics<subcore_parallel>], iteration_bounds = array<i64: 2, 16>, scalar_prefetch = 0 : i64, scratch_operands = 4 : i64, tpu.core_type = #tpu.core_type<sc_vector_subcore>, window_params = [{transform_indices = #map}, {transform_indices = #map}, {transform_indices = #map}, {transform_indices = #map}, {transform_indices = #map}, {transform_indices = #map}]} {
    %empty_ref3A = memref.alloca() : memref<16xf32, #tpu.memory_space<vmem>>
    %empty_ref3A_0 = memref.alloca() : memref<16xf32, #tpu.memory_space<vmem>>
    "tpu.region"() ({
      %run_scoped3A = tpu.sem_alloc : memref<!tpu.dma_semaphore, #tpu.memory_space<semaphore_mem>>
      %dma_start3A = arith.constant 0 : i32
      %dma_start3A_14 = tpu.memref_slice %empty_ref3A[%dma_start3A] : memref<16xf32, #tpu.memory_space<vmem>> -> memref<1xf32, #tpu.memory_space<vmem>>
      %dma_start3A_15 = arith.constant 0 : i32
      %dma_start3A_16 = tpu.memref_slice %empty_ref3A[%dma_start3A_15] : memref<16xf32, #tpu.memory_space<vmem>> -> memref<1xf32, #tpu.memory_space<vmem>>
      tpu.enqueue_dma source(%arg5 : memref<1xf32, #tpu.memory_space<hbm>>) target(%dma_start3A_16 : memref<1xf32, #tpu.memory_space<vmem>>) target_semaphore(%run_scoped3A : memref<!tpu.dma_semaphore, #tpu.memory_space<semaphore_mem>>)
      %dma_start3A_17 = arith.constant 0 : i32
      %dma_start3A_18 = tpu.memref_slice %empty_ref3A_0[%dma_start3A_17] : memref<16xf32, #tpu.memory_space<vmem>> -> memref<1xf32, #tpu.memory_space<vmem>>
      %dma_start3A_19 = arith.constant 0 : i32
      %dma_start3A_20 = tpu.memref_slice %empty_ref3A_0[%dma_start3A_19] : memref<16xf32, #tpu.memory_space<vmem>> -> memref<1xf32, #tpu.memory_space<vmem>>
      tpu.enqueue_dma source(%arg6 : memref<1xf32, #tpu.memory_space<hbm>>) target(%dma_start3A_20 : memref<1xf32, #tpu.memory_space<vmem>>) target_semaphore(%run_scoped3A : memref<!tpu.dma_semaphore, #tpu.memory_space<semaphore_mem>>)
      %dma_wait3A = arith.constant 0 : i32
      %dma_wait3A_21 = tpu.memref_slice %empty_ref3A[%dma_wait3A] : memref<16xf32, #tpu.memory_space<vmem>> -> memref<1xf32, #tpu.memory_space<vmem>>
      %dma_wait3A_22 = arith.constant 0 : i32
      %dma_wait3A_23 = tpu.memref_slice %empty_ref3A[%dma_wait3A_22] : memref<16xf32, #tpu.memory_space<vmem>> -> memref<1xf32, #tpu.memory_space<vmem>>
      tpu.wait_dma2 semaphore(%run_scoped3A : memref<!tpu.dma_semaphore, #tpu.memory_space<semaphore_mem>>) src(%arg5 : memref<1xf32, #tpu.memory_space<hbm>>) dst(%dma_wait3A_23 : memref<1xf32, #tpu.memory_space<vmem>>)
      %dma_wait3A_24 = arith.constant 0 : i32
      %dma_wait3A_25 = tpu.memref_slice %empty_ref3A_0[%dma_wait3A_24] : memref<16xf32, #tpu.memory_space<vmem>> -> memref<1xf32, #tpu.memory_space<vmem>>
      %dma_wait3A_26 = arith.constant 0 : i32
      %dma_wait3A_27 = tpu.memref_slice %empty_ref3A_0[%dma_wait3A_26] : memref<16xf32, #tpu.memory_space<vmem>> -> memref<1xf32, #tpu.memory_space<vmem>>
      tpu.wait_dma2 semaphore(%run_scoped3A : memref<!tpu.dma_semaphore, #tpu.memory_space<semaphore_mem>>) src(%arg6 : memref<1xf32, #tpu.memory_space<hbm>>) dst(%dma_wait3A_27 : memref<1xf32, #tpu.memory_space<vmem>>)
      tpu.yield
    }) : () -> ()
    %get3A = arith.constant 0 : index
    %get3A_1 = tpu.vector_load %empty_ref3A[%get3A] {strides = array<i32>} : memref<16xf32, #tpu.memory_space<vmem>>, vector<16xf32>,
    %slice3A = vector.extract_strided_slice %get3A_1 {offsets = [0], sizes = [1], strides = [1]} : vector<16xf32> to vector<1xf32>
    %squeeze3A = vector.extract %slice3A[0] : f32 from vector<1xf32>
    %get3A_2 = arith.constant 0 : index
    %get3A_3 = tpu.vector_load %empty_ref3A_0[%get3A_2] {strides = array<i32>} : memref<16xf32, #tpu.memory_space<vmem>>, vector<16xf32>,
    %slice3A_4 = vector.extract_strided_slice %get3A_3 {offsets = [0], sizes = [1], strides = [1]} : vector<16xf32> to vector<1xf32>
    %squeeze3A_5 = vector.extract %slice3A_4[0] : f32 from vector<1xf32>
    %mul3A = arith.constant 2 : i32
    %mul3A_6 = arith.muli %arg1, %mul3A : i32
    %add3A = arith.addi %mul3A_6, %arg0 : i32
    %mul3A_7 = arith.constant 65536 : i32
    %mul3A_8 = arith.muli %add3A, %mul3A_7 : i32
    %scan3A = arith.constant 0 : i32
    %scan3A_9 = arith.constant 0 : i32
    %scan3A_10 = arith.constant 4 : i32
    %scan3A_11 = arith.addi %scan3A_9, %scan3A_10 : i32
    %scan3A_12 = arith.constant 1 : i32
    scf.for %scan3A_14 = %scan3A_9 to %scan3A_11 step %scan3A_12  : i32 {
      %mul3A_15 = arith.constant 16384 : i32
      %mul3A_16 = arith.muli %scan3A_14, %mul3A_15 : i32
      %add3A_17 = arith.addi %mul3A_8, %mul3A_16 : i32
      "tpu.region"() ({
        %run_scoped3A = tpu.sem_alloc : memref<!tpu.dma_semaphore, #tpu.memory_space<semaphore_mem>>
        %dma_start3A = tpu.memref_slice %arg2[%add3A_17] : memref<2097152xf32, #tpu.memory_space<hbm>> -> memref<16384xf32, #tpu.memory_space<hbm>>
        %dma_start3A_24 = tpu.memref_slice %arg2[%add3A_17] : memref<2097152xf32, #tpu.memory_space<hbm>> -> memref<16384xf32, #tpu.memory_space<hbm>>
        tpu.enqueue_dma source(%dma_start3A_24 : memref<16384xf32, #tpu.memory_space<hbm>>) target(%arg8 : memref<16384xf32, #tpu.memory_space<vmem>>) target_semaphore(%run_scoped3A : memref<!tpu.dma_semaphore, #tpu.memory_space<semaphore_mem>>)
        %dma_wait3A = tpu.memref_slice %arg2[%add3A_17] : memref<2097152xf32, #tpu.memory_space<hbm>> -> memref<16384xf32, #tpu.memory_space<hbm>>
        %dma_wait3A_25 = tpu.memref_slice %arg2[%add3A_17] : memref<2097152xf32, #tpu.memory_space<hbm>> -> memref<16384xf32, #tpu.memory_space<hbm>>
        tpu.wait_dma2 semaphore(%run_scoped3A : memref<!tpu.dma_semaphore, #tpu.memory_space<semaphore_mem>>) src(%dma_wait3A_25 : memref<16384xf32, #tpu.memory_space<hbm>>) dst(%arg8 : memref<16384xf32, #tpu.memory_space<vmem>>)
        tpu.yield
      }) : () -> ()
      "tpu.region"() ({
        %run_scoped3A = tpu.sem_alloc : memref<!tpu.dma_semaphore, #tpu.memory_space<semaphore_mem>>
        %dma_start3A = tpu.memref_slice %arg3[%add3A_17] : memref<2097152xf32, #tpu.memory_space<hbm>> -> memref<16384xf32, #tpu.memory_space<hbm>>
        %dma_start3A_24 = tpu.memref_slice %arg3[%add3A_17] : memref<2097152xf32, #tpu.memory_space<hbm>> -> memref<16384xf32, #tpu.memory_space<hbm>>
        tpu.enqueue_dma source(%dma_start3A_24 : memref<16384xf32, #tpu.memory_space<hbm>>) target(%arg9 : memref<16384xf32, #tpu.memory_space<vmem>>) target_semaphore(%run_scoped3A : memref<!tpu.dma_semaphore, #tpu.memory_space<semaphore_mem>>)
        %dma_wait3A = tpu.memref_slice %arg3[%add3A_17] : memref<2097152xf32, #tpu.memory_space<hbm>> -> memref<16384xf32, #tpu.memory_space<hbm>>
        %dma_wait3A_25 = tpu.memref_slice %arg3[%add3A_17] : memref<2097152xf32, #tpu.memory_space<hbm>> -> memref<16384xf32, #tpu.memory_space<hbm>>
        tpu.wait_dma2 semaphore(%run_scoped3A : memref<!tpu.dma_semaphore, #tpu.memory_space<semaphore_mem>>) src(%dma_wait3A_25 : memref<16384xf32, #tpu.memory_space<hbm>>) dst(%arg9 : memref<16384xf32, #tpu.memory_space<vmem>>)
        tpu.yield
      }) : () -> ()
      "tpu.region"() ({
        %run_scoped3A = tpu.sem_alloc : memref<!tpu.dma_semaphore, #tpu.memory_space<semaphore_mem>>
        %dma_start3A = tpu.memref_slice %arg4[%add3A_17] : memref<2097152xf32, #tpu.memory_space<hbm>> -> memref<16384xf32, #tpu.memory_space<hbm>>
        %dma_start3A_24 = tpu.memref_slice %arg4[%add3A_17] : memref<2097152xf32, #tpu.memory_space<hbm>> -> memref<16384xf32, #tpu.memory_space<hbm>>
        tpu.enqueue_dma source(%dma_start3A_24 : memref<16384xf32, #tpu.memory_space<hbm>>) target(%arg10 : memref<16384xf32, #tpu.memory_space<vmem>>) target_semaphore(%run_scoped3A : memref<!tpu.dma_semaphore, #tpu.memory_space<semaphore_mem>>)
        %dma_wait3A = tpu.memref_slice %arg4[%add3A_17] : memref<2097152xf32, #tpu.memory_space<hbm>> -> memref<16384xf32, #tpu.memory_space<hbm>>
        %dma_wait3A_25 = tpu.memref_slice %arg4[%add3A_17] : memref<2097152xf32, #tpu.memory_space<hbm>> -> memref<16384xf32, #tpu.memory_space<hbm>>
        tpu.wait_dma2 semaphore(%run_scoped3A : memref<!tpu.dma_semaphore, #tpu.memory_space<semaphore_mem>>) src(%dma_wait3A_25 : memref<16384xf32, #tpu.memory_space<hbm>>) dst(%arg10 : memref<16384xf32, #tpu.memory_space<vmem>>)
        tpu.yield
      }) : () -> ()
      %scan3A_18 = arith.constant 0 : i32
      %scan3A_19 = arith.constant 0 : i32
      %scan3A_20 = arith.constant 1024 : i32
      %scan3A_21 = arith.addi %scan3A_19, %scan3A_20 : i32
      %scan3A_22 = arith.constant 1 : i32
      scf.for %scan3A_24 = %scan3A_19 to %scan3A_21 step %scan3A_22  : i32 {
        %mul3A_25 = arith.constant 16 : i32
        %mul3A_26 = arith.muli %scan3A_24, %mul3A_25 : i32
        %get3A_27 = arith.index_cast %mul3A_26 : i32 to index
        %get3A_28 = tpu.vector_load %arg8[%get3A_27] {strides = array<i32>} : memref<16384xf32, #tpu.memory_space<vmem>>, vector<16xf32>,
        %mul3A_29 = vector.broadcast %squeeze3A : f32 to vector<16xf32>
        %mul3A_30 = arith.mulf %get3A_28, %mul3A_29 : vector<16xf32>
        %jit3A = arith.constant 0.000000e+00 : f32
        %max3A = vector.broadcast %jit3A : f32 to vector<16xf32>
        %max3A_31 = arith.maximumf %max3A, %mul3A_30 : vector<16xf32>
        %min3A = vector.broadcast %squeeze3A_5 : f32 to vector<16xf32>
        %min3A_32 = arith.minimumf %min3A, %max3A_31 : vector<16xf32>
        %convert_element_type3A = arith.fptosi %min3A_32 : vector<16xf32> to vector<16xi32>
        %get3A_33 = arith.index_cast %mul3A_26 : i32 to index
        %get3A_34 = tpu.vector_load %arg9[%get3A_33] {strides = array<i32>} : memref<16384xf32, #tpu.memory_space<vmem>>, vector<16xf32>,
        %mul3A_35 = vector.broadcast %squeeze3A : f32 to vector<16xf32>
        %mul3A_36 = arith.mulf %get3A_34, %mul3A_35 : vector<16xf32>
        %jit3A_37 = arith.constant 0.000000e+00 : f32
        %max3A_38 = vector.broadcast %jit3A_37 : f32 to vector<16xf32>
        %max3A_39 = arith.maximumf %max3A_38, %mul3A_36 : vector<16xf32>
        %min3A_40 = vector.broadcast %squeeze3A_5 : f32 to vector<16xf32>
        %min3A_41 = arith.minimumf %min3A_40, %max3A_39 : vector<16xf32>
        %convert_element_type3A_42 = arith.fptosi %min3A_41 : vector<16xf32> to vector<16xi32>
        %get3A_43 = arith.index_cast %mul3A_26 : i32 to index
        %get3A_44 = tpu.vector_load %arg10[%get3A_43] {strides = array<i32>} : memref<16384xf32, #tpu.memory_space<vmem>>, vector<16xf32>,
        %mul3A_45 = vector.broadcast %squeeze3A : f32 to vector<16xf32>
        %mul3A_46 = arith.mulf %get3A_44, %mul3A_45 : vector<16xf32>
        %jit3A_47 = arith.constant 0.000000e+00 : f32
        %max3A_48 = vector.broadcast %jit3A_47 : f32 to vector<16xf32>
        %max3A_49 = arith.maximumf %max3A_48, %mul3A_46 : vector<16xf32>
        %min3A_50 = vector.broadcast %squeeze3A_5 : f32 to vector<16xf32>
        %min3A_51 = arith.minimumf %min3A_50, %max3A_49 : vector<16xf32>
        %convert_element_type3A_52 = arith.fptosi %min3A_51 : vector<16xf32> to vector<16xi32>
        %mul3A_53 = arith.constant 16384 : i32
        %mul3A_54 = vector.broadcast %mul3A_53 : i32 to vector<16xi32>
        %mul3A_55 = arith.muli %convert_element_type3A, %mul3A_54 : vector<16xi32>
        %mul3A_56 = arith.constant 128 : i32
        %mul3A_57 = vector.broadcast %mul3A_56 : i32 to vector<16xi32>
        %mul3A_58 = arith.muli %convert_element_type3A_42, %mul3A_57 : vector<16xi32>
        %add3A_59 = arith.addi %mul3A_55, %mul3A_58 : vector<16xi32>
        %add3A_60 = arith.addi %add3A_59, %convert_element_type3A_52 : vector<16xi32>
        %swap3A = arith.index_cast %mul3A_26 : i32 to index
        %swap3A_61 = tpu.vector_load %arg11[%swap3A] {strides = array<i32>} : memref<16384xi32, #tpu.memory_space<vmem>>, vector<16xi32>,
        tpu.vector_store %arg11[%swap3A], %add3A_60 {strides = array<i32>} : memref<16384xi32, #tpu.memory_space<vmem>>, vector<16xi32>,
      }
      %scan3A_23 = arith.constant 1024 : i32
      "tpu.region"() ({
        %run_scoped3A = tpu.sem_alloc : memref<!tpu.dma_semaphore, #tpu.memory_space<semaphore_mem>>
        %dma_start3A = tpu.memref_slice %arg7[%add3A_17] : memref<2097152xi32, #tpu.memory_space<hbm>> -> memref<16384xi32, #tpu.memory_space<hbm>>
        %dma_start3A_24 = tpu.memref_slice %arg7[%add3A_17] : memref<2097152xi32, #tpu.memory_space<hbm>> -> memref<16384xi32, #tpu.memory_space<hbm>>
        tpu.enqueue_dma source(%arg11 : memref<16384xi32, #tpu.memory_space<vmem>>) target(%dma_start3A_24 : memref<16384xi32, #tpu.memory_space<hbm>>) target_semaphore(%run_scoped3A : memref<!tpu.dma_semaphore, #tpu.memory_space<semaphore_mem>>)
        %dma_wait3A = tpu.memref_slice %arg7[%add3A_17] : memref<2097152xi32, #tpu.memory_space<hbm>> -> memref<16384xi32, #tpu.memory_space<hbm>>
        %dma_wait3A_25 = tpu.memref_slice %arg7[%add3A_17] : memref<2097152xi32, #tpu.memory_space<hbm>> -> memref<16384xi32, #tpu.memory_space<hbm>>
        tpu.wait_dma2 semaphore(%run_scoped3A : memref<!tpu.dma_semaphore, #tpu.memory_space<semaphore_mem>>) src(%arg11 : memref<16384xi32, #tpu.memory_space<vmem>>) dst(%dma_wait3A_25 : memref<16384xi32, #tpu.memory_space<hbm>>)
        tpu.yield
      }) : () -> ()
    }
    %scan3A_13 = arith.constant 4 : i32
    return
  }
}

#map = affine_map<(d0, d1) -> (0)>
module attributes {stable_mosaic.version = 14 : i64} {
  func.func @k(%arg0: i32, %arg1: i32, %arg2: memref<2097152xi32, #tpu.memory_space<hbm>>, %arg3: memref<2097152xf32, #tpu.memory_space<hbm>>, %arg4: memref<2097152xf32, #tpu.memory_space<hbm>>, %arg5: memref<2097152xf32, #tpu.memory_space<hbm>>, %arg6: memref<65552xf32, #tpu.memory_space<vmem>>, %arg7: memref<4096xi32, #tpu.memory_space<vmem>>, %arg8: memref<4096xf32, #tpu.memory_space<vmem>>, %arg9: memref<4096xi32, #tpu.memory_space<vmem>>, %arg10: memref<4096xf32, #tpu.memory_space<vmem>>, %arg11: memref<4112xi32, #tpu.memory_space<vmem>>, %arg12: memref<4112xf32, #tpu.memory_space<vmem>>, %arg13: memref<4112xi32, #tpu.memory_space<vmem>>, %arg14: memref<4112xf32, #tpu.memory_space<vmem>>, %arg15: memref<!tpu.dma_semaphore, #tpu.memory_space<semaphore_mem>>, %arg16: memref<!tpu.dma_semaphore, #tpu.memory_space<semaphore_mem>>) attributes {dimension_semantics = [#tpu.dimension_semantics<core_parallel>, #tpu.dimension_semantics<subcore_parallel>], iteration_bounds = array<i64: 2, 16>, scalar_prefetch = 0 : i64, scratch_operands = 11 : i64, tpu.core_type = #tpu.core_type<sc_vector_subcore>, window_params = [{transform_indices = #map}, {transform_indices = #map}, {transform_indices = #map}, {transform_indices = #map}]} {
    %mul3A = arith.constant 2 : i32
    %mul3A_0 = arith.muli %arg1, %mul3A : i32
    %add3A = arith.addi %mul3A_0, %arg0 : i32
    %mul3A_1 = arith.constant 65536 : i32
    %mul3A_2 = arith.muli %add3A, %mul3A_1 : i32
    %iota3A = tpu.iota {dimensions = array<i32: 0>} : vector<16xi32>
    %add3A_3 = arith.constant 65536 : i32
    %add3A_4 = vector.broadcast %add3A_3 : i32 to vector<16xi32>
    %add3A_5 = arith.addi %add3A_4, %iota3A : vector<16xi32>
    %iota3A_6 = tpu.iota {dimensions = array<i32: 0>} : vector<16xi32>
    %eq3A = arith.constant 0 : i32
    %eq3A_7 = vector.broadcast %eq3A : i32 to vector<16xi32>
    %eq3A_8 = arith.cmpi eq, %iota3A_6, %eq3A_7 : vector<16xi32>
    "tpu.region"() ({
      %run_scoped3A = tpu.sem_alloc : memref<!tpu.dma_semaphore, #tpu.memory_space<semaphore_mem>>
      %dma_start3A_139 = arith.constant 0 : i32
      %dma_start3A_140 = tpu.memref_slice %arg6[%dma_start3A_139] : memref<65552xf32, #tpu.memory_space<vmem>> -> memref<65536xf32, #tpu.memory_space<vmem>>
      %dma_start3A_141 = tpu.memref_slice %arg4[%mul3A_2] : memref<2097152xf32, #tpu.memory_space<hbm>> -> memref<65536xf32, #tpu.memory_space<hbm>>
      %dma_start3A_142 = arith.constant 0 : i32
      %dma_start3A_143 = tpu.memref_slice %arg6[%dma_start3A_142] : memref<65552xf32, #tpu.memory_space<vmem>> -> memref<65536xf32, #tpu.memory_space<vmem>>
      %dma_start3A_144 = tpu.memref_slice %arg4[%mul3A_2] : memref<2097152xf32, #tpu.memory_space<hbm>> -> memref<65536xf32, #tpu.memory_space<hbm>>
      tpu.enqueue_dma source(%dma_start3A_144 : memref<65536xf32, #tpu.memory_space<hbm>>) target(%dma_start3A_143 : memref<65536xf32, #tpu.memory_space<vmem>>) target_semaphore(%run_scoped3A : memref<!tpu.dma_semaphore, #tpu.memory_space<semaphore_mem>>)
      %dma_wait3A_145 = arith.constant 0 : i32
      %dma_wait3A_146 = tpu.memref_slice %arg6[%dma_wait3A_145] : memref<65552xf32, #tpu.memory_space<vmem>> -> memref<65536xf32, #tpu.memory_space<vmem>>
      %dma_wait3A_147 = tpu.memref_slice %arg4[%mul3A_2] : memref<2097152xf32, #tpu.memory_space<hbm>> -> memref<65536xf32, #tpu.memory_space<hbm>>
      %dma_wait3A_148 = arith.constant 0 : i32
      %dma_wait3A_149 = tpu.memref_slice %arg6[%dma_wait3A_148] : memref<65552xf32, #tpu.memory_space<vmem>> -> memref<65536xf32, #tpu.memory_space<vmem>>
      %dma_wait3A_150 = tpu.memref_slice %arg4[%mul3A_2] : memref<2097152xf32, #tpu.memory_space<hbm>> -> memref<65536xf32, #tpu.memory_space<hbm>>
      tpu.wait_dma2 semaphore(%run_scoped3A : memref<!tpu.dma_semaphore, #tpu.memory_space<semaphore_mem>>) src(%dma_wait3A_150 : memref<65536xf32, #tpu.memory_space<hbm>>) dst(%dma_wait3A_149 : memref<65536xf32, #tpu.memory_space<vmem>>)
      tpu.yield
    }) : () -> ()
    %dma_start3A = arith.constant 0 : i32
    %dma_start3A_9 = tpu.memref_slice %arg2[%dma_start3A] : memref<2097152xi32, #tpu.memory_space<hbm>> -> memref<4096xi32, #tpu.memory_space<hbm>>
    %dma_start3A_10 = arith.constant 0 : i32
    %dma_start3A_11 = tpu.memref_slice %arg2[%dma_start3A_10] : memref<2097152xi32, #tpu.memory_space<hbm>> -> memref<4096xi32, #tpu.memory_space<hbm>>
    tpu.enqueue_dma source(%dma_start3A_11 : memref<4096xi32, #tpu.memory_space<hbm>>) target(%arg7 : memref<4096xi32, #tpu.memory_space<vmem>>) target_semaphore(%arg15 : memref<!tpu.dma_semaphore, #tpu.memory_space<semaphore_mem>>)
    %dma_start3A_12 = arith.constant 0 : i32
    %dma_start3A_13 = tpu.memref_slice %arg3[%dma_start3A_12] : memref<2097152xf32, #tpu.memory_space<hbm>> -> memref<4096xf32, #tpu.memory_space<hbm>>
    %dma_start3A_14 = arith.constant 0 : i32
    %dma_start3A_15 = tpu.memref_slice %arg3[%dma_start3A_14] : memref<2097152xf32, #tpu.memory_space<hbm>> -> memref<4096xf32, #tpu.memory_space<hbm>>
    tpu.enqueue_dma source(%dma_start3A_15 : memref<4096xf32, #tpu.memory_space<hbm>>) target(%arg8 : memref<4096xf32, #tpu.memory_space<vmem>>) target_semaphore(%arg15 : memref<!tpu.dma_semaphore, #tpu.memory_space<semaphore_mem>>)
    %scan3A = arith.constant 0 : i32
    %scan3A_16 = arith.constant 0 : i32
    %scan3A_17 = arith.constant 255 : i32
    %scan3A_18 = arith.addi %scan3A_16, %scan3A_17 : i32
    %scan3A_19 = arith.constant 1 : i32
    scf.for %scan3A_139 = %scan3A_16 to %scan3A_18 step %scan3A_19  : i32 {
      %mul3A_140 = arith.constant 2 : i32
      %mul3A_141 = arith.muli %mul3A_140, %scan3A_139 : i32
      %add3A_142 = arith.constant 1 : i32
      %add3A_143 = arith.addi %mul3A_141, %add3A_142 : i32
      %mul3A_144 = arith.constant 4096 : i32
      %mul3A_145 = arith.muli %add3A_143, %mul3A_144 : i32
      %dma_start3A_146 = tpu.memref_slice %arg2[%mul3A_145] : memref<2097152xi32, #tpu.memory_space<hbm>> -> memref<4096xi32, #tpu.memory_space<hbm>>
      %dma_start3A_147 = tpu.memref_slice %arg2[%mul3A_145] : memref<2097152xi32, #tpu.memory_space<hbm>> -> memref<4096xi32, #tpu.memory_space<hbm>>
      tpu.enqueue_dma source(%dma_start3A_147 : memref<4096xi32, #tpu.memory_space<hbm>>) target(%arg9 : memref<4096xi32, #tpu.memory_space<vmem>>) target_semaphore(%arg16 : memref<!tpu.dma_semaphore, #tpu.memory_space<semaphore_mem>>)
      %mul3A_148 = arith.constant 4096 : i32
      %mul3A_149 = arith.muli %add3A_143, %mul3A_148 : i32
      %dma_start3A_150 = tpu.memref_slice %arg3[%mul3A_149] : memref<2097152xf32, #tpu.memory_space<hbm>> -> memref<4096xf32, #tpu.memory_space<hbm>>
      %dma_start3A_151 = tpu.memref_slice %arg3[%mul3A_149] : memref<2097152xf32, #tpu.memory_space<hbm>> -> memref<4096xf32, #tpu.memory_space<hbm>>
      tpu.enqueue_dma source(%dma_start3A_151 : memref<4096xf32, #tpu.memory_space<hbm>>) target(%arg10 : memref<4096xf32, #tpu.memory_space<vmem>>) target_semaphore(%arg16 : memref<!tpu.dma_semaphore, #tpu.memory_space<semaphore_mem>>)
      %dma_wait3A_152 = arith.constant 0 : i32
      %dma_wait3A_153 = tpu.memref_slice %arg2[%dma_wait3A_152] : memref<2097152xi32, #tpu.memory_space<hbm>> -> memref<4096xi32, #tpu.memory_space<hbm>>
      %dma_wait3A_154 = arith.constant 0 : i32
      %dma_wait3A_155 = tpu.memref_slice %arg2[%dma_wait3A_154] : memref<2097152xi32, #tpu.memory_space<hbm>> -> memref<4096xi32, #tpu.memory_space<hbm>>
      tpu.wait_dma2 semaphore(%arg15 : memref<!tpu.dma_semaphore, #tpu.memory_space<semaphore_mem>>) src(%dma_wait3A_155 : memref<4096xi32, #tpu.memory_space<hbm>>) dst(%arg7 : memref<4096xi32, #tpu.memory_space<vmem>>)
      %dma_wait3A_156 = arith.constant 0 : i32
      %dma_wait3A_157 = tpu.memref_slice %arg3[%dma_wait3A_156] : memref<2097152xf32, #tpu.memory_space<hbm>> -> memref<4096xf32, #tpu.memory_space<hbm>>
      %dma_wait3A_158 = arith.constant 0 : i32
      %dma_wait3A_159 = tpu.memref_slice %arg3[%dma_wait3A_158] : memref<2097152xf32, #tpu.memory_space<hbm>> -> memref<4096xf32, #tpu.memory_space<hbm>>
      tpu.wait_dma2 semaphore(%arg15 : memref<!tpu.dma_semaphore, #tpu.memory_space<semaphore_mem>>) src(%dma_wait3A_159 : memref<4096xf32, #tpu.memory_space<hbm>>) dst(%arg8 : memref<4096xf32, #tpu.memory_space<vmem>>)
      %scan3A_160 = arith.constant 0 : i32
      %scan3A_161 = arith.constant 0 : i32
      %scan3A_162 = arith.constant 256 : i32
      %scan3A_163 = arith.addi %scan3A_161, %scan3A_162 : i32
      %scan3A_164 = arith.constant 8 : i32
      %scan3A_165 = scf.for %scan3A_286 = %scan3A_161 to %scan3A_163 step %scan3A_164 iter_args(%scan3A_287 = %scan3A_160) -> (i32)  : i32 {
        %mul3A_288 = arith.constant 16 : i32
        %mul3A_289 = arith.muli %scan3A_286, %mul3A_288 : i32
        %get3A = arith.index_cast %mul3A_289 : i32 to index
        %get3A_290 = tpu.vector_load %arg7[%get3A] {strides = array<i32>} : memref<4096xi32, #tpu.memory_space<vmem>>, vector<16xi32>,
        %sub3A_291 = vector.broadcast %mul3A_2 : i32 to vector<16xi32>
        %sub3A_292 = arith.subi %get3A_290, %sub3A_291 : vector<16xi32>
        %get3A_293 = arith.index_cast %mul3A_289 : i32 to index
        %get3A_294 = tpu.vector_load %arg8[%get3A_293] {strides = array<i32>} : memref<4096xf32, #tpu.memory_space<vmem>>, vector<16xf32>,
        %ge3A = arith.constant 0 : i32
        %ge3A_295 = vector.broadcast %ge3A : i32 to vector<16xi32>
        %ge3A_296 = arith.cmpi sge, %sub3A_292, %ge3A_295 : vector<16xi32>
        %lt3A = arith.constant 65536 : i32
        %lt3A_297 = vector.broadcast %lt3A : i32 to vector<16xi32>
        %lt3A_298 = arith.cmpi slt, %sub3A_292, %lt3A_297 : vector<16xi32>
        %and3A_299 = arith.andi %ge3A_296, %lt3A_298 : vector<16xi1>
        %swap3A_300 = arith.index_cast %scan3A_287 : i32 to index
        %swap3A_301 = tpu.vector_load %arg11[%swap3A_300] masked %and3A_299 {strides = array<i32>} : memref<4112xi32, #tpu.memory_space<vmem>>, vector<16xi32>, vector<16xi1>
        tpu.vector_store %arg11[%swap3A_300], %sub3A_292 masked %and3A_299 {strides = array<i32>} : memref<4112xi32, #tpu.memory_space<vmem>>, vector<16xi32>, vector<16xi1>
        %swap3A_302 = arith.index_cast %scan3A_287 : i32 to index
        %swap3A_303 = tpu.vector_load %arg12[%swap3A_302] masked %and3A_299 {strides = array<i32>} : memref<4112xf32, #tpu.memory_space<vmem>>, vector<16xf32>, vector<16xi1>
        tpu.vector_store %arg12[%swap3A_302], %get3A_294 masked %and3A_299 {strides = array<i32>} : memref<4112xf32, #tpu.memory_space<vmem>>, vector<16xf32>, vector<16xi1>
        %all_reduce_population_count3A = tpu.all_reduce %and3A_299 {dim = 0 : i64, kind = #tpu.reduction_kind<sum>} : vector<16xi1> -> vector<16xi32>
        %slice3A = vector.extract_strided_slice %all_reduce_population_count3A {offsets = [0], sizes = [1], strides = [1]} : vector<16xi32> to vector<1xi32>
        %squeeze3A = vector.extract %slice3A[0] : i32 from vector<1xi32>
        %add3A_304 = arith.addi %scan3A_287, %squeeze3A : i32
        %scan3A_305 = arith.constant 1 : i32
        %scan3A_306 = arith.addi %scan3A_286, %scan3A_305 : i32
        %mul3A_307 = arith.constant 16 : i32
        %mul3A_308 = arith.muli %scan3A_306, %mul3A_307 : i32
        %get3A_309 = arith.index_cast %mul3A_308 : i32 to index
        %get3A_310 = tpu.vector_load %arg7[%get3A_309] {strides = array<i32>} : memref<4096xi32, #tpu.memory_space<vmem>>, vector<16xi32>,
        %sub3A_311 = vector.broadcast %mul3A_2 : i32 to vector<16xi32>
        %sub3A_312 = arith.subi %get3A_310, %sub3A_311 : vector<16xi32>
        %get3A_313 = arith.index_cast %mul3A_308 : i32 to index
        %get3A_314 = tpu.vector_load %arg8[%get3A_313] {strides = array<i32>} : memref<4096xf32, #tpu.memory_space<vmem>>, vector<16xf32>,
        %ge3A_315 = arith.constant 0 : i32
        %ge3A_316 = vector.broadcast %ge3A_315 : i32 to vector<16xi32>
        %ge3A_317 = arith.cmpi sge, %sub3A_312, %ge3A_316 : vector<16xi32>
        %lt3A_318 = arith.constant 65536 : i32
        %lt3A_319 = vector.broadcast %lt3A_318 : i32 to vector<16xi32>
        %lt3A_320 = arith.cmpi slt, %sub3A_312, %lt3A_319 : vector<16xi32>
        %and3A_321 = arith.andi %ge3A_317, %lt3A_320 : vector<16xi1>
        %swap3A_322 = arith.index_cast %add3A_304 : i32 to index
        %swap3A_323 = tpu.vector_load %arg11[%swap3A_322] masked %and3A_321 {strides = array<i32>} : memref<4112xi32, #tpu.memory_space<vmem>>, vector<16xi32>, vector<16xi1>
        tpu.vector_store %arg11[%swap3A_322], %sub3A_312 masked %and3A_321 {strides = array<i32>} : memref<4112xi32, #tpu.memory_space<vmem>>, vector<16xi32>, vector<16xi1>
        %swap3A_324 = arith.index_cast %add3A_304 : i32 to index
        %swap3A_325 = tpu.vector_load %arg12[%swap3A_324] masked %and3A_321 {strides = array<i32>} : memref<4112xf32, #tpu.memory_space<vmem>>, vector<16xf32>, vector<16xi1>
        tpu.vector_store %arg12[%swap3A_324], %get3A_314 masked %and3A_321 {strides = array<i32>} : memref<4112xf32, #tpu.memory_space<vmem>>, vector<16xf32>, vector<16xi1>
        %all_reduce_population_count3A_326 = tpu.all_reduce %and3A_321 {dim = 0 : i64, kind = #tpu.reduction_kind<sum>} : vector<16xi1> -> vector<16xi32>
        %slice3A_327 = vector.extract_strided_slice %all_reduce_population_count3A_326 {offsets = [0], sizes = [1], strides = [1]} : vector<16xi32> to vector<1xi32>
        %squeeze3A_328 = vector.extract %slice3A_327[0] : i32 from vector<1xi32>
        %add3A_329 = arith.addi %add3A_304, %squeeze3A_328 : i32
        %scan3A_330 = arith.constant 2 : i32
        %scan3A_331 = arith.addi %scan3A_286, %scan3A_330 : i32
        %mul3A_332 = arith.constant 16 : i32
        %mul3A_333 = arith.muli %scan3A_331, %mul3A_332 : i32
        %get3A_334 = arith.index_cast %mul3A_333 : i32 to index
        %get3A_335 = tpu.vector_load %arg7[%get3A_334] {strides = array<i32>} : memref<4096xi32, #tpu.memory_space<vmem>>, vector<16xi32>,
        %sub3A_336 = vector.broadcast %mul3A_2 : i32 to vector<16xi32>
        %sub3A_337 = arith.subi %get3A_335, %sub3A_336 : vector<16xi32>
        %get3A_338 = arith.index_cast %mul3A_333 : i32 to index
        %get3A_339 = tpu.vector_load %arg8[%get3A_338] {strides = array<i32>} : memref<4096xf32, #tpu.memory_space<vmem>>, vector<16xf32>,
        %ge3A_340 = arith.constant 0 : i32
        %ge3A_341 = vector.broadcast %ge3A_340 : i32 to vector<16xi32>
        %ge3A_342 = arith.cmpi sge, %sub3A_337, %ge3A_341 : vector<16xi32>
        %lt3A_343 = arith.constant 65536 : i32
        %lt3A_344 = vector.broadcast %lt3A_343 : i32 to vector<16xi32>
        %lt3A_345 = arith.cmpi slt, %sub3A_337, %lt3A_344 : vector<16xi32>
        %and3A_346 = arith.andi %ge3A_342, %lt3A_345 : vector<16xi1>
        %swap3A_347 = arith.index_cast %add3A_329 : i32 to index
        %swap3A_348 = tpu.vector_load %arg11[%swap3A_347] masked %and3A_346 {strides = array<i32>} : memref<4112xi32, #tpu.memory_space<vmem>>, vector<16xi32>, vector<16xi1>
        tpu.vector_store %arg11[%swap3A_347], %sub3A_337 masked %and3A_346 {strides = array<i32>} : memref<4112xi32, #tpu.memory_space<vmem>>, vector<16xi32>, vector<16xi1>
        %swap3A_349 = arith.index_cast %add3A_329 : i32 to index
        %swap3A_350 = tpu.vector_load %arg12[%swap3A_349] masked %and3A_346 {strides = array<i32>} : memref<4112xf32, #tpu.memory_space<vmem>>, vector<16xf32>, vector<16xi1>
        tpu.vector_store %arg12[%swap3A_349], %get3A_339 masked %and3A_346 {strides = array<i32>} : memref<4112xf32, #tpu.memory_space<vmem>>, vector<16xf32>, vector<16xi1>
        %all_reduce_population_count3A_351 = tpu.all_reduce %and3A_346 {dim = 0 : i64, kind = #tpu.reduction_kind<sum>} : vector<16xi1> -> vector<16xi32>
        %slice3A_352 = vector.extract_strided_slice %all_reduce_population_count3A_351 {offsets = [0], sizes = [1], strides = [1]} : vector<16xi32> to vector<1xi32>
        %squeeze3A_353 = vector.extract %slice3A_352[0] : i32 from vector<1xi32>
        %add3A_354 = arith.addi %add3A_329, %squeeze3A_353 : i32
        %scan3A_355 = arith.constant 3 : i32
        %scan3A_356 = arith.addi %scan3A_286, %scan3A_355 : i32
        %mul3A_357 = arith.constant 16 : i32
        %mul3A_358 = arith.muli %scan3A_356, %mul3A_357 : i32
        %get3A_359 = arith.index_cast %mul3A_358 : i32 to index
        %get3A_360 = tpu.vector_load %arg7[%get3A_359] {strides = array<i32>} : memref<4096xi32, #tpu.memory_space<vmem>>, vector<16xi32>,
        %sub3A_361 = vector.broadcast %mul3A_2 : i32 to vector<16xi32>
        %sub3A_362 = arith.subi %get3A_360, %sub3A_361 : vector<16xi32>
        %get3A_363 = arith.index_cast %mul3A_358 : i32 to index
        %get3A_364 = tpu.vector_load %arg8[%get3A_363] {strides = array<i32>} : memref<4096xf32, #tpu.memory_space<vmem>>, vector<16xf32>,
        %ge3A_365 = arith.constant 0 : i32
        %ge3A_366 = vector.broadcast %ge3A_365 : i32 to vector<16xi32>
        %ge3A_367 = arith.cmpi sge, %sub3A_362, %ge3A_366 : vector<16xi32>
        %lt3A_368 = arith.constant 65536 : i32
        %lt3A_369 = vector.broadcast %lt3A_368 : i32 to vector<16xi32>
        %lt3A_370 = arith.cmpi slt, %sub3A_362, %lt3A_369 : vector<16xi32>
        %and3A_371 = arith.andi %ge3A_367, %lt3A_370 : vector<16xi1>
        %swap3A_372 = arith.index_cast %add3A_354 : i32 to index
        %swap3A_373 = tpu.vector_load %arg11[%swap3A_372] masked %and3A_371 {strides = array<i32>} : memref<4112xi32, #tpu.memory_space<vmem>>, vector<16xi32>, vector<16xi1>
        tpu.vector_store %arg11[%swap3A_372], %sub3A_362 masked %and3A_371 {strides = array<i32>} : memref<4112xi32, #tpu.memory_space<vmem>>, vector<16xi32>, vector<16xi1>
        %swap3A_374 = arith.index_cast %add3A_354 : i32 to index
        %swap3A_375 = tpu.vector_load %arg12[%swap3A_374] masked %and3A_371 {strides = array<i32>} : memref<4112xf32, #tpu.memory_space<vmem>>, vector<16xf32>, vector<16xi1>
        tpu.vector_store %arg12[%swap3A_374], %get3A_364 masked %and3A_371 {strides = array<i32>} : memref<4112xf32, #tpu.memory_space<vmem>>, vector<16xf32>, vector<16xi1>
        %all_reduce_population_count3A_376 = tpu.all_reduce %and3A_371 {dim = 0 : i64, kind = #tpu.reduction_kind<sum>} : vector<16xi1> -> vector<16xi32>
        %slice3A_377 = vector.extract_strided_slice %all_reduce_population_count3A_376 {offsets = [0], sizes = [1], strides = [1]} : vector<16xi32> to vector<1xi32>
        %squeeze3A_378 = vector.extract %slice3A_377[0] : i32 from vector<1xi32>
        %add3A_379 = arith.addi %add3A_354, %squeeze3A_378 : i32
        %scan3A_380 = arith.constant 4 : i32
        %scan3A_381 = arith.addi %scan3A_286, %scan3A_380 : i32
        %mul3A_382 = arith.constant 16 : i32
        %mul3A_383 = arith.muli %scan3A_381, %mul3A_382 : i32
        %get3A_384 = arith.index_cast %mul3A_383 : i32 to index
        %get3A_385 = tpu.vector_load %arg7[%get3A_384] {strides = array<i32>} : memref<4096xi32, #tpu.memory_space<vmem>>, vector<16xi32>,
        %sub3A_386 = vector.broadcast %mul3A_2 : i32 to vector<16xi32>
        %sub3A_387 = arith.subi %get3A_385, %sub3A_386 : vector<16xi32>
        %get3A_388 = arith.index_cast %mul3A_383 : i32 to index
        %get3A_389 = tpu.vector_load %arg8[%get3A_388] {strides = array<i32>} : memref<4096xf32, #tpu.memory_space<vmem>>, vector<16xf32>,
        %ge3A_390 = arith.constant 0 : i32
        %ge3A_391 = vector.broadcast %ge3A_390 : i32 to vector<16xi32>
        %ge3A_392 = arith.cmpi sge, %sub3A_387, %ge3A_391 : vector<16xi32>
        %lt3A_393 = arith.constant 65536 : i32
        %lt3A_394 = vector.broadcast %lt3A_393 : i32 to vector<16xi32>
        %lt3A_395 = arith.cmpi slt, %sub3A_387, %lt3A_394 : vector<16xi32>
        %and3A_396 = arith.andi %ge3A_392, %lt3A_395 : vector<16xi1>
        %swap3A_397 = arith.index_cast %add3A_379 : i32 to index
        %swap3A_398 = tpu.vector_load %arg11[%swap3A_397] masked %and3A_396 {strides = array<i32>} : memref<4112xi32, #tpu.memory_space<vmem>>, vector<16xi32>, vector<16xi1>
        tpu.vector_store %arg11[%swap3A_397], %sub3A_387 masked %and3A_396 {strides = array<i32>} : memref<4112xi32, #tpu.memory_space<vmem>>, vector<16xi32>, vector<16xi1>
        %swap3A_399 = arith.index_cast %add3A_379 : i32 to index
        %swap3A_400 = tpu.vector_load %arg12[%swap3A_399] masked %and3A_396 {strides = array<i32>} : memref<4112xf32, #tpu.memory_space<vmem>>, vector<16xf32>, vector<16xi1>
        tpu.vector_store %arg12[%swap3A_399], %get3A_389 masked %and3A_396 {strides = array<i32>} : memref<4112xf32, #tpu.memory_space<vmem>>, vector<16xf32>, vector<16xi1>
        %all_reduce_population_count3A_401 = tpu.all_reduce %and3A_396 {dim = 0 : i64, kind = #tpu.reduction_kind<sum>} : vector<16xi1> -> vector<16xi32>
        %slice3A_402 = vector.extract_strided_slice %all_reduce_population_count3A_401 {offsets = [0], sizes = [1], strides = [1]} : vector<16xi32> to vector<1xi32>
        %squeeze3A_403 = vector.extract %slice3A_402[0] : i32 from vector<1xi32>
        %add3A_404 = arith.addi %add3A_379, %squeeze3A_403 : i32
        %scan3A_405 = arith.constant 5 : i32
        %scan3A_406 = arith.addi %scan3A_286, %scan3A_405 : i32
        %mul3A_407 = arith.constant 16 : i32
        %mul3A_408 = arith.muli %scan3A_406, %mul3A_407 : i32
        %get3A_409 = arith.index_cast %mul3A_408 : i32 to index
        %get3A_410 = tpu.vector_load %arg7[%get3A_409] {strides = array<i32>} : memref<4096xi32, #tpu.memory_space<vmem>>, vector<16xi32>,
        %sub3A_411 = vector.broadcast %mul3A_2 : i32 to vector<16xi32>
        %sub3A_412 = arith.subi %get3A_410, %sub3A_411 : vector<16xi32>
        %get3A_413 = arith.index_cast %mul3A_408 : i32 to index
        %get3A_414 = tpu.vector_load %arg8[%get3A_413] {strides = array<i32>} : memref<4096xf32, #tpu.memory_space<vmem>>, vector<16xf32>,
        %ge3A_415 = arith.constant 0 : i32
        %ge3A_416 = vector.broadcast %ge3A_415 : i32 to vector<16xi32>
        %ge3A_417 = arith.cmpi sge, %sub3A_412, %ge3A_416 : vector<16xi32>
        %lt3A_418 = arith.constant 65536 : i32
        %lt3A_419 = vector.broadcast %lt3A_418 : i32 to vector<16xi32>
        %lt3A_420 = arith.cmpi slt, %sub3A_412, %lt3A_419 : vector<16xi32>
        %and3A_421 = arith.andi %ge3A_417, %lt3A_420 : vector<16xi1>
        %swap3A_422 = arith.index_cast %add3A_404 : i32 to index
        %swap3A_423 = tpu.vector_load %arg11[%swap3A_422] masked %and3A_421 {strides = array<i32>} : memref<4112xi32, #tpu.memory_space<vmem>>, vector<16xi32>, vector<16xi1>
        tpu.vector_store %arg11[%swap3A_422], %sub3A_412 masked %and3A_421 {strides = array<i32>} : memref<4112xi32, #tpu.memory_space<vmem>>, vector<16xi32>, vector<16xi1>
        %swap3A_424 = arith.index_cast %add3A_404 : i32 to index
        %swap3A_425 = tpu.vector_load %arg12[%swap3A_424] masked %and3A_421 {strides = array<i32>} : memref<4112xf32, #tpu.memory_space<vmem>>, vector<16xf32>, vector<16xi1>
        tpu.vector_store %arg12[%swap3A_424], %get3A_414 masked %and3A_421 {strides = array<i32>} : memref<4112xf32, #tpu.memory_space<vmem>>, vector<16xf32>, vector<16xi1>
        %all_reduce_population_count3A_426 = tpu.all_reduce %and3A_421 {dim = 0 : i64, kind = #tpu.reduction_kind<sum>} : vector<16xi1> -> vector<16xi32>
        %slice3A_427 = vector.extract_strided_slice %all_reduce_population_count3A_426 {offsets = [0], sizes = [1], strides = [1]} : vector<16xi32> to vector<1xi32>
        %squeeze3A_428 = vector.extract %slice3A_427[0] : i32 from vector<1xi32>
        %add3A_429 = arith.addi %add3A_404, %squeeze3A_428 : i32
        %scan3A_430 = arith.constant 6 : i32
        %scan3A_431 = arith.addi %scan3A_286, %scan3A_430 : i32
        %mul3A_432 = arith.constant 16 : i32
        %mul3A_433 = arith.muli %scan3A_431, %mul3A_432 : i32
        %get3A_434 = arith.index_cast %mul3A_433 : i32 to index
        %get3A_435 = tpu.vector_load %arg7[%get3A_434] {strides = array<i32>} : memref<4096xi32, #tpu.memory_space<vmem>>, vector<16xi32>,
        %sub3A_436 = vector.broadcast %mul3A_2 : i32 to vector<16xi32>
        %sub3A_437 = arith.subi %get3A_435, %sub3A_436 : vector<16xi32>
        %get3A_438 = arith.index_cast %mul3A_433 : i32 to index
        %get3A_439 = tpu.vector_load %arg8[%get3A_438] {strides = array<i32>} : memref<4096xf32, #tpu.memory_space<vmem>>, vector<16xf32>,
        %ge3A_440 = arith.constant 0 : i32
        %ge3A_441 = vector.broadcast %ge3A_440 : i32 to vector<16xi32>
        %ge3A_442 = arith.cmpi sge, %sub3A_437, %ge3A_441 : vector<16xi32>
        %lt3A_443 = arith.constant 65536 : i32
        %lt3A_444 = vector.broadcast %lt3A_443 : i32 to vector<16xi32>
        %lt3A_445 = arith.cmpi slt, %sub3A_437, %lt3A_444 : vector<16xi32>
        %and3A_446 = arith.andi %ge3A_442, %lt3A_445 : vector<16xi1>
        %swap3A_447 = arith.index_cast %add3A_429 : i32 to index
        %swap3A_448 = tpu.vector_load %arg11[%swap3A_447] masked %and3A_446 {strides = array<i32>} : memref<4112xi32, #tpu.memory_space<vmem>>, vector<16xi32>, vector<16xi1>
        tpu.vector_store %arg11[%swap3A_447], %sub3A_437 masked %and3A_446 {strides = array<i32>} : memref<4112xi32, #tpu.memory_space<vmem>>, vector<16xi32>, vector<16xi1>
        %swap3A_449 = arith.index_cast %add3A_429 : i32 to index
        %swap3A_450 = tpu.vector_load %arg12[%swap3A_449] masked %and3A_446 {strides = array<i32>} : memref<4112xf32, #tpu.memory_space<vmem>>, vector<16xf32>, vector<16xi1>
        tpu.vector_store %arg12[%swap3A_449], %get3A_439 masked %and3A_446 {strides = array<i32>} : memref<4112xf32, #tpu.memory_space<vmem>>, vector<16xf32>, vector<16xi1>
        %all_reduce_population_count3A_451 = tpu.all_reduce %and3A_446 {dim = 0 : i64, kind = #tpu.reduction_kind<sum>} : vector<16xi1> -> vector<16xi32>
        %slice3A_452 = vector.extract_strided_slice %all_reduce_population_count3A_451 {offsets = [0], sizes = [1], strides = [1]} : vector<16xi32> to vector<1xi32>
        %squeeze3A_453 = vector.extract %slice3A_452[0] : i32 from vector<1xi32>
        %add3A_454 = arith.addi %add3A_429, %squeeze3A_453 : i32
        %scan3A_455 = arith.constant 7 : i32
        %scan3A_456 = arith.addi %scan3A_286, %scan3A_455 : i32
        %mul3A_457 = arith.constant 16 : i32
        %mul3A_458 = arith.muli %scan3A_456, %mul3A_457 : i32
        %get3A_459 = arith.index_cast %mul3A_458 : i32 to index
        %get3A_460 = tpu.vector_load %arg7[%get3A_459] {strides = array<i32>} : memref<4096xi32, #tpu.memory_space<vmem>>, vector<16xi32>,
        %sub3A_461 = vector.broadcast %mul3A_2 : i32 to vector<16xi32>
        %sub3A_462 = arith.subi %get3A_460, %sub3A_461 : vector<16xi32>
        %get3A_463 = arith.index_cast %mul3A_458 : i32 to index
        %get3A_464 = tpu.vector_load %arg8[%get3A_463] {strides = array<i32>} : memref<4096xf32, #tpu.memory_space<vmem>>, vector<16xf32>,
        %ge3A_465 = arith.constant 0 : i32
        %ge3A_466 = vector.broadcast %ge3A_465 : i32 to vector<16xi32>
        %ge3A_467 = arith.cmpi sge, %sub3A_462, %ge3A_466 : vector<16xi32>
        %lt3A_468 = arith.constant 65536 : i32
        %lt3A_469 = vector.broadcast %lt3A_468 : i32 to vector<16xi32>
        %lt3A_470 = arith.cmpi slt, %sub3A_462, %lt3A_469 : vector<16xi32>
        %and3A_471 = arith.andi %ge3A_467, %lt3A_470 : vector<16xi1>
        %swap3A_472 = arith.index_cast %add3A_454 : i32 to index
        %swap3A_473 = tpu.vector_load %arg11[%swap3A_472] masked %and3A_471 {strides = array<i32>} : memref<4112xi32, #tpu.memory_space<vmem>>, vector<16xi32>, vector<16xi1>
        tpu.vector_store %arg11[%swap3A_472], %sub3A_462 masked %and3A_471 {strides = array<i32>} : memref<4112xi32, #tpu.memory_space<vmem>>, vector<16xi32>, vector<16xi1>
        %swap3A_474 = arith.index_cast %add3A_454 : i32 to index
        %swap3A_475 = tpu.vector_load %arg12[%swap3A_474] masked %and3A_471 {strides = array<i32>} : memref<4112xf32, #tpu.memory_space<vmem>>, vector<16xf32>, vector<16xi1>
        tpu.vector_store %arg12[%swap3A_474], %get3A_464 masked %and3A_471 {strides = array<i32>} : memref<4112xf32, #tpu.memory_space<vmem>>, vector<16xf32>, vector<16xi1>
        %all_reduce_population_count3A_476 = tpu.all_reduce %and3A_471 {dim = 0 : i64, kind = #tpu.reduction_kind<sum>} : vector<16xi1> -> vector<16xi32>
        %slice3A_477 = vector.extract_strided_slice %all_reduce_population_count3A_476 {offsets = [0], sizes = [1], strides = [1]} : vector<16xi32> to vector<1xi32>
        %squeeze3A_478 = vector.extract %slice3A_477[0] : i32 from vector<1xi32>
        %add3A_479 = arith.addi %add3A_454, %squeeze3A_478 : i32
        scf.yield %add3A_479 : i32
      }
      %scan3A_166 = arith.constant 256 : i32
      %swap3A_167 = arith.index_cast %scan3A_165 : i32 to index
      %swap3A_168 = tpu.vector_load %arg11[%swap3A_167] {strides = array<i32>} : memref<4112xi32, #tpu.memory_space<vmem>>, vector<16xi32>,
      tpu.vector_store %arg11[%swap3A_167], %add3A_5 {strides = array<i32>} : memref<4112xi32, #tpu.memory_space<vmem>>, vector<16xi32>,
      %broadcast_in_dim3A_169 = arith.constant -1.000000e+00 : f32
      %broadcast_in_dim3A_170 = vector.broadcast %broadcast_in_dim3A_169 : f32 to vector<16xf32>
      %swap3A_171 = arith.index_cast %scan3A_165 : i32 to index
      %swap3A_172 = tpu.vector_load %arg12[%swap3A_171] {strides = array<i32>} : memref<4112xf32, #tpu.memory_space<vmem>>, vector<16xf32>,
      tpu.vector_store %arg12[%swap3A_171], %broadcast_in_dim3A_170 {strides = array<i32>} : memref<4112xf32, #tpu.memory_space<vmem>>, vector<16xf32>,
      %jit3A_173 = arith.constant 16 : i32
      %div3A_174 = arith.divsi %scan3A_165, %jit3A_173 : i32
      %sign3A_175 = arith.constant 0 : i32
      %sign3A_176 = arith.cmpi sgt, %scan3A_165, %sign3A_175 : i32
      %sign3A_177 = arith.extui %sign3A_176 : i1 to i32
      %sign3A_178 = arith.constant 0 : i32
      %sign3A_179 = arith.cmpi slt, %scan3A_165, %sign3A_178 : i32
      %sign3A_180 = arith.extui %sign3A_179 : i1 to i32
      %sign3A_181 = arith.subi %sign3A_177, %sign3A_180 : i32
      %sign3A_182 = arith.constant 0 : i32
      %sign3A_183 = arith.cmpi sgt, %jit3A_173, %sign3A_182 : i32
      %sign3A_184 = arith.extui %sign3A_183 : i1 to i32
      %sign3A_185 = arith.constant 0 : i32
      %sign3A_186 = arith.cmpi slt, %jit3A_173, %sign3A_185 : i32
      %sign3A_187 = arith.extui %sign3A_186 : i1 to i32
      %sign3A_188 = arith.subi %sign3A_184, %sign3A_187 : i32
      %ne3A_189 = arith.cmpi ne, %sign3A_181, %sign3A_188 : i32
      %rem3A_190 = arith.remsi %scan3A_165, %jit3A_173 : i32
      %ne3A_191 = arith.constant 0 : i32
      %ne3A_192 = arith.cmpi ne, %rem3A_190, %ne3A_191 : i32
      %and3A_193 = arith.andi %ne3A_189, %ne3A_192 : i1
      %sub3A_194 = arith.constant 1 : i32
      %sub3A_195 = arith.subi %div3A_174, %sub3A_194 : i32
      %select_n3A_196 = arith.select %and3A_193, %sub3A_195, %div3A_174 : i32
      %add3A_197 = arith.constant 1 : i32
      %add3A_198 = arith.addi %select_n3A_196, %add3A_197 : i32
      %while3A_199 = arith.constant 0 : i32
      %while3A_200 = arith.constant 0 : i32
      %while3A_201 = arith.subi %add3A_198, %while3A_199 : i32
      %while3A_202 = arith.addi %while3A_199, %while3A_201 : i32
      %while3A_203 = arith.constant 1 : i32
      %while3A_204 = arith.divsi %while3A_201, %while3A_203 : i32
      %while3A_205 = arith.muli %while3A_204, %while3A_203 : i32
      %while3A_206 = arith.addi %while3A_199, %while3A_205 : i32
      %while3A_207 = arith.constant 1 : i32
      %while3A_208 = scf.for %while3A_286 = %while3A_199 to %while3A_206 step %while3A_207 iter_args(%while3A_287 = %while3A_200) -> (i32)  : i32 {
        %mul3A_288 = arith.constant 16 : i32
        %mul3A_289 = arith.muli %while3A_286, %mul3A_288 : i32
        %get3A = arith.index_cast %mul3A_289 : i32 to index
        %get3A_290 = tpu.vector_load %arg11[%get3A] {strides = array<i32>} : memref<4112xi32, #tpu.memory_space<vmem>>, vector<16xi32>,
        %get3A_291 = arith.index_cast %mul3A_289 : i32 to index
        %get3A_292 = tpu.vector_load %arg12[%get3A_291] {strides = array<i32>} : memref<4112xf32, #tpu.memory_space<vmem>>, vector<16xf32>,
        %gather3A = tpu.vector_load_idx %arg6[%get3A_290] : memref<65552xf32, #tpu.memory_space<vmem>>[vector<16xi32>], vector<16xf32>,
        %max3A = arith.maximumf %gather3A, %get3A_292 : vector<16xf32>
        tpu.vector_store_idx %arg6[%get3A_290], %max3A : memref<65552xf32, #tpu.memory_space<vmem>>[vector<16xi32>], vector<16xf32>,
        %gather3A_293 = tpu.vector_load_idx %arg6[%get3A_290] : memref<65552xf32, #tpu.memory_space<vmem>>[vector<16xi32>], vector<16xf32>,
        %lt3A = arith.cmpf olt, %gather3A_293, %get3A_292 : vector<16xf32>
        %lt3A_294 = arith.constant 65536 : i32
        %lt3A_295 = vector.broadcast %lt3A_294 : i32 to vector<16xi32>
        %lt3A_296 = arith.cmpi slt, %get3A_290, %lt3A_295 : vector<16xi32>
        %and3A_297 = arith.andi %lt3A, %lt3A_296 : vector<16xi1>
        %swap3A_298 = arith.index_cast %while3A_287 : i32 to index
        %swap3A_299 = tpu.vector_load %arg13[%swap3A_298] masked %and3A_297 {strides = array<i32>} : memref<4112xi32, #tpu.memory_space<vmem>>, vector<16xi32>, vector<16xi1>
        tpu.vector_store %arg13[%swap3A_298], %get3A_290 masked %and3A_297 {strides = array<i32>} : memref<4112xi32, #tpu.memory_space<vmem>>, vector<16xi32>, vector<16xi1>
        %swap3A_300 = arith.index_cast %while3A_287 : i32 to index
        %swap3A_301 = tpu.vector_load %arg14[%swap3A_300] masked %and3A_297 {strides = array<i32>} : memref<4112xf32, #tpu.memory_space<vmem>>, vector<16xf32>, vector<16xi1>
        tpu.vector_store %arg14[%swap3A_300], %get3A_292 masked %and3A_297 {strides = array<i32>} : memref<4112xf32, #tpu.memory_space<vmem>>, vector<16xf32>, vector<16xi1>
        %all_reduce_population_count3A = tpu.all_reduce %and3A_297 {dim = 0 : i64, kind = #tpu.reduction_kind<sum>} : vector<16xi1> -> vector<16xi32>
        %slice3A = vector.extract_strided_slice %all_reduce_population_count3A {offsets = [0], sizes = [1], strides = [1]} : vector<16xi32> to vector<1xi32>
        %squeeze3A = vector.extract %slice3A[0] : i32 from vector<1xi32>
        %add3A_302 = arith.addi %while3A_287, %squeeze3A : i32
        scf.yield %add3A_302 : i32
      }
      %while3A_209 = arith.constant 1 : i32
      %while3A_210 = scf.for %while3A_286 = %while3A_206 to %while3A_202 step %while3A_209 iter_args(%while3A_287 = %while3A_208) -> (i32)  : i32 {
        %mul3A_288 = arith.constant 16 : i32
        %mul3A_289 = arith.muli %while3A_286, %mul3A_288 : i32
        %get3A = arith.index_cast %mul3A_289 : i32 to index
        %get3A_290 = tpu.vector_load %arg11[%get3A] {strides = array<i32>} : memref<4112xi32, #tpu.memory_space<vmem>>, vector<16xi32>,
        %get3A_291 = arith.index_cast %mul3A_289 : i32 to index
        %get3A_292 = tpu.vector_load %arg12[%get3A_291] {strides = array<i32>} : memref<4112xf32, #tpu.memory_space<vmem>>, vector<16xf32>,
        %gather3A = tpu.vector_load_idx %arg6[%get3A_290] : memref<65552xf32, #tpu.memory_space<vmem>>[vector<16xi32>], vector<16xf32>,
        %max3A = arith.maximumf %gather3A, %get3A_292 : vector<16xf32>
        tpu.vector_store_idx %arg6[%get3A_290], %max3A : memref<65552xf32, #tpu.memory_space<vmem>>[vector<16xi32>], vector<16xf32>,
        %gather3A_293 = tpu.vector_load_idx %arg6[%get3A_290] : memref<65552xf32, #tpu.memory_space<vmem>>[vector<16xi32>], vector<16xf32>,
        %lt3A = arith.cmpf olt, %gather3A_293, %get3A_292 : vector<16xf32>
        %lt3A_294 = arith.constant 65536 : i32
        %lt3A_295 = vector.broadcast %lt3A_294 : i32 to vector<16xi32>
        %lt3A_296 = arith.cmpi slt, %get3A_290, %lt3A_295 : vector<16xi32>
        %and3A_297 = arith.andi %lt3A, %lt3A_296 : vector<16xi1>
        %swap3A_298 = arith.index_cast %while3A_287 : i32 to index
        %swap3A_299 = tpu.vector_load %arg13[%swap3A_298] masked %and3A_297 {strides = array<i32>} : memref<4112xi32, #tpu.memory_space<vmem>>, vector<16xi32>, vector<16xi1>
        tpu.vector_store %arg13[%swap3A_298], %get3A_290 masked %and3A_297 {strides = array<i32>} : memref<4112xi32, #tpu.memory_space<vmem>>, vector<16xi32>, vector<16xi1>
        %swap3A_300 = arith.index_cast %while3A_287 : i32 to index
        %swap3A_301 = tpu.vector_load %arg14[%swap3A_300] masked %and3A_297 {strides = array<i32>} : memref<4112xf32, #tpu.memory_space<vmem>>, vector<16xf32>, vector<16xi1>
        tpu.vector_store %arg14[%swap3A_300], %get3A_292 masked %and3A_297 {strides = array<i32>} : memref<4112xf32, #tpu.memory_space<vmem>>, vector<16xf32>, vector<16xi1>
        %all_reduce_population_count3A = tpu.all_reduce %and3A_297 {dim = 0 : i64, kind = #tpu.reduction_kind<sum>} : vector<16xi1> -> vector<16xi32>
        %slice3A = vector.extract_strided_slice %all_reduce_population_count3A {offsets = [0], sizes = [1], strides = [1]} : vector<16xi32> to vector<1xi32>
        %squeeze3A = vector.extract %slice3A[0] : i32 from vector<1xi32>
        %add3A_302 = arith.addi %while3A_287, %squeeze3A : i32
        scf.yield %add3A_302 : i32
      }
      %while3A_211 = arith.constant 0 : i32
      %while3A_212 = scf.while (%while3A_286 = %while3A_211) : (i32) -> i32 {
        %lt3A = arith.cmpi slt, %while3A_286, %while3A_210 : i32
        scf.condition(%lt3A) %while3A_286 : i32
      } do {
      ^bb0(%while3A_286: i32):
        %get3A = arith.index_cast %while3A_286 : i32 to index
        %get3A_287 = tpu.vector_load %arg13[%get3A] {strides = array<i32>} : memref<4112xi32, #tpu.memory_space<vmem>>, vector<16xi32>,
        %and3A_288 = arith.constant 65535 : i32
        %and3A_289 = vector.broadcast %and3A_288 : i32 to vector<16xi32>
        %and3A_290 = arith.andi %get3A_287, %and3A_289 : vector<16xi32>
        %get3A_291 = arith.index_cast %while3A_286 : i32 to index
        %get3A_292 = tpu.vector_load %arg14[%get3A_291] {strides = array<i32>} : memref<4112xf32, #tpu.memory_space<vmem>>, vector<16xf32>,
        %gather3A = tpu.vector_load_idx %arg6[%and3A_290] : memref<65552xf32, #tpu.memory_space<vmem>>[vector<16xi32>], vector<16xf32>,
        %max3A = arith.maximumf %gather3A, %get3A_292 : vector<16xf32>
        tpu.vector_store_idx %arg6[%and3A_290], %max3A masked %eq3A_8 : memref<65552xf32, #tpu.memory_space<vmem>>[vector<16xi32>], vector<16xf32>, vector<16xi1>
        %add3A_293 = arith.constant 1 : i32
        %add3A_294 = arith.addi %while3A_286, %add3A_293 : i32
        scf.yield %add3A_294 : i32
      }
      %mul3A_213 = arith.constant 2 : i32
      %mul3A_214 = arith.muli %mul3A_213, %scan3A_139 : i32
      %add3A_215 = arith.constant 2 : i32
      %add3A_216 = arith.addi %mul3A_214, %add3A_215 : i32
      %mul3A_217 = arith.constant 4096 : i32
      %mul3A_218 = arith.muli %add3A_216, %mul3A_217 : i32
      %dma_start3A_219 = tpu.memref_slice %arg2[%mul3A_218] : memref<2097152xi32, #tpu.memory_space<hbm>> -> memref<4096xi32, #tpu.memory_space<hbm>>
      %dma_start3A_220 = tpu.memref_slice %arg2[%mul3A_218] : memref<2097152xi32, #tpu.memory_space<hbm>> -> memref<4096xi32, #tpu.memory_space<hbm>>
      tpu.enqueue_dma source(%dma_start3A_220 : memref<4096xi32, #tpu.memory_space<hbm>>) target(%arg7 : memref<4096xi32, #tpu.memory_space<vmem>>) target_semaphore(%arg15 : memref<!tpu.dma_semaphore, #tpu.memory_space<semaphore_mem>>)
      %mul3A_221 = arith.constant 4096 : i32
      %mul3A_222 = arith.muli %add3A_216, %mul3A_221 : i32
      %dma_start3A_223 = tpu.memref_slice %arg3[%mul3A_222] : memref<2097152xf32, #tpu.memory_space<hbm>> -> memref<4096xf32, #tpu.memory_space<hbm>>
      %dma_start3A_224 = tpu.memref_slice %arg3[%mul3A_222] : memref<2097152xf32, #tpu.memory_space<hbm>> -> memref<4096xf32, #tpu.memory_space<hbm>>
      tpu.enqueue_dma source(%dma_start3A_224 : memref<4096xf32, #tpu.memory_space<hbm>>) target(%arg8 : memref<4096xf32, #tpu.memory_space<vmem>>) target_semaphore(%arg15 : memref<!tpu.dma_semaphore, #tpu.memory_space<semaphore_mem>>)
      %dma_wait3A_225 = arith.constant 0 : i32
      %dma_wait3A_226 = tpu.memref_slice %arg2[%dma_wait3A_225] : memref<2097152xi32, #tpu.memory_space<hbm>> -> memref<4096xi32, #tpu.memory_space<hbm>>
      %dma_wait3A_227 = arith.constant 0 : i32
      %dma_wait3A_228 = tpu.memref_slice %arg2[%dma_wait3A_227] : memref<2097152xi32, #tpu.memory_space<hbm>> -> memref<4096xi32, #tpu.memory_space<hbm>>
      tpu.wait_dma2 semaphore(%arg16 : memref<!tpu.dma_semaphore, #tpu.memory_space<semaphore_mem>>) src(%dma_wait3A_228 : memref<4096xi32, #tpu.memory_space<hbm>>) dst(%arg9 : memref<4096xi32, #tpu.memory_space<vmem>>)
      %dma_wait3A_229 = arith.constant 0 : i32
      %dma_wait3A_230 = tpu.memref_slice %arg3[%dma_wait3A_229] : memref<2097152xf32, #tpu.memory_space<hbm>> -> memref<4096xf32, #tpu.memory_space<hbm>>
      %dma_wait3A_231 = arith.constant 0 : i32
      %dma_wait3A_232 = tpu.memref_slice %arg3[%dma_wait3A_231] : memref<2097152xf32, #tpu.memory_space<hbm>> -> memref<4096xf32, #tpu.memory_space<hbm>>
      tpu.wait_dma2 semaphore(%arg16 : memref<!tpu.dma_semaphore, #tpu.memory_space<semaphore_mem>>) src(%dma_wait3A_232 : memref<4096xf32, #tpu.memory_space<hbm>>) dst(%arg10 : memref<4096xf32, #tpu.memory_space<vmem>>)
      %scan3A_233 = arith.constant 0 : i32
      %scan3A_234 = arith.constant 0 : i32
      %scan3A_235 = arith.constant 256 : i32
      %scan3A_236 = arith.addi %scan3A_234, %scan3A_235 : i32
      %scan3A_237 = arith.constant 8 : i32
      %scan3A_238 = scf.for %scan3A_286 = %scan3A_234 to %scan3A_236 step %scan3A_237 iter_args(%scan3A_287 = %scan3A_233) -> (i32)  : i32 {
        %mul3A_288 = arith.constant 16 : i32
        %mul3A_289 = arith.muli %scan3A_286, %mul3A_288 : i32
        %get3A = arith.index_cast %mul3A_289 : i32 to index
        %get3A_290 = tpu.vector_load %arg9[%get3A] {strides = array<i32>} : memref<4096xi32, #tpu.memory_space<vmem>>, vector<16xi32>,
        %sub3A_291 = vector.broadcast %mul3A_2 : i32 to vector<16xi32>
        %sub3A_292 = arith.subi %get3A_290, %sub3A_291 : vector<16xi32>
        %get3A_293 = arith.index_cast %mul3A_289 : i32 to index
        %get3A_294 = tpu.vector_load %arg10[%get3A_293] {strides = array<i32>} : memref<4096xf32, #tpu.memory_space<vmem>>, vector<16xf32>,
        %ge3A = arith.constant 0 : i32
        %ge3A_295 = vector.broadcast %ge3A : i32 to vector<16xi32>
        %ge3A_296 = arith.cmpi sge, %sub3A_292, %ge3A_295 : vector<16xi32>
        %lt3A = arith.constant 65536 : i32
        %lt3A_297 = vector.broadcast %lt3A : i32 to vector<16xi32>
        %lt3A_298 = arith.cmpi slt, %sub3A_292, %lt3A_297 : vector<16xi32>
        %and3A_299 = arith.andi %ge3A_296, %lt3A_298 : vector<16xi1>
        %swap3A_300 = arith.index_cast %scan3A_287 : i32 to index
        %swap3A_301 = tpu.vector_load %arg11[%swap3A_300] masked %and3A_299 {strides = array<i32>} : memref<4112xi32, #tpu.memory_space<vmem>>, vector<16xi32>, vector<16xi1>
        tpu.vector_store %arg11[%swap3A_300], %sub3A_292 masked %and3A_299 {strides = array<i32>} : memref<4112xi32, #tpu.memory_space<vmem>>, vector<16xi32>, vector<16xi1>
        %swap3A_302 = arith.index_cast %scan3A_287 : i32 to index
        %swap3A_303 = tpu.vector_load %arg12[%swap3A_302] masked %and3A_299 {strides = array<i32>} : memref<4112xf32, #tpu.memory_space<vmem>>, vector<16xf32>, vector<16xi1>
        tpu.vector_store %arg12[%swap3A_302], %get3A_294 masked %and3A_299 {strides = array<i32>} : memref<4112xf32, #tpu.memory_space<vmem>>, vector<16xf32>, vector<16xi1>
        %all_reduce_population_count3A = tpu.all_reduce %and3A_299 {dim = 0 : i64, kind = #tpu.reduction_kind<sum>} : vector<16xi1> -> vector<16xi32>
        %slice3A = vector.extract_strided_slice %all_reduce_population_count3A {offsets = [0], sizes = [1], strides = [1]} : vector<16xi32> to vector<1xi32>
        %squeeze3A = vector.extract %slice3A[0] : i32 from vector<1xi32>
        %add3A_304 = arith.addi %scan3A_287, %squeeze3A : i32
        %scan3A_305 = arith.constant 1 : i32
        %scan3A_306 = arith.addi %scan3A_286, %scan3A_305 : i32
        %mul3A_307 = arith.constant 16 : i32
        %mul3A_308 = arith.muli %scan3A_306, %mul3A_307 : i32
        %get3A_309 = arith.index_cast %mul3A_308 : i32 to index
        %get3A_310 = tpu.vector_load %arg9[%get3A_309] {strides = array<i32>} : memref<4096xi32, #tpu.memory_space<vmem>>, vector<16xi32>,
        %sub3A_311 = vector.broadcast %mul3A_2 : i32 to vector<16xi32>
        %sub3A_312 = arith.subi %get3A_310, %sub3A_311 : vector<16xi32>
        %get3A_313 = arith.index_cast %mul3A_308 : i32 to index
        %get3A_314 = tpu.vector_load %arg10[%get3A_313] {strides = array<i32>} : memref<4096xf32, #tpu.memory_space<vmem>>, vector<16xf32>,
        %ge3A_315 = arith.constant 0 : i32
        %ge3A_316 = vector.broadcast %ge3A_315 : i32 to vector<16xi32>
        %ge3A_317 = arith.cmpi sge, %sub3A_312, %ge3A_316 : vector<16xi32>
        %lt3A_318 = arith.constant 65536 : i32
        %lt3A_319 = vector.broadcast %lt3A_318 : i32 to vector<16xi32>
        %lt3A_320 = arith.cmpi slt, %sub3A_312, %lt3A_319 : vector<16xi32>
        %and3A_321 = arith.andi %ge3A_317, %lt3A_320 : vector<16xi1>
        %swap3A_322 = arith.index_cast %add3A_304 : i32 to index
        %swap3A_323 = tpu.vector_load %arg11[%swap3A_322] masked %and3A_321 {strides = array<i32>} : memref<4112xi32, #tpu.memory_space<vmem>>, vector<16xi32>, vector<16xi1>
        tpu.vector_store %arg11[%swap3A_322], %sub3A_312 masked %and3A_321 {strides = array<i32>} : memref<4112xi32, #tpu.memory_space<vmem>>, vector<16xi32>, vector<16xi1>
        %swap3A_324 = arith.index_cast %add3A_304 : i32 to index
        %swap3A_325 = tpu.vector_load %arg12[%swap3A_324] masked %and3A_321 {strides = array<i32>} : memref<4112xf32, #tpu.memory_space<vmem>>, vector<16xf32>, vector<16xi1>
        tpu.vector_store %arg12[%swap3A_324], %get3A_314 masked %and3A_321 {strides = array<i32>} : memref<4112xf32, #tpu.memory_space<vmem>>, vector<16xf32>, vector<16xi1>
        %all_reduce_population_count3A_326 = tpu.all_reduce %and3A_321 {dim = 0 : i64, kind = #tpu.reduction_kind<sum>} : vector<16xi1> -> vector<16xi32>
        %slice3A_327 = vector.extract_strided_slice %all_reduce_population_count3A_326 {offsets = [0], sizes = [1], strides = [1]} : vector<16xi32> to vector<1xi32>
        %squeeze3A_328 = vector.extract %slice3A_327[0] : i32 from vector<1xi32>
        %add3A_329 = arith.addi %add3A_304, %squeeze3A_328 : i32
        %scan3A_330 = arith.constant 2 : i32
        %scan3A_331 = arith.addi %scan3A_286, %scan3A_330 : i32
        %mul3A_332 = arith.constant 16 : i32
        %mul3A_333 = arith.muli %scan3A_331, %mul3A_332 : i32
        %get3A_334 = arith.index_cast %mul3A_333 : i32 to index
        %get3A_335 = tpu.vector_load %arg9[%get3A_334] {strides = array<i32>} : memref<4096xi32, #tpu.memory_space<vmem>>, vector<16xi32>,
        %sub3A_336 = vector.broadcast %mul3A_2 : i32 to vector<16xi32>
        %sub3A_337 = arith.subi %get3A_335, %sub3A_336 : vector<16xi32>
        %get3A_338 = arith.index_cast %mul3A_333 : i32 to index
        %get3A_339 = tpu.vector_load %arg10[%get3A_338] {strides = array<i32>} : memref<4096xf32, #tpu.memory_space<vmem>>, vector<16xf32>,
        %ge3A_340 = arith.constant 0 : i32
        %ge3A_341 = vector.broadcast %ge3A_340 : i32 to vector<16xi32>
        %ge3A_342 = arith.cmpi sge, %sub3A_337, %ge3A_341 : vector<16xi32>
        %lt3A_343 = arith.constant 65536 : i32
        %lt3A_344 = vector.broadcast %lt3A_343 : i32 to vector<16xi32>
        %lt3A_345 = arith.cmpi slt, %sub3A_337, %lt3A_344 : vector<16xi32>
        %and3A_346 = arith.andi %ge3A_342, %lt3A_345 : vector<16xi1>
        %swap3A_347 = arith.index_cast %add3A_329 : i32 to index
        %swap3A_348 = tpu.vector_load %arg11[%swap3A_347] masked %and3A_346 {strides = array<i32>} : memref<4112xi32, #tpu.memory_space<vmem>>, vector<16xi32>, vector<16xi1>
        tpu.vector_store %arg11[%swap3A_347], %sub3A_337 masked %and3A_346 {strides = array<i32>} : memref<4112xi32, #tpu.memory_space<vmem>>, vector<16xi32>, vector<16xi1>
        %swap3A_349 = arith.index_cast %add3A_329 : i32 to index
        %swap3A_350 = tpu.vector_load %arg12[%swap3A_349] masked %and3A_346 {strides = array<i32>} : memref<4112xf32, #tpu.memory_space<vmem>>, vector<16xf32>, vector<16xi1>
        tpu.vector_store %arg12[%swap3A_349], %get3A_339 masked %and3A_346 {strides = array<i32>} : memref<4112xf32, #tpu.memory_space<vmem>>, vector<16xf32>, vector<16xi1>
        %all_reduce_population_count3A_351 = tpu.all_reduce %and3A_346 {dim = 0 : i64, kind = #tpu.reduction_kind<sum>} : vector<16xi1> -> vector<16xi32>
        %slice3A_352 = vector.extract_strided_slice %all_reduce_population_count3A_351 {offsets = [0], sizes = [1], strides = [1]} : vector<16xi32> to vector<1xi32>
        %squeeze3A_353 = vector.extract %slice3A_352[0] : i32 from vector<1xi32>
        %add3A_354 = arith.addi %add3A_329, %squeeze3A_353 : i32
        %scan3A_355 = arith.constant 3 : i32
        %scan3A_356 = arith.addi %scan3A_286, %scan3A_355 : i32
        %mul3A_357 = arith.constant 16 : i32
        %mul3A_358 = arith.muli %scan3A_356, %mul3A_357 : i32
        %get3A_359 = arith.index_cast %mul3A_358 : i32 to index
        %get3A_360 = tpu.vector_load %arg9[%get3A_359] {strides = array<i32>} : memref<4096xi32, #tpu.memory_space<vmem>>, vector<16xi32>,
        %sub3A_361 = vector.broadcast %mul3A_2 : i32 to vector<16xi32>
        %sub3A_362 = arith.subi %get3A_360, %sub3A_361 : vector<16xi32>
        %get3A_363 = arith.index_cast %mul3A_358 : i32 to index
        %get3A_364 = tpu.vector_load %arg10[%get3A_363] {strides = array<i32>} : memref<4096xf32, #tpu.memory_space<vmem>>, vector<16xf32>,
        %ge3A_365 = arith.constant 0 : i32
        %ge3A_366 = vector.broadcast %ge3A_365 : i32 to vector<16xi32>
        %ge3A_367 = arith.cmpi sge, %sub3A_362, %ge3A_366 : vector<16xi32>
        %lt3A_368 = arith.constant 65536 : i32
        %lt3A_369 = vector.broadcast %lt3A_368 : i32 to vector<16xi32>
        %lt3A_370 = arith.cmpi slt, %sub3A_362, %lt3A_369 : vector<16xi32>
        %and3A_371 = arith.andi %ge3A_367, %lt3A_370 : vector<16xi1>
        %swap3A_372 = arith.index_cast %add3A_354 : i32 to index
        %swap3A_373 = tpu.vector_load %arg11[%swap3A_372] masked %and3A_371 {strides = array<i32>} : memref<4112xi32, #tpu.memory_space<vmem>>, vector<16xi32>, vector<16xi1>
        tpu.vector_store %arg11[%swap3A_372], %sub3A_362 masked %and3A_371 {strides = array<i32>} : memref<4112xi32, #tpu.memory_space<vmem>>, vector<16xi32>, vector<16xi1>
        %swap3A_374 = arith.index_cast %add3A_354 : i32 to index
        %swap3A_375 = tpu.vector_load %arg12[%swap3A_374] masked %and3A_371 {strides = array<i32>} : memref<4112xf32, #tpu.memory_space<vmem>>, vector<16xf32>, vector<16xi1>
        tpu.vector_store %arg12[%swap3A_374], %get3A_364 masked %and3A_371 {strides = array<i32>} : memref<4112xf32, #tpu.memory_space<vmem>>, vector<16xf32>, vector<16xi1>
        %all_reduce_population_count3A_376 = tpu.all_reduce %and3A_371 {dim = 0 : i64, kind = #tpu.reduction_kind<sum>} : vector<16xi1> -> vector<16xi32>
        %slice3A_377 = vector.extract_strided_slice %all_reduce_population_count3A_376 {offsets = [0], sizes = [1], strides = [1]} : vector<16xi32> to vector<1xi32>
        %squeeze3A_378 = vector.extract %slice3A_377[0] : i32 from vector<1xi32>
        %add3A_379 = arith.addi %add3A_354, %squeeze3A_378 : i32
        %scan3A_380 = arith.constant 4 : i32
        %scan3A_381 = arith.addi %scan3A_286, %scan3A_380 : i32
        %mul3A_382 = arith.constant 16 : i32
        %mul3A_383 = arith.muli %scan3A_381, %mul3A_382 : i32
        %get3A_384 = arith.index_cast %mul3A_383 : i32 to index
        %get3A_385 = tpu.vector_load %arg9[%get3A_384] {strides = array<i32>} : memref<4096xi32, #tpu.memory_space<vmem>>, vector<16xi32>,
        %sub3A_386 = vector.broadcast %mul3A_2 : i32 to vector<16xi32>
        %sub3A_387 = arith.subi %get3A_385, %sub3A_386 : vector<16xi32>
        %get3A_388 = arith.index_cast %mul3A_383 : i32 to index
        %get3A_389 = tpu.vector_load %arg10[%get3A_388] {strides = array<i32>} : memref<4096xf32, #tpu.memory_space<vmem>>, vector<16xf32>,
        %ge3A_390 = arith.constant 0 : i32
        %ge3A_391 = vector.broadcast %ge3A_390 : i32 to vector<16xi32>
        %ge3A_392 = arith.cmpi sge, %sub3A_387, %ge3A_391 : vector<16xi32>
        %lt3A_393 = arith.constant 65536 : i32
        %lt3A_394 = vector.broadcast %lt3A_393 : i32 to vector<16xi32>
        %lt3A_395 = arith.cmpi slt, %sub3A_387, %lt3A_394 : vector<16xi32>
        %and3A_396 = arith.andi %ge3A_392, %lt3A_395 : vector<16xi1>
        %swap3A_397 = arith.index_cast %add3A_379 : i32 to index
        %swap3A_398 = tpu.vector_load %arg11[%swap3A_397] masked %and3A_396 {strides = array<i32>} : memref<4112xi32, #tpu.memory_space<vmem>>, vector<16xi32>, vector<16xi1>
        tpu.vector_store %arg11[%swap3A_397], %sub3A_387 masked %and3A_396 {strides = array<i32>} : memref<4112xi32, #tpu.memory_space<vmem>>, vector<16xi32>, vector<16xi1>
        %swap3A_399 = arith.index_cast %add3A_379 : i32 to index
        %swap3A_400 = tpu.vector_load %arg12[%swap3A_399] masked %and3A_396 {strides = array<i32>} : memref<4112xf32, #tpu.memory_space<vmem>>, vector<16xf32>, vector<16xi1>
        tpu.vector_store %arg12[%swap3A_399], %get3A_389 masked %and3A_396 {strides = array<i32>} : memref<4112xf32, #tpu.memory_space<vmem>>, vector<16xf32>, vector<16xi1>
        %all_reduce_population_count3A_401 = tpu.all_reduce %and3A_396 {dim = 0 : i64, kind = #tpu.reduction_kind<sum>} : vector<16xi1> -> vector<16xi32>
        %slice3A_402 = vector.extract_strided_slice %all_reduce_population_count3A_401 {offsets = [0], sizes = [1], strides = [1]} : vector<16xi32> to vector<1xi32>
        %squeeze3A_403 = vector.extract %slice3A_402[0] : i32 from vector<1xi32>
        %add3A_404 = arith.addi %add3A_379, %squeeze3A_403 : i32
        %scan3A_405 = arith.constant 5 : i32
        %scan3A_406 = arith.addi %scan3A_286, %scan3A_405 : i32
        %mul3A_407 = arith.constant 16 : i32
        %mul3A_408 = arith.muli %scan3A_406, %mul3A_407 : i32
        %get3A_409 = arith.index_cast %mul3A_408 : i32 to index
        %get3A_410 = tpu.vector_load %arg9[%get3A_409] {strides = array<i32>} : memref<4096xi32, #tpu.memory_space<vmem>>, vector<16xi32>,
        %sub3A_411 = vector.broadcast %mul3A_2 : i32 to vector<16xi32>
        %sub3A_412 = arith.subi %get3A_410, %sub3A_411 : vector<16xi32>
        %get3A_413 = arith.index_cast %mul3A_408 : i32 to index
        %get3A_414 = tpu.vector_load %arg10[%get3A_413] {strides = array<i32>} : memref<4096xf32, #tpu.memory_space<vmem>>, vector<16xf32>,
        %ge3A_415 = arith.constant 0 : i32
        %ge3A_416 = vector.broadcast %ge3A_415 : i32 to vector<16xi32>
        %ge3A_417 = arith.cmpi sge, %sub3A_412, %ge3A_416 : vector<16xi32>
        %lt3A_418 = arith.constant 65536 : i32
        %lt3A_419 = vector.broadcast %lt3A_418 : i32 to vector<16xi32>
        %lt3A_420 = arith.cmpi slt, %sub3A_412, %lt3A_419 : vector<16xi32>
        %and3A_421 = arith.andi %ge3A_417, %lt3A_420 : vector<16xi1>
        %swap3A_422 = arith.index_cast %add3A_404 : i32 to index
        %swap3A_423 = tpu.vector_load %arg11[%swap3A_422] masked %and3A_421 {strides = array<i32>} : memref<4112xi32, #tpu.memory_space<vmem>>, vector<16xi32>, vector<16xi1>
        tpu.vector_store %arg11[%swap3A_422], %sub3A_412 masked %and3A_421 {strides = array<i32>} : memref<4112xi32, #tpu.memory_space<vmem>>, vector<16xi32>, vector<16xi1>
        %swap3A_424 = arith.index_cast %add3A_404 : i32 to index
        %swap3A_425 = tpu.vector_load %arg12[%swap3A_424] masked %and3A_421 {strides = array<i32>} : memref<4112xf32, #tpu.memory_space<vmem>>, vector<16xf32>, vector<16xi1>
        tpu.vector_store %arg12[%swap3A_424], %get3A_414 masked %and3A_421 {strides = array<i32>} : memref<4112xf32, #tpu.memory_space<vmem>>, vector<16xf32>, vector<16xi1>
        %all_reduce_population_count3A_426 = tpu.all_reduce %and3A_421 {dim = 0 : i64, kind = #tpu.reduction_kind<sum>} : vector<16xi1> -> vector<16xi32>
        %slice3A_427 = vector.extract_strided_slice %all_reduce_population_count3A_426 {offsets = [0], sizes = [1], strides = [1]} : vector<16xi32> to vector<1xi32>
        %squeeze3A_428 = vector.extract %slice3A_427[0] : i32 from vector<1xi32>
        %add3A_429 = arith.addi %add3A_404, %squeeze3A_428 : i32
        %scan3A_430 = arith.constant 6 : i32
        %scan3A_431 = arith.addi %scan3A_286, %scan3A_430 : i32
        %mul3A_432 = arith.constant 16 : i32
        %mul3A_433 = arith.muli %scan3A_431, %mul3A_432 : i32
        %get3A_434 = arith.index_cast %mul3A_433 : i32 to index
        %get3A_435 = tpu.vector_load %arg9[%get3A_434] {strides = array<i32>} : memref<4096xi32, #tpu.memory_space<vmem>>, vector<16xi32>,
        %sub3A_436 = vector.broadcast %mul3A_2 : i32 to vector<16xi32>
        %sub3A_437 = arith.subi %get3A_435, %sub3A_436 : vector<16xi32>
        %get3A_438 = arith.index_cast %mul3A_433 : i32 to index
        %get3A_439 = tpu.vector_load %arg10[%get3A_438] {strides = array<i32>} : memref<4096xf32, #tpu.memory_space<vmem>>, vector<16xf32>,
        %ge3A_440 = arith.constant 0 : i32
        %ge3A_441 = vector.broadcast %ge3A_440 : i32 to vector<16xi32>
        %ge3A_442 = arith.cmpi sge, %sub3A_437, %ge3A_441 : vector<16xi32>
        %lt3A_443 = arith.constant 65536 : i32
        %lt3A_444 = vector.broadcast %lt3A_443 : i32 to vector<16xi32>
        %lt3A_445 = arith.cmpi slt, %sub3A_437, %lt3A_444 : vector<16xi32>
        %and3A_446 = arith.andi %ge3A_442, %lt3A_445 : vector<16xi1>
        %swap3A_447 = arith.index_cast %add3A_429 : i32 to index
        %swap3A_448 = tpu.vector_load %arg11[%swap3A_447] masked %and3A_446 {strides = array<i32>} : memref<4112xi32, #tpu.memory_space<vmem>>, vector<16xi32>, vector<16xi1>
        tpu.vector_store %arg11[%swap3A_447], %sub3A_437 masked %and3A_446 {strides = array<i32>} : memref<4112xi32, #tpu.memory_space<vmem>>, vector<16xi32>, vector<16xi1>
        %swap3A_449 = arith.index_cast %add3A_429 : i32 to index
        %swap3A_450 = tpu.vector_load %arg12[%swap3A_449] masked %and3A_446 {strides = array<i32>} : memref<4112xf32, #tpu.memory_space<vmem>>, vector<16xf32>, vector<16xi1>
        tpu.vector_store %arg12[%swap3A_449], %get3A_439 masked %and3A_446 {strides = array<i32>} : memref<4112xf32, #tpu.memory_space<vmem>>, vector<16xf32>, vector<16xi1>
        %all_reduce_population_count3A_451 = tpu.all_reduce %and3A_446 {dim = 0 : i64, kind = #tpu.reduction_kind<sum>} : vector<16xi1> -> vector<16xi32>
        %slice3A_452 = vector.extract_strided_slice %all_reduce_population_count3A_451 {offsets = [0], sizes = [1], strides = [1]} : vector<16xi32> to vector<1xi32>
        %squeeze3A_453 = vector.extract %slice3A_452[0] : i32 from vector<1xi32>
        %add3A_454 = arith.addi %add3A_429, %squeeze3A_453 : i32
        %scan3A_455 = arith.constant 7 : i32
        %scan3A_456 = arith.addi %scan3A_286, %scan3A_455 : i32
        %mul3A_457 = arith.constant 16 : i32
        %mul3A_458 = arith.muli %scan3A_456, %mul3A_457 : i32
        %get3A_459 = arith.index_cast %mul3A_458 : i32 to index
        %get3A_460 = tpu.vector_load %arg9[%get3A_459] {strides = array<i32>} : memref<4096xi32, #tpu.memory_space<vmem>>, vector<16xi32>,
        %sub3A_461 = vector.broadcast %mul3A_2 : i32 to vector<16xi32>
        %sub3A_462 = arith.subi %get3A_460, %sub3A_461 : vector<16xi32>
        %get3A_463 = arith.index_cast %mul3A_458 : i32 to index
        %get3A_464 = tpu.vector_load %arg10[%get3A_463] {strides = array<i32>} : memref<4096xf32, #tpu.memory_space<vmem>>, vector<16xf32>,
        %ge3A_465 = arith.constant 0 : i32
        %ge3A_466 = vector.broadcast %ge3A_465 : i32 to vector<16xi32>
        %ge3A_467 = arith.cmpi sge, %sub3A_462, %ge3A_466 : vector<16xi32>
        %lt3A_468 = arith.constant 65536 : i32
        %lt3A_469 = vector.broadcast %lt3A_468 : i32 to vector<16xi32>
        %lt3A_470 = arith.cmpi slt, %sub3A_462, %lt3A_469 : vector<16xi32>
        %and3A_471 = arith.andi %ge3A_467, %lt3A_470 : vector<16xi1>
        %swap3A_472 = arith.index_cast %add3A_454 : i32 to index
        %swap3A_473 = tpu.vector_load %arg11[%swap3A_472] masked %and3A_471 {strides = array<i32>} : memref<4112xi32, #tpu.memory_space<vmem>>, vector<16xi32>, vector<16xi1>
        tpu.vector_store %arg11[%swap3A_472], %sub3A_462 masked %and3A_471 {strides = array<i32>} : memref<4112xi32, #tpu.memory_space<vmem>>, vector<16xi32>, vector<16xi1>
        %swap3A_474 = arith.index_cast %add3A_454 : i32 to index
        %swap3A_475 = tpu.vector_load %arg12[%swap3A_474] masked %and3A_471 {strides = array<i32>} : memref<4112xf32, #tpu.memory_space<vmem>>, vector<16xf32>, vector<16xi1>
        tpu.vector_store %arg12[%swap3A_474], %get3A_464 masked %and3A_471 {strides = array<i32>} : memref<4112xf32, #tpu.memory_space<vmem>>, vector<16xf32>, vector<16xi1>
        %all_reduce_population_count3A_476 = tpu.all_reduce %and3A_471 {dim = 0 : i64, kind = #tpu.reduction_kind<sum>} : vector<16xi1> -> vector<16xi32>
        %slice3A_477 = vector.extract_strided_slice %all_reduce_population_count3A_476 {offsets = [0], sizes = [1], strides = [1]} : vector<16xi32> to vector<1xi32>
        %squeeze3A_478 = vector.extract %slice3A_477[0] : i32 from vector<1xi32>
        %add3A_479 = arith.addi %add3A_454, %squeeze3A_478 : i32
        scf.yield %add3A_479 : i32
      }
      %scan3A_239 = arith.constant 256 : i32
      %swap3A_240 = arith.index_cast %scan3A_238 : i32 to index
      %swap3A_241 = tpu.vector_load %arg11[%swap3A_240] {strides = array<i32>} : memref<4112xi32, #tpu.memory_space<vmem>>, vector<16xi32>,
      tpu.vector_store %arg11[%swap3A_240], %add3A_5 {strides = array<i32>} : memref<4112xi32, #tpu.memory_space<vmem>>, vector<16xi32>,
      %broadcast_in_dim3A_242 = arith.constant -1.000000e+00 : f32
      %broadcast_in_dim3A_243 = vector.broadcast %broadcast_in_dim3A_242 : f32 to vector<16xf32>
      %swap3A_244 = arith.index_cast %scan3A_238 : i32 to index
      %swap3A_245 = tpu.vector_load %arg12[%swap3A_244] {strides = array<i32>} : memref<4112xf32, #tpu.memory_space<vmem>>, vector<16xf32>,
      tpu.vector_store %arg12[%swap3A_244], %broadcast_in_dim3A_243 {strides = array<i32>} : memref<4112xf32, #tpu.memory_space<vmem>>, vector<16xf32>,
      %jit3A_246 = arith.constant 16 : i32
      %div3A_247 = arith.divsi %scan3A_238, %jit3A_246 : i32
      %sign3A_248 = arith.constant 0 : i32
      %sign3A_249 = arith.cmpi sgt, %scan3A_238, %sign3A_248 : i32
      %sign3A_250 = arith.extui %sign3A_249 : i1 to i32
      %sign3A_251 = arith.constant 0 : i32
      %sign3A_252 = arith.cmpi slt, %scan3A_238, %sign3A_251 : i32
      %sign3A_253 = arith.extui %sign3A_252 : i1 to i32
      %sign3A_254 = arith.subi %sign3A_250, %sign3A_253 : i32
      %sign3A_255 = arith.constant 0 : i32
      %sign3A_256 = arith.cmpi sgt, %jit3A_246, %sign3A_255 : i32
      %sign3A_257 = arith.extui %sign3A_256 : i1 to i32
      %sign3A_258 = arith.constant 0 : i32
      %sign3A_259 = arith.cmpi slt, %jit3A_246, %sign3A_258 : i32
      %sign3A_260 = arith.extui %sign3A_259 : i1 to i32
      %sign3A_261 = arith.subi %sign3A_257, %sign3A_260 : i32
      %ne3A_262 = arith.cmpi ne, %sign3A_254, %sign3A_261 : i32
      %rem3A_263 = arith.remsi %scan3A_238, %jit3A_246 : i32
      %ne3A_264 = arith.constant 0 : i32
      %ne3A_265 = arith.cmpi ne, %rem3A_263, %ne3A_264 : i32
      %and3A_266 = arith.andi %ne3A_262, %ne3A_265 : i1
      %sub3A_267 = arith.constant 1 : i32
      %sub3A_268 = arith.subi %div3A_247, %sub3A_267 : i32
      %select_n3A_269 = arith.select %and3A_266, %sub3A_268, %div3A_247 : i32
      %add3A_270 = arith.constant 1 : i32
      %add3A_271 = arith.addi %select_n3A_269, %add3A_270 : i32
      %while3A_272 = arith.constant 0 : i32
      %while3A_273 = arith.constant 0 : i32
      %while3A_274 = arith.subi %add3A_271, %while3A_272 : i32
      %while3A_275 = arith.addi %while3A_272, %while3A_274 : i32
      %while3A_276 = arith.constant 1 : i32
      %while3A_277 = arith.divsi %while3A_274, %while3A_276 : i32
      %while3A_278 = arith.muli %while3A_277, %while3A_276 : i32
      %while3A_279 = arith.addi %while3A_272, %while3A_278 : i32
      %while3A_280 = arith.constant 1 : i32
      %while3A_281 = scf.for %while3A_286 = %while3A_272 to %while3A_279 step %while3A_280 iter_args(%while3A_287 = %while3A_273) -> (i32)  : i32 {
        %mul3A_288 = arith.constant 16 : i32
        %mul3A_289 = arith.muli %while3A_286, %mul3A_288 : i32
        %get3A = arith.index_cast %mul3A_289 : i32 to index
        %get3A_290 = tpu.vector_load %arg11[%get3A] {strides = array<i32>} : memref<4112xi32, #tpu.memory_space<vmem>>, vector<16xi32>,
        %get3A_291 = arith.index_cast %mul3A_289 : i32 to index
        %get3A_292 = tpu.vector_load %arg12[%get3A_291] {strides = array<i32>} : memref<4112xf32, #tpu.memory_space<vmem>>, vector<16xf32>,
        %gather3A = tpu.vector_load_idx %arg6[%get3A_290] : memref<65552xf32, #tpu.memory_space<vmem>>[vector<16xi32>], vector<16xf32>,
        %max3A = arith.maximumf %gather3A, %get3A_292 : vector<16xf32>
        tpu.vector_store_idx %arg6[%get3A_290], %max3A : memref<65552xf32, #tpu.memory_space<vmem>>[vector<16xi32>], vector<16xf32>,
        %gather3A_293 = tpu.vector_load_idx %arg6[%get3A_290] : memref<65552xf32, #tpu.memory_space<vmem>>[vector<16xi32>], vector<16xf32>,
        %lt3A = arith.cmpf olt, %gather3A_293, %get3A_292 : vector<16xf32>
        %lt3A_294 = arith.constant 65536 : i32
        %lt3A_295 = vector.broadcast %lt3A_294 : i32 to vector<16xi32>
        %lt3A_296 = arith.cmpi slt, %get3A_290, %lt3A_295 : vector<16xi32>
        %and3A_297 = arith.andi %lt3A, %lt3A_296 : vector<16xi1>
        %swap3A_298 = arith.index_cast %while3A_287 : i32 to index
        %swap3A_299 = tpu.vector_load %arg13[%swap3A_298] masked %and3A_297 {strides = array<i32>} : memref<4112xi32, #tpu.memory_space<vmem>>, vector<16xi32>, vector<16xi1>
        tpu.vector_store %arg13[%swap3A_298], %get3A_290 masked %and3A_297 {strides = array<i32>} : memref<4112xi32, #tpu.memory_space<vmem>>, vector<16xi32>, vector<16xi1>
        %swap3A_300 = arith.index_cast %while3A_287 : i32 to index
        %swap3A_301 = tpu.vector_load %arg14[%swap3A_300] masked %and3A_297 {strides = array<i32>} : memref<4112xf32, #tpu.memory_space<vmem>>, vector<16xf32>, vector<16xi1>
        tpu.vector_store %arg14[%swap3A_300], %get3A_292 masked %and3A_297 {strides = array<i32>} : memref<4112xf32, #tpu.memory_space<vmem>>, vector<16xf32>, vector<16xi1>
        %all_reduce_population_count3A = tpu.all_reduce %and3A_297 {dim = 0 : i64, kind = #tpu.reduction_kind<sum>} : vector<16xi1> -> vector<16xi32>
        %slice3A = vector.extract_strided_slice %all_reduce_population_count3A {offsets = [0], sizes = [1], strides = [1]} : vector<16xi32> to vector<1xi32>
        %squeeze3A = vector.extract %slice3A[0] : i32 from vector<1xi32>
        %add3A_302 = arith.addi %while3A_287, %squeeze3A : i32
        scf.yield %add3A_302 : i32
      }
      %while3A_282 = arith.constant 1 : i32
      %while3A_283 = scf.for %while3A_286 = %while3A_279 to %while3A_275 step %while3A_282 iter_args(%while3A_287 = %while3A_281) -> (i32)  : i32 {
        %mul3A_288 = arith.constant 16 : i32
        %mul3A_289 = arith.muli %while3A_286, %mul3A_288 : i32
        %get3A = arith.index_cast %mul3A_289 : i32 to index
        %get3A_290 = tpu.vector_load %arg11[%get3A] {strides = array<i32>} : memref<4112xi32, #tpu.memory_space<vmem>>, vector<16xi32>,
        %get3A_291 = arith.index_cast %mul3A_289 : i32 to index
        %get3A_292 = tpu.vector_load %arg12[%get3A_291] {strides = array<i32>} : memref<4112xf32, #tpu.memory_space<vmem>>, vector<16xf32>,
        %gather3A = tpu.vector_load_idx %arg6[%get3A_290] : memref<65552xf32, #tpu.memory_space<vmem>>[vector<16xi32>], vector<16xf32>,
        %max3A = arith.maximumf %gather3A, %get3A_292 : vector<16xf32>
        tpu.vector_store_idx %arg6[%get3A_290], %max3A : memref<65552xf32, #tpu.memory_space<vmem>>[vector<16xi32>], vector<16xf32>,
        %gather3A_293 = tpu.vector_load_idx %arg6[%get3A_290] : memref<65552xf32, #tpu.memory_space<vmem>>[vector<16xi32>], vector<16xf32>,
        %lt3A = arith.cmpf olt, %gather3A_293, %get3A_292 : vector<16xf32>
        %lt3A_294 = arith.constant 65536 : i32
        %lt3A_295 = vector.broadcast %lt3A_294 : i32 to vector<16xi32>
        %lt3A_296 = arith.cmpi slt, %get3A_290, %lt3A_295 : vector<16xi32>
        %and3A_297 = arith.andi %lt3A, %lt3A_296 : vector<16xi1>
        %swap3A_298 = arith.index_cast %while3A_287 : i32 to index
        %swap3A_299 = tpu.vector_load %arg13[%swap3A_298] masked %and3A_297 {strides = array<i32>} : memref<4112xi32, #tpu.memory_space<vmem>>, vector<16xi32>, vector<16xi1>
        tpu.vector_store %arg13[%swap3A_298], %get3A_290 masked %and3A_297 {strides = array<i32>} : memref<4112xi32, #tpu.memory_space<vmem>>, vector<16xi32>, vector<16xi1>
        %swap3A_300 = arith.index_cast %while3A_287 : i32 to index
        %swap3A_301 = tpu.vector_load %arg14[%swap3A_300] masked %and3A_297 {strides = array<i32>} : memref<4112xf32, #tpu.memory_space<vmem>>, vector<16xf32>, vector<16xi1>
        tpu.vector_store %arg14[%swap3A_300], %get3A_292 masked %and3A_297 {strides = array<i32>} : memref<4112xf32, #tpu.memory_space<vmem>>, vector<16xf32>, vector<16xi1>
        %all_reduce_population_count3A = tpu.all_reduce %and3A_297 {dim = 0 : i64, kind = #tpu.reduction_kind<sum>} : vector<16xi1> -> vector<16xi32>
        %slice3A = vector.extract_strided_slice %all_reduce_population_count3A {offsets = [0], sizes = [1], strides = [1]} : vector<16xi32> to vector<1xi32>
        %squeeze3A = vector.extract %slice3A[0] : i32 from vector<1xi32>
        %add3A_302 = arith.addi %while3A_287, %squeeze3A : i32
        scf.yield %add3A_302 : i32
      }
      %while3A_284 = arith.constant 0 : i32
      %while3A_285 = scf.while (%while3A_286 = %while3A_284) : (i32) -> i32 {
        %lt3A = arith.cmpi slt, %while3A_286, %while3A_283 : i32
        scf.condition(%lt3A) %while3A_286 : i32
      } do {
      ^bb0(%while3A_286: i32):
        %get3A = arith.index_cast %while3A_286 : i32 to index
        %get3A_287 = tpu.vector_load %arg13[%get3A] {strides = array<i32>} : memref<4112xi32, #tpu.memory_space<vmem>>, vector<16xi32>,
        %and3A_288 = arith.constant 65535 : i32
        %and3A_289 = vector.broadcast %and3A_288 : i32 to vector<16xi32>
        %and3A_290 = arith.andi %get3A_287, %and3A_289 : vector<16xi32>
        %get3A_291 = arith.index_cast %while3A_286 : i32 to index
        %get3A_292 = tpu.vector_load %arg14[%get3A_291] {strides = array<i32>} : memref<4112xf32, #tpu.memory_space<vmem>>, vector<16xf32>,
        %gather3A = tpu.vector_load_idx %arg6[%and3A_290] : memref<65552xf32, #tpu.memory_space<vmem>>[vector<16xi32>], vector<16xf32>,
        %max3A = arith.maximumf %gather3A, %get3A_292 : vector<16xf32>
        tpu.vector_store_idx %arg6[%and3A_290], %max3A masked %eq3A_8 : memref<65552xf32, #tpu.memory_space<vmem>>[vector<16xi32>], vector<16xf32>, vector<16xi1>
        %add3A_293 = arith.constant 1 : i32
        %add3A_294 = arith.addi %while3A_286, %add3A_293 : i32
        scf.yield %add3A_294 : i32
      }
    }
    %scan3A_20 = arith.constant 255 : i32
    %dma_start3A_21 = arith.constant 2093056 : i32
    %dma_start3A_22 = tpu.memref_slice %arg2[%dma_start3A_21] : memref<2097152xi32, #tpu.memory_space<hbm>> -> memref<4096xi32, #tpu.memory_space<hbm>>
    %dma_start3A_23 = arith.constant 2093056 : i32
    %dma_start3A_24 = tpu.memref_slice %arg2[%dma_start3A_23] : memref<2097152xi32, #tpu.memory_space<hbm>> -> memref<4096xi32, #tpu.memory_space<hbm>>
    tpu.enqueue_dma source(%dma_start3A_24 : memref<4096xi32, #tpu.memory_space<hbm>>) target(%arg9 : memref<4096xi32, #tpu.memory_space<vmem>>) target_semaphore(%arg16 : memref<!tpu.dma_semaphore, #tpu.memory_space<semaphore_mem>>)
    %dma_start3A_25 = arith.constant 2093056 : i32
    %dma_start3A_26 = tpu.memref_slice %arg3[%dma_start3A_25] : memref<2097152xf32, #tpu.memory_space<hbm>> -> memref<4096xf32, #tpu.memory_space<hbm>>
    %dma_start3A_27 = arith.constant 2093056 : i32
    %dma_start3A_28 = tpu.memref_slice %arg3[%dma_start3A_27] : memref<2097152xf32, #tpu.memory_space<hbm>> -> memref<4096xf32, #tpu.memory_space<hbm>>
    tpu.enqueue_dma source(%dma_start3A_28 : memref<4096xf32, #tpu.memory_space<hbm>>) target(%arg10 : memref<4096xf32, #tpu.memory_space<vmem>>) target_semaphore(%arg16 : memref<!tpu.dma_semaphore, #tpu.memory_space<semaphore_mem>>)
    %dma_wait3A = arith.constant 0 : i32
    %dma_wait3A_29 = tpu.memref_slice %arg2[%dma_wait3A] : memref<2097152xi32, #tpu.memory_space<hbm>> -> memref<4096xi32, #tpu.memory_space<hbm>>
    %dma_wait3A_30 = arith.constant 0 : i32
    %dma_wait3A_31 = tpu.memref_slice %arg2[%dma_wait3A_30] : memref<2097152xi32, #tpu.memory_space<hbm>> -> memref<4096xi32, #tpu.memory_space<hbm>>
    tpu.wait_dma2 semaphore(%arg15 : memref<!tpu.dma_semaphore, #tpu.memory_space<semaphore_mem>>) src(%dma_wait3A_31 : memref<4096xi32, #tpu.memory_space<hbm>>) dst(%arg7 : memref<4096xi32, #tpu.memory_space<vmem>>)
    %dma_wait3A_32 = arith.constant 0 : i32
    %dma_wait3A_33 = tpu.memref_slice %arg3[%dma_wait3A_32] : memref<2097152xf32, #tpu.memory_space<hbm>> -> memref<4096xf32, #tpu.memory_space<hbm>>
    %dma_wait3A_34 = arith.constant 0 : i32
    %dma_wait3A_35 = tpu.memref_slice %arg3[%dma_wait3A_34] : memref<2097152xf32, #tpu.memory_space<hbm>> -> memref<4096xf32, #tpu.memory_space<hbm>>
    tpu.wait_dma2 semaphore(%arg15 : memref<!tpu.dma_semaphore, #tpu.memory_space<semaphore_mem>>) src(%dma_wait3A_35 : memref<4096xf32, #tpu.memory_space<hbm>>) dst(%arg8 : memref<4096xf32, #tpu.memory_space<vmem>>)
    %scan3A_36 = arith.constant 0 : i32
    %scan3A_37 = arith.constant 0 : i32
    %scan3A_38 = arith.constant 256 : i32
    %scan3A_39 = arith.addi %scan3A_37, %scan3A_38 : i32
    %scan3A_40 = arith.constant 8 : i32
    %scan3A_41 = scf.for %scan3A_139 = %scan3A_37 to %scan3A_39 step %scan3A_40 iter_args(%scan3A_140 = %scan3A_36) -> (i32)  : i32 {
      %mul3A_141 = arith.constant 16 : i32
      %mul3A_142 = arith.muli %scan3A_139, %mul3A_141 : i32
      %get3A = arith.index_cast %mul3A_142 : i32 to index
      %get3A_143 = tpu.vector_load %arg7[%get3A] {strides = array<i32>} : memref<4096xi32, #tpu.memory_space<vmem>>, vector<16xi32>,
      %sub3A_144 = vector.broadcast %mul3A_2 : i32 to vector<16xi32>
      %sub3A_145 = arith.subi %get3A_143, %sub3A_144 : vector<16xi32>
      %get3A_146 = arith.index_cast %mul3A_142 : i32 to index
      %get3A_147 = tpu.vector_load %arg8[%get3A_146] {strides = array<i32>} : memref<4096xf32, #tpu.memory_space<vmem>>, vector<16xf32>,
      %ge3A = arith.constant 0 : i32
      %ge3A_148 = vector.broadcast %ge3A : i32 to vector<16xi32>
      %ge3A_149 = arith.cmpi sge, %sub3A_145, %ge3A_148 : vector<16xi32>
      %lt3A = arith.constant 65536 : i32
      %lt3A_150 = vector.broadcast %lt3A : i32 to vector<16xi32>
      %lt3A_151 = arith.cmpi slt, %sub3A_145, %lt3A_150 : vector<16xi32>
      %and3A_152 = arith.andi %ge3A_149, %lt3A_151 : vector<16xi1>
      %swap3A_153 = arith.index_cast %scan3A_140 : i32 to index
      %swap3A_154 = tpu.vector_load %arg11[%swap3A_153] masked %and3A_152 {strides = array<i32>} : memref<4112xi32, #tpu.memory_space<vmem>>, vector<16xi32>, vector<16xi1>
      tpu.vector_store %arg11[%swap3A_153], %sub3A_145 masked %and3A_152 {strides = array<i32>} : memref<4112xi32, #tpu.memory_space<vmem>>, vector<16xi32>, vector<16xi1>
      %swap3A_155 = arith.index_cast %scan3A_140 : i32 to index
      %swap3A_156 = tpu.vector_load %arg12[%swap3A_155] masked %and3A_152 {strides = array<i32>} : memref<4112xf32, #tpu.memory_space<vmem>>, vector<16xf32>, vector<16xi1>
      tpu.vector_store %arg12[%swap3A_155], %get3A_147 masked %and3A_152 {strides = array<i32>} : memref<4112xf32, #tpu.memory_space<vmem>>, vector<16xf32>, vector<16xi1>
      %all_reduce_population_count3A = tpu.all_reduce %and3A_152 {dim = 0 : i64, kind = #tpu.reduction_kind<sum>} : vector<16xi1> -> vector<16xi32>
      %slice3A = vector.extract_strided_slice %all_reduce_population_count3A {offsets = [0], sizes = [1], strides = [1]} : vector<16xi32> to vector<1xi32>
      %squeeze3A = vector.extract %slice3A[0] : i32 from vector<1xi32>
      %add3A_157 = arith.addi %scan3A_140, %squeeze3A : i32
      %scan3A_158 = arith.constant 1 : i32
      %scan3A_159 = arith.addi %scan3A_139, %scan3A_158 : i32
      %mul3A_160 = arith.constant 16 : i32
      %mul3A_161 = arith.muli %scan3A_159, %mul3A_160 : i32
      %get3A_162 = arith.index_cast %mul3A_161 : i32 to index
      %get3A_163 = tpu.vector_load %arg7[%get3A_162] {strides = array<i32>} : memref<4096xi32, #tpu.memory_space<vmem>>, vector<16xi32>,
      %sub3A_164 = vector.broadcast %mul3A_2 : i32 to vector<16xi32>
      %sub3A_165 = arith.subi %get3A_163, %sub3A_164 : vector<16xi32>
      %get3A_166 = arith.index_cast %mul3A_161 : i32 to index
      %get3A_167 = tpu.vector_load %arg8[%get3A_166] {strides = array<i32>} : memref<4096xf32, #tpu.memory_space<vmem>>, vector<16xf32>,
      %ge3A_168 = arith.constant 0 : i32
      %ge3A_169 = vector.broadcast %ge3A_168 : i32 to vector<16xi32>
      %ge3A_170 = arith.cmpi sge, %sub3A_165, %ge3A_169 : vector<16xi32>
      %lt3A_171 = arith.constant 65536 : i32
      %lt3A_172 = vector.broadcast %lt3A_171 : i32 to vector<16xi32>
      %lt3A_173 = arith.cmpi slt, %sub3A_165, %lt3A_172 : vector<16xi32>
      %and3A_174 = arith.andi %ge3A_170, %lt3A_173 : vector<16xi1>
      %swap3A_175 = arith.index_cast %add3A_157 : i32 to index
      %swap3A_176 = tpu.vector_load %arg11[%swap3A_175] masked %and3A_174 {strides = array<i32>} : memref<4112xi32, #tpu.memory_space<vmem>>, vector<16xi32>, vector<16xi1>
      tpu.vector_store %arg11[%swap3A_175], %sub3A_165 masked %and3A_174 {strides = array<i32>} : memref<4112xi32, #tpu.memory_space<vmem>>, vector<16xi32>, vector<16xi1>
      %swap3A_177 = arith.index_cast %add3A_157 : i32 to index
      %swap3A_178 = tpu.vector_load %arg12[%swap3A_177] masked %and3A_174 {strides = array<i32>} : memref<4112xf32, #tpu.memory_space<vmem>>, vector<16xf32>, vector<16xi1>
      tpu.vector_store %arg12[%swap3A_177], %get3A_167 masked %and3A_174 {strides = array<i32>} : memref<4112xf32, #tpu.memory_space<vmem>>, vector<16xf32>, vector<16xi1>
      %all_reduce_population_count3A_179 = tpu.all_reduce %and3A_174 {dim = 0 : i64, kind = #tpu.reduction_kind<sum>} : vector<16xi1> -> vector<16xi32>
      %slice3A_180 = vector.extract_strided_slice %all_reduce_population_count3A_179 {offsets = [0], sizes = [1], strides = [1]} : vector<16xi32> to vector<1xi32>
      %squeeze3A_181 = vector.extract %slice3A_180[0] : i32 from vector<1xi32>
      %add3A_182 = arith.addi %add3A_157, %squeeze3A_181 : i32
      %scan3A_183 = arith.constant 2 : i32
      %scan3A_184 = arith.addi %scan3A_139, %scan3A_183 : i32
      %mul3A_185 = arith.constant 16 : i32
      %mul3A_186 = arith.muli %scan3A_184, %mul3A_185 : i32
      %get3A_187 = arith.index_cast %mul3A_186 : i32 to index
      %get3A_188 = tpu.vector_load %arg7[%get3A_187] {strides = array<i32>} : memref<4096xi32, #tpu.memory_space<vmem>>, vector<16xi32>,
      %sub3A_189 = vector.broadcast %mul3A_2 : i32 to vector<16xi32>
      %sub3A_190 = arith.subi %get3A_188, %sub3A_189 : vector<16xi32>
      %get3A_191 = arith.index_cast %mul3A_186 : i32 to index
      %get3A_192 = tpu.vector_load %arg8[%get3A_191] {strides = array<i32>} : memref<4096xf32, #tpu.memory_space<vmem>>, vector<16xf32>,
      %ge3A_193 = arith.constant 0 : i32
      %ge3A_194 = vector.broadcast %ge3A_193 : i32 to vector<16xi32>
      %ge3A_195 = arith.cmpi sge, %sub3A_190, %ge3A_194 : vector<16xi32>
      %lt3A_196 = arith.constant 65536 : i32
      %lt3A_197 = vector.broadcast %lt3A_196 : i32 to vector<16xi32>
      %lt3A_198 = arith.cmpi slt, %sub3A_190, %lt3A_197 : vector<16xi32>
      %and3A_199 = arith.andi %ge3A_195, %lt3A_198 : vector<16xi1>
      %swap3A_200 = arith.index_cast %add3A_182 : i32 to index
      %swap3A_201 = tpu.vector_load %arg11[%swap3A_200] masked %and3A_199 {strides = array<i32>} : memref<4112xi32, #tpu.memory_space<vmem>>, vector<16xi32>, vector<16xi1>
      tpu.vector_store %arg11[%swap3A_200], %sub3A_190 masked %and3A_199 {strides = array<i32>} : memref<4112xi32, #tpu.memory_space<vmem>>, vector<16xi32>, vector<16xi1>
      %swap3A_202 = arith.index_cast %add3A_182 : i32 to index
      %swap3A_203 = tpu.vector_load %arg12[%swap3A_202] masked %and3A_199 {strides = array<i32>} : memref<4112xf32, #tpu.memory_space<vmem>>, vector<16xf32>, vector<16xi1>
      tpu.vector_store %arg12[%swap3A_202], %get3A_192 masked %and3A_199 {strides = array<i32>} : memref<4112xf32, #tpu.memory_space<vmem>>, vector<16xf32>, vector<16xi1>
      %all_reduce_population_count3A_204 = tpu.all_reduce %and3A_199 {dim = 0 : i64, kind = #tpu.reduction_kind<sum>} : vector<16xi1> -> vector<16xi32>
      %slice3A_205 = vector.extract_strided_slice %all_reduce_population_count3A_204 {offsets = [0], sizes = [1], strides = [1]} : vector<16xi32> to vector<1xi32>
      %squeeze3A_206 = vector.extract %slice3A_205[0] : i32 from vector<1xi32>
      %add3A_207 = arith.addi %add3A_182, %squeeze3A_206 : i32
      %scan3A_208 = arith.constant 3 : i32
      %scan3A_209 = arith.addi %scan3A_139, %scan3A_208 : i32
      %mul3A_210 = arith.constant 16 : i32
      %mul3A_211 = arith.muli %scan3A_209, %mul3A_210 : i32
      %get3A_212 = arith.index_cast %mul3A_211 : i32 to index
      %get3A_213 = tpu.vector_load %arg7[%get3A_212] {strides = array<i32>} : memref<4096xi32, #tpu.memory_space<vmem>>, vector<16xi32>,
      %sub3A_214 = vector.broadcast %mul3A_2 : i32 to vector<16xi32>
      %sub3A_215 = arith.subi %get3A_213, %sub3A_214 : vector<16xi32>
      %get3A_216 = arith.index_cast %mul3A_211 : i32 to index
      %get3A_217 = tpu.vector_load %arg8[%get3A_216] {strides = array<i32>} : memref<4096xf32, #tpu.memory_space<vmem>>, vector<16xf32>,
      %ge3A_218 = arith.constant 0 : i32
      %ge3A_219 = vector.broadcast %ge3A_218 : i32 to vector<16xi32>
      %ge3A_220 = arith.cmpi sge, %sub3A_215, %ge3A_219 : vector<16xi32>
      %lt3A_221 = arith.constant 65536 : i32
      %lt3A_222 = vector.broadcast %lt3A_221 : i32 to vector<16xi32>
      %lt3A_223 = arith.cmpi slt, %sub3A_215, %lt3A_222 : vector<16xi32>
      %and3A_224 = arith.andi %ge3A_220, %lt3A_223 : vector<16xi1>
      %swap3A_225 = arith.index_cast %add3A_207 : i32 to index
      %swap3A_226 = tpu.vector_load %arg11[%swap3A_225] masked %and3A_224 {strides = array<i32>} : memref<4112xi32, #tpu.memory_space<vmem>>, vector<16xi32>, vector<16xi1>
      tpu.vector_store %arg11[%swap3A_225], %sub3A_215 masked %and3A_224 {strides = array<i32>} : memref<4112xi32, #tpu.memory_space<vmem>>, vector<16xi32>, vector<16xi1>
      %swap3A_227 = arith.index_cast %add3A_207 : i32 to index
      %swap3A_228 = tpu.vector_load %arg12[%swap3A_227] masked %and3A_224 {strides = array<i32>} : memref<4112xf32, #tpu.memory_space<vmem>>, vector<16xf32>, vector<16xi1>
      tpu.vector_store %arg12[%swap3A_227], %get3A_217 masked %and3A_224 {strides = array<i32>} : memref<4112xf32, #tpu.memory_space<vmem>>, vector<16xf32>, vector<16xi1>
      %all_reduce_population_count3A_229 = tpu.all_reduce %and3A_224 {dim = 0 : i64, kind = #tpu.reduction_kind<sum>} : vector<16xi1> -> vector<16xi32>
      %slice3A_230 = vector.extract_strided_slice %all_reduce_population_count3A_229 {offsets = [0], sizes = [1], strides = [1]} : vector<16xi32> to vector<1xi32>
      %squeeze3A_231 = vector.extract %slice3A_230[0] : i32 from vector<1xi32>
      %add3A_232 = arith.addi %add3A_207, %squeeze3A_231 : i32
      %scan3A_233 = arith.constant 4 : i32
      %scan3A_234 = arith.addi %scan3A_139, %scan3A_233 : i32
      %mul3A_235 = arith.constant 16 : i32
      %mul3A_236 = arith.muli %scan3A_234, %mul3A_235 : i32
      %get3A_237 = arith.index_cast %mul3A_236 : i32 to index
      %get3A_238 = tpu.vector_load %arg7[%get3A_237] {strides = array<i32>} : memref<4096xi32, #tpu.memory_space<vmem>>, vector<16xi32>,
      %sub3A_239 = vector.broadcast %mul3A_2 : i32 to vector<16xi32>
      %sub3A_240 = arith.subi %get3A_238, %sub3A_239 : vector<16xi32>
      %get3A_241 = arith.index_cast %mul3A_236 : i32 to index
      %get3A_242 = tpu.vector_load %arg8[%get3A_241] {strides = array<i32>} : memref<4096xf32, #tpu.memory_space<vmem>>, vector<16xf32>,
      %ge3A_243 = arith.constant 0 : i32
      %ge3A_244 = vector.broadcast %ge3A_243 : i32 to vector<16xi32>
      %ge3A_245 = arith.cmpi sge, %sub3A_240, %ge3A_244 : vector<16xi32>
      %lt3A_246 = arith.constant 65536 : i32
      %lt3A_247 = vector.broadcast %lt3A_246 : i32 to vector<16xi32>
      %lt3A_248 = arith.cmpi slt, %sub3A_240, %lt3A_247 : vector<16xi32>
      %and3A_249 = arith.andi %ge3A_245, %lt3A_248 : vector<16xi1>
      %swap3A_250 = arith.index_cast %add3A_232 : i32 to index
      %swap3A_251 = tpu.vector_load %arg11[%swap3A_250] masked %and3A_249 {strides = array<i32>} : memref<4112xi32, #tpu.memory_space<vmem>>, vector<16xi32>, vector<16xi1>
      tpu.vector_store %arg11[%swap3A_250], %sub3A_240 masked %and3A_249 {strides = array<i32>} : memref<4112xi32, #tpu.memory_space<vmem>>, vector<16xi32>, vector<16xi1>
      %swap3A_252 = arith.index_cast %add3A_232 : i32 to index
      %swap3A_253 = tpu.vector_load %arg12[%swap3A_252] masked %and3A_249 {strides = array<i32>} : memref<4112xf32, #tpu.memory_space<vmem>>, vector<16xf32>, vector<16xi1>
      tpu.vector_store %arg12[%swap3A_252], %get3A_242 masked %and3A_249 {strides = array<i32>} : memref<4112xf32, #tpu.memory_space<vmem>>, vector<16xf32>, vector<16xi1>
      %all_reduce_population_count3A_254 = tpu.all_reduce %and3A_249 {dim = 0 : i64, kind = #tpu.reduction_kind<sum>} : vector<16xi1> -> vector<16xi32>
      %slice3A_255 = vector.extract_strided_slice %all_reduce_population_count3A_254 {offsets = [0], sizes = [1], strides = [1]} : vector<16xi32> to vector<1xi32>
      %squeeze3A_256 = vector.extract %slice3A_255[0] : i32 from vector<1xi32>
      %add3A_257 = arith.addi %add3A_232, %squeeze3A_256 : i32
      %scan3A_258 = arith.constant 5 : i32
      %scan3A_259 = arith.addi %scan3A_139, %scan3A_258 : i32
      %mul3A_260 = arith.constant 16 : i32
      %mul3A_261 = arith.muli %scan3A_259, %mul3A_260 : i32
      %get3A_262 = arith.index_cast %mul3A_261 : i32 to index
      %get3A_263 = tpu.vector_load %arg7[%get3A_262] {strides = array<i32>} : memref<4096xi32, #tpu.memory_space<vmem>>, vector<16xi32>,
      %sub3A_264 = vector.broadcast %mul3A_2 : i32 to vector<16xi32>
      %sub3A_265 = arith.subi %get3A_263, %sub3A_264 : vector<16xi32>
      %get3A_266 = arith.index_cast %mul3A_261 : i32 to index
      %get3A_267 = tpu.vector_load %arg8[%get3A_266] {strides = array<i32>} : memref<4096xf32, #tpu.memory_space<vmem>>, vector<16xf32>,
      %ge3A_268 = arith.constant 0 : i32
      %ge3A_269 = vector.broadcast %ge3A_268 : i32 to vector<16xi32>
      %ge3A_270 = arith.cmpi sge, %sub3A_265, %ge3A_269 : vector<16xi32>
      %lt3A_271 = arith.constant 65536 : i32
      %lt3A_272 = vector.broadcast %lt3A_271 : i32 to vector<16xi32>
      %lt3A_273 = arith.cmpi slt, %sub3A_265, %lt3A_272 : vector<16xi32>
      %and3A_274 = arith.andi %ge3A_270, %lt3A_273 : vector<16xi1>
      %swap3A_275 = arith.index_cast %add3A_257 : i32 to index
      %swap3A_276 = tpu.vector_load %arg11[%swap3A_275] masked %and3A_274 {strides = array<i32>} : memref<4112xi32, #tpu.memory_space<vmem>>, vector<16xi32>, vector<16xi1>
      tpu.vector_store %arg11[%swap3A_275], %sub3A_265 masked %and3A_274 {strides = array<i32>} : memref<4112xi32, #tpu.memory_space<vmem>>, vector<16xi32>, vector<16xi1>
      %swap3A_277 = arith.index_cast %add3A_257 : i32 to index
      %swap3A_278 = tpu.vector_load %arg12[%swap3A_277] masked %and3A_274 {strides = array<i32>} : memref<4112xf32, #tpu.memory_space<vmem>>, vector<16xf32>, vector<16xi1>
      tpu.vector_store %arg12[%swap3A_277], %get3A_267 masked %and3A_274 {strides = array<i32>} : memref<4112xf32, #tpu.memory_space<vmem>>, vector<16xf32>, vector<16xi1>
      %all_reduce_population_count3A_279 = tpu.all_reduce %and3A_274 {dim = 0 : i64, kind = #tpu.reduction_kind<sum>} : vector<16xi1> -> vector<16xi32>
      %slice3A_280 = vector.extract_strided_slice %all_reduce_population_count3A_279 {offsets = [0], sizes = [1], strides = [1]} : vector<16xi32> to vector<1xi32>
      %squeeze3A_281 = vector.extract %slice3A_280[0] : i32 from vector<1xi32>
      %add3A_282 = arith.addi %add3A_257, %squeeze3A_281 : i32
      %scan3A_283 = arith.constant 6 : i32
      %scan3A_284 = arith.addi %scan3A_139, %scan3A_283 : i32
      %mul3A_285 = arith.constant 16 : i32
      %mul3A_286 = arith.muli %scan3A_284, %mul3A_285 : i32
      %get3A_287 = arith.index_cast %mul3A_286 : i32 to index
      %get3A_288 = tpu.vector_load %arg7[%get3A_287] {strides = array<i32>} : memref<4096xi32, #tpu.memory_space<vmem>>, vector<16xi32>,
      %sub3A_289 = vector.broadcast %mul3A_2 : i32 to vector<16xi32>
      %sub3A_290 = arith.subi %get3A_288, %sub3A_289 : vector<16xi32>
      %get3A_291 = arith.index_cast %mul3A_286 : i32 to index
      %get3A_292 = tpu.vector_load %arg8[%get3A_291] {strides = array<i32>} : memref<4096xf32, #tpu.memory_space<vmem>>, vector<16xf32>,
      %ge3A_293 = arith.constant 0 : i32
      %ge3A_294 = vector.broadcast %ge3A_293 : i32 to vector<16xi32>
      %ge3A_295 = arith.cmpi sge, %sub3A_290, %ge3A_294 : vector<16xi32>
      %lt3A_296 = arith.constant 65536 : i32
      %lt3A_297 = vector.broadcast %lt3A_296 : i32 to vector<16xi32>
      %lt3A_298 = arith.cmpi slt, %sub3A_290, %lt3A_297 : vector<16xi32>
      %and3A_299 = arith.andi %ge3A_295, %lt3A_298 : vector<16xi1>
      %swap3A_300 = arith.index_cast %add3A_282 : i32 to index
      %swap3A_301 = tpu.vector_load %arg11[%swap3A_300] masked %and3A_299 {strides = array<i32>} : memref<4112xi32, #tpu.memory_space<vmem>>, vector<16xi32>, vector<16xi1>
      tpu.vector_store %arg11[%swap3A_300], %sub3A_290 masked %and3A_299 {strides = array<i32>} : memref<4112xi32, #tpu.memory_space<vmem>>, vector<16xi32>, vector<16xi1>
      %swap3A_302 = arith.index_cast %add3A_282 : i32 to index
      %swap3A_303 = tpu.vector_load %arg12[%swap3A_302] masked %and3A_299 {strides = array<i32>} : memref<4112xf32, #tpu.memory_space<vmem>>, vector<16xf32>, vector<16xi1>
      tpu.vector_store %arg12[%swap3A_302], %get3A_292 masked %and3A_299 {strides = array<i32>} : memref<4112xf32, #tpu.memory_space<vmem>>, vector<16xf32>, vector<16xi1>
      %all_reduce_population_count3A_304 = tpu.all_reduce %and3A_299 {dim = 0 : i64, kind = #tpu.reduction_kind<sum>} : vector<16xi1> -> vector<16xi32>
      %slice3A_305 = vector.extract_strided_slice %all_reduce_population_count3A_304 {offsets = [0], sizes = [1], strides = [1]} : vector<16xi32> to vector<1xi32>
      %squeeze3A_306 = vector.extract %slice3A_305[0] : i32 from vector<1xi32>
      %add3A_307 = arith.addi %add3A_282, %squeeze3A_306 : i32
      %scan3A_308 = arith.constant 7 : i32
      %scan3A_309 = arith.addi %scan3A_139, %scan3A_308 : i32
      %mul3A_310 = arith.constant 16 : i32
      %mul3A_311 = arith.muli %scan3A_309, %mul3A_310 : i32
      %get3A_312 = arith.index_cast %mul3A_311 : i32 to index
      %get3A_313 = tpu.vector_load %arg7[%get3A_312] {strides = array<i32>} : memref<4096xi32, #tpu.memory_space<vmem>>, vector<16xi32>,
      %sub3A_314 = vector.broadcast %mul3A_2 : i32 to vector<16xi32>
      %sub3A_315 = arith.subi %get3A_313, %sub3A_314 : vector<16xi32>
      %get3A_316 = arith.index_cast %mul3A_311 : i32 to index
      %get3A_317 = tpu.vector_load %arg8[%get3A_316] {strides = array<i32>} : memref<4096xf32, #tpu.memory_space<vmem>>, vector<16xf32>,
      %ge3A_318 = arith.constant 0 : i32
      %ge3A_319 = vector.broadcast %ge3A_318 : i32 to vector<16xi32>
      %ge3A_320 = arith.cmpi sge, %sub3A_315, %ge3A_319 : vector<16xi32>
      %lt3A_321 = arith.constant 65536 : i32
      %lt3A_322 = vector.broadcast %lt3A_321 : i32 to vector<16xi32>
      %lt3A_323 = arith.cmpi slt, %sub3A_315, %lt3A_322 : vector<16xi32>
      %and3A_324 = arith.andi %ge3A_320, %lt3A_323 : vector<16xi1>
      %swap3A_325 = arith.index_cast %add3A_307 : i32 to index
      %swap3A_326 = tpu.vector_load %arg11[%swap3A_325] masked %and3A_324 {strides = array<i32>} : memref<4112xi32, #tpu.memory_space<vmem>>, vector<16xi32>, vector<16xi1>
      tpu.vector_store %arg11[%swap3A_325], %sub3A_315 masked %and3A_324 {strides = array<i32>} : memref<4112xi32, #tpu.memory_space<vmem>>, vector<16xi32>, vector<16xi1>
      %swap3A_327 = arith.index_cast %add3A_307 : i32 to index
      %swap3A_328 = tpu.vector_load %arg12[%swap3A_327] masked %and3A_324 {strides = array<i32>} : memref<4112xf32, #tpu.memory_space<vmem>>, vector<16xf32>, vector<16xi1>
      tpu.vector_store %arg12[%swap3A_327], %get3A_317 masked %and3A_324 {strides = array<i32>} : memref<4112xf32, #tpu.memory_space<vmem>>, vector<16xf32>, vector<16xi1>
      %all_reduce_population_count3A_329 = tpu.all_reduce %and3A_324 {dim = 0 : i64, kind = #tpu.reduction_kind<sum>} : vector<16xi1> -> vector<16xi32>
      %slice3A_330 = vector.extract_strided_slice %all_reduce_population_count3A_329 {offsets = [0], sizes = [1], strides = [1]} : vector<16xi32> to vector<1xi32>
      %squeeze3A_331 = vector.extract %slice3A_330[0] : i32 from vector<1xi32>
      %add3A_332 = arith.addi %add3A_307, %squeeze3A_331 : i32
      scf.yield %add3A_332 : i32
    }
    %scan3A_42 = arith.constant 256 : i32
    %swap3A = arith.index_cast %scan3A_41 : i32 to index
    %swap3A_43 = tpu.vector_load %arg11[%swap3A] {strides = array<i32>} : memref<4112xi32, #tpu.memory_space<vmem>>, vector<16xi32>,
    tpu.vector_store %arg11[%swap3A], %add3A_5 {strides = array<i32>} : memref<4112xi32, #tpu.memory_space<vmem>>, vector<16xi32>,
    %broadcast_in_dim3A = arith.constant -1.000000e+00 : f32
    %broadcast_in_dim3A_44 = vector.broadcast %broadcast_in_dim3A : f32 to vector<16xf32>
    %swap3A_45 = arith.index_cast %scan3A_41 : i32 to index
    %swap3A_46 = tpu.vector_load %arg12[%swap3A_45] {strides = array<i32>} : memref<4112xf32, #tpu.memory_space<vmem>>, vector<16xf32>,
    tpu.vector_store %arg12[%swap3A_45], %broadcast_in_dim3A_44 {strides = array<i32>} : memref<4112xf32, #tpu.memory_space<vmem>>, vector<16xf32>,
    %jit3A = arith.constant 16 : i32
    %div3A = arith.divsi %scan3A_41, %jit3A : i32
    %sign3A = arith.constant 0 : i32
    %sign3A_47 = arith.cmpi sgt, %scan3A_41, %sign3A : i32
    %sign3A_48 = arith.extui %sign3A_47 : i1 to i32
    %sign3A_49 = arith.constant 0 : i32
    %sign3A_50 = arith.cmpi slt, %scan3A_41, %sign3A_49 : i32
    %sign3A_51 = arith.extui %sign3A_50 : i1 to i32
    %sign3A_52 = arith.subi %sign3A_48, %sign3A_51 : i32
    %sign3A_53 = arith.constant 0 : i32
    %sign3A_54 = arith.cmpi sgt, %jit3A, %sign3A_53 : i32
    %sign3A_55 = arith.extui %sign3A_54 : i1 to i32
    %sign3A_56 = arith.constant 0 : i32
    %sign3A_57 = arith.cmpi slt, %jit3A, %sign3A_56 : i32
    %sign3A_58 = arith.extui %sign3A_57 : i1 to i32
    %sign3A_59 = arith.subi %sign3A_55, %sign3A_58 : i32
    %ne3A = arith.cmpi ne, %sign3A_52, %sign3A_59 : i32
    %rem3A = arith.remsi %scan3A_41, %jit3A : i32
    %ne3A_60 = arith.constant 0 : i32
    %ne3A_61 = arith.cmpi ne, %rem3A, %ne3A_60 : i32
    %and3A = arith.andi %ne3A, %ne3A_61 : i1
    %sub3A = arith.constant 1 : i32
    %sub3A_62 = arith.subi %div3A, %sub3A : i32
    %select_n3A = arith.select %and3A, %sub3A_62, %div3A : i32
    %add3A_63 = arith.constant 1 : i32
    %add3A_64 = arith.addi %select_n3A, %add3A_63 : i32
    %while3A = arith.constant 0 : i32
    %while3A_65 = arith.constant 0 : i32
    %while3A_66 = arith.subi %add3A_64, %while3A : i32
    %while3A_67 = arith.addi %while3A, %while3A_66 : i32
    %while3A_68 = arith.constant 1 : i32
    %while3A_69 = arith.divsi %while3A_66, %while3A_68 : i32
    %while3A_70 = arith.muli %while3A_69, %while3A_68 : i32
    %while3A_71 = arith.addi %while3A, %while3A_70 : i32
    %while3A_72 = arith.constant 1 : i32
    %while3A_73 = scf.for %while3A_139 = %while3A to %while3A_71 step %while3A_72 iter_args(%while3A_140 = %while3A_65) -> (i32)  : i32 {
      %mul3A_141 = arith.constant 16 : i32
      %mul3A_142 = arith.muli %while3A_139, %mul3A_141 : i32
      %get3A = arith.index_cast %mul3A_142 : i32 to index
      %get3A_143 = tpu.vector_load %arg11[%get3A] {strides = array<i32>} : memref<4112xi32, #tpu.memory_space<vmem>>, vector<16xi32>,
      %get3A_144 = arith.index_cast %mul3A_142 : i32 to index
      %get3A_145 = tpu.vector_load %arg12[%get3A_144] {strides = array<i32>} : memref<4112xf32, #tpu.memory_space<vmem>>, vector<16xf32>,
      %gather3A = tpu.vector_load_idx %arg6[%get3A_143] : memref<65552xf32, #tpu.memory_space<vmem>>[vector<16xi32>], vector<16xf32>,
      %max3A = arith.maximumf %gather3A, %get3A_145 : vector<16xf32>
      tpu.vector_store_idx %arg6[%get3A_143], %max3A : memref<65552xf32, #tpu.memory_space<vmem>>[vector<16xi32>], vector<16xf32>,
      %gather3A_146 = tpu.vector_load_idx %arg6[%get3A_143] : memref<65552xf32, #tpu.memory_space<vmem>>[vector<16xi32>], vector<16xf32>,
      %lt3A = arith.cmpf olt, %gather3A_146, %get3A_145 : vector<16xf32>
      %lt3A_147 = arith.constant 65536 : i32
      %lt3A_148 = vector.broadcast %lt3A_147 : i32 to vector<16xi32>
      %lt3A_149 = arith.cmpi slt, %get3A_143, %lt3A_148 : vector<16xi32>
      %and3A_150 = arith.andi %lt3A, %lt3A_149 : vector<16xi1>
      %swap3A_151 = arith.index_cast %while3A_140 : i32 to index
      %swap3A_152 = tpu.vector_load %arg13[%swap3A_151] masked %and3A_150 {strides = array<i32>} : memref<4112xi32, #tpu.memory_space<vmem>>, vector<16xi32>, vector<16xi1>
      tpu.vector_store %arg13[%swap3A_151], %get3A_143 masked %and3A_150 {strides = array<i32>} : memref<4112xi32, #tpu.memory_space<vmem>>, vector<16xi32>, vector<16xi1>
      %swap3A_153 = arith.index_cast %while3A_140 : i32 to index
      %swap3A_154 = tpu.vector_load %arg14[%swap3A_153] masked %and3A_150 {strides = array<i32>} : memref<4112xf32, #tpu.memory_space<vmem>>, vector<16xf32>, vector<16xi1>
      tpu.vector_store %arg14[%swap3A_153], %get3A_145 masked %and3A_150 {strides = array<i32>} : memref<4112xf32, #tpu.memory_space<vmem>>, vector<16xf32>, vector<16xi1>
      %all_reduce_population_count3A = tpu.all_reduce %and3A_150 {dim = 0 : i64, kind = #tpu.reduction_kind<sum>} : vector<16xi1> -> vector<16xi32>
      %slice3A = vector.extract_strided_slice %all_reduce_population_count3A {offsets = [0], sizes = [1], strides = [1]} : vector<16xi32> to vector<1xi32>
      %squeeze3A = vector.extract %slice3A[0] : i32 from vector<1xi32>
      %add3A_155 = arith.addi %while3A_140, %squeeze3A : i32
      scf.yield %add3A_155 : i32
    }
    %while3A_74 = arith.constant 1 : i32
    %while3A_75 = scf.for %while3A_139 = %while3A_71 to %while3A_67 step %while3A_74 iter_args(%while3A_140 = %while3A_73) -> (i32)  : i32 {
      %mul3A_141 = arith.constant 16 : i32
      %mul3A_142 = arith.muli %while3A_139, %mul3A_141 : i32
      %get3A = arith.index_cast %mul3A_142 : i32 to index
      %get3A_143 = tpu.vector_load %arg11[%get3A] {strides = array<i32>} : memref<4112xi32, #tpu.memory_space<vmem>>, vector<16xi32>,
      %get3A_144 = arith.index_cast %mul3A_142 : i32 to index
      %get3A_145 = tpu.vector_load %arg12[%get3A_144] {strides = array<i32>} : memref<4112xf32, #tpu.memory_space<vmem>>, vector<16xf32>,
      %gather3A = tpu.vector_load_idx %arg6[%get3A_143] : memref<65552xf32, #tpu.memory_space<vmem>>[vector<16xi32>], vector<16xf32>,
      %max3A = arith.maximumf %gather3A, %get3A_145 : vector<16xf32>
      tpu.vector_store_idx %arg6[%get3A_143], %max3A : memref<65552xf32, #tpu.memory_space<vmem>>[vector<16xi32>], vector<16xf32>,
      %gather3A_146 = tpu.vector_load_idx %arg6[%get3A_143] : memref<65552xf32, #tpu.memory_space<vmem>>[vector<16xi32>], vector<16xf32>,
      %lt3A = arith.cmpf olt, %gather3A_146, %get3A_145 : vector<16xf32>
      %lt3A_147 = arith.constant 65536 : i32
      %lt3A_148 = vector.broadcast %lt3A_147 : i32 to vector<16xi32>
      %lt3A_149 = arith.cmpi slt, %get3A_143, %lt3A_148 : vector<16xi32>
      %and3A_150 = arith.andi %lt3A, %lt3A_149 : vector<16xi1>
      %swap3A_151 = arith.index_cast %while3A_140 : i32 to index
      %swap3A_152 = tpu.vector_load %arg13[%swap3A_151] masked %and3A_150 {strides = array<i32>} : memref<4112xi32, #tpu.memory_space<vmem>>, vector<16xi32>, vector<16xi1>
      tpu.vector_store %arg13[%swap3A_151], %get3A_143 masked %and3A_150 {strides = array<i32>} : memref<4112xi32, #tpu.memory_space<vmem>>, vector<16xi32>, vector<16xi1>
      %swap3A_153 = arith.index_cast %while3A_140 : i32 to index
      %swap3A_154 = tpu.vector_load %arg14[%swap3A_153] masked %and3A_150 {strides = array<i32>} : memref<4112xf32, #tpu.memory_space<vmem>>, vector<16xf32>, vector<16xi1>
      tpu.vector_store %arg14[%swap3A_153], %get3A_145 masked %and3A_150 {strides = array<i32>} : memref<4112xf32, #tpu.memory_space<vmem>>, vector<16xf32>, vector<16xi1>
      %all_reduce_population_count3A = tpu.all_reduce %and3A_150 {dim = 0 : i64, kind = #tpu.reduction_kind<sum>} : vector<16xi1> -> vector<16xi32>
      %slice3A = vector.extract_strided_slice %all_reduce_population_count3A {offsets = [0], sizes = [1], strides = [1]} : vector<16xi32> to vector<1xi32>
      %squeeze3A = vector.extract %slice3A[0] : i32 from vector<1xi32>
      %add3A_155 = arith.addi %while3A_140, %squeeze3A : i32
      scf.yield %add3A_155 : i32
    }
    %while3A_76 = arith.constant 0 : i32
    %while3A_77 = scf.while (%while3A_139 = %while3A_76) : (i32) -> i32 {
      %lt3A = arith.cmpi slt, %while3A_139, %while3A_75 : i32
      scf.condition(%lt3A) %while3A_139 : i32
    } do {
    ^bb0(%while3A_139: i32):
      %get3A = arith.index_cast %while3A_139 : i32 to index
      %get3A_140 = tpu.vector_load %arg13[%get3A] {strides = array<i32>} : memref<4112xi32, #tpu.memory_space<vmem>>, vector<16xi32>,
      %and3A_141 = arith.constant 65535 : i32
      %and3A_142 = vector.broadcast %and3A_141 : i32 to vector<16xi32>
      %and3A_143 = arith.andi %get3A_140, %and3A_142 : vector<16xi32>
      %get3A_144 = arith.index_cast %while3A_139 : i32 to index
      %get3A_145 = tpu.vector_load %arg14[%get3A_144] {strides = array<i32>} : memref<4112xf32, #tpu.memory_space<vmem>>, vector<16xf32>,
      %gather3A = tpu.vector_load_idx %arg6[%and3A_143] : memref<65552xf32, #tpu.memory_space<vmem>>[vector<16xi32>], vector<16xf32>,
      %max3A = arith.maximumf %gather3A, %get3A_145 : vector<16xf32>
      tpu.vector_store_idx %arg6[%and3A_143], %max3A masked %eq3A_8 : memref<65552xf32, #tpu.memory_space<vmem>>[vector<16xi32>], vector<16xf32>, vector<16xi1>
      %add3A_146 = arith.constant 1 : i32
      %add3A_147 = arith.addi %while3A_139, %add3A_146 : i32
      scf.yield %add3A_147 : i32
    }
    %dma_wait3A_78 = arith.constant 0 : i32
    %dma_wait3A_79 = tpu.memref_slice %arg2[%dma_wait3A_78] : memref<2097152xi32, #tpu.memory_space<hbm>> -> memref<4096xi32, #tpu.memory_space<hbm>>
    %dma_wait3A_80 = arith.constant 0 : i32
    %dma_wait3A_81 = tpu.memref_slice %arg2[%dma_wait3A_80] : memref<2097152xi32, #tpu.memory_space<hbm>> -> memref<4096xi32, #tpu.memory_space<hbm>>
    tpu.wait_dma2 semaphore(%arg16 : memref<!tpu.dma_semaphore, #tpu.memory_space<semaphore_mem>>) src(%dma_wait3A_81 : memref<4096xi32, #tpu.memory_space<hbm>>) dst(%arg9 : memref<4096xi32, #tpu.memory_space<vmem>>)
    %dma_wait3A_82 = arith.constant 0 : i32
    %dma_wait3A_83 = tpu.memref_slice %arg3[%dma_wait3A_82] : memref<2097152xf32, #tpu.memory_space<hbm>> -> memref<4096xf32, #tpu.memory_space<hbm>>
    %dma_wait3A_84 = arith.constant 0 : i32
    %dma_wait3A_85 = tpu.memref_slice %arg3[%dma_wait3A_84] : memref<2097152xf32, #tpu.memory_space<hbm>> -> memref<4096xf32, #tpu.memory_space<hbm>>
    tpu.wait_dma2 semaphore(%arg16 : memref<!tpu.dma_semaphore, #tpu.memory_space<semaphore_mem>>) src(%dma_wait3A_85 : memref<4096xf32, #tpu.memory_space<hbm>>) dst(%arg10 : memref<4096xf32, #tpu.memory_space<vmem>>)
    %scan3A_86 = arith.constant 0 : i32
    %scan3A_87 = arith.constant 0 : i32
    %scan3A_88 = arith.constant 256 : i32
    %scan3A_89 = arith.addi %scan3A_87, %scan3A_88 : i32
    %scan3A_90 = arith.constant 8 : i32
    %scan3A_91 = scf.for %scan3A_139 = %scan3A_87 to %scan3A_89 step %scan3A_90 iter_args(%scan3A_140 = %scan3A_86) -> (i32)  : i32 {
      %mul3A_141 = arith.constant 16 : i32
      %mul3A_142 = arith.muli %scan3A_139, %mul3A_141 : i32
      %get3A = arith.index_cast %mul3A_142 : i32 to index
      %get3A_143 = tpu.vector_load %arg9[%get3A] {strides = array<i32>} : memref<4096xi32, #tpu.memory_space<vmem>>, vector<16xi32>,
      %sub3A_144 = vector.broadcast %mul3A_2 : i32 to vector<16xi32>
      %sub3A_145 = arith.subi %get3A_143, %sub3A_144 : vector<16xi32>
      %get3A_146 = arith.index_cast %mul3A_142 : i32 to index
      %get3A_147 = tpu.vector_load %arg10[%get3A_146] {strides = array<i32>} : memref<4096xf32, #tpu.memory_space<vmem>>, vector<16xf32>,
      %ge3A = arith.constant 0 : i32
      %ge3A_148 = vector.broadcast %ge3A : i32 to vector<16xi32>
      %ge3A_149 = arith.cmpi sge, %sub3A_145, %ge3A_148 : vector<16xi32>
      %lt3A = arith.constant 65536 : i32
      %lt3A_150 = vector.broadcast %lt3A : i32 to vector<16xi32>
      %lt3A_151 = arith.cmpi slt, %sub3A_145, %lt3A_150 : vector<16xi32>
      %and3A_152 = arith.andi %ge3A_149, %lt3A_151 : vector<16xi1>
      %swap3A_153 = arith.index_cast %scan3A_140 : i32 to index
      %swap3A_154 = tpu.vector_load %arg11[%swap3A_153] masked %and3A_152 {strides = array<i32>} : memref<4112xi32, #tpu.memory_space<vmem>>, vector<16xi32>, vector<16xi1>
      tpu.vector_store %arg11[%swap3A_153], %sub3A_145 masked %and3A_152 {strides = array<i32>} : memref<4112xi32, #tpu.memory_space<vmem>>, vector<16xi32>, vector<16xi1>
      %swap3A_155 = arith.index_cast %scan3A_140 : i32 to index
      %swap3A_156 = tpu.vector_load %arg12[%swap3A_155] masked %and3A_152 {strides = array<i32>} : memref<4112xf32, #tpu.memory_space<vmem>>, vector<16xf32>, vector<16xi1>
      tpu.vector_store %arg12[%swap3A_155], %get3A_147 masked %and3A_152 {strides = array<i32>} : memref<4112xf32, #tpu.memory_space<vmem>>, vector<16xf32>, vector<16xi1>
      %all_reduce_population_count3A = tpu.all_reduce %and3A_152 {dim = 0 : i64, kind = #tpu.reduction_kind<sum>} : vector<16xi1> -> vector<16xi32>
      %slice3A = vector.extract_strided_slice %all_reduce_population_count3A {offsets = [0], sizes = [1], strides = [1]} : vector<16xi32> to vector<1xi32>
      %squeeze3A = vector.extract %slice3A[0] : i32 from vector<1xi32>
      %add3A_157 = arith.addi %scan3A_140, %squeeze3A : i32
      %scan3A_158 = arith.constant 1 : i32
      %scan3A_159 = arith.addi %scan3A_139, %scan3A_158 : i32
      %mul3A_160 = arith.constant 16 : i32
      %mul3A_161 = arith.muli %scan3A_159, %mul3A_160 : i32
      %get3A_162 = arith.index_cast %mul3A_161 : i32 to index
      %get3A_163 = tpu.vector_load %arg9[%get3A_162] {strides = array<i32>} : memref<4096xi32, #tpu.memory_space<vmem>>, vector<16xi32>,
      %sub3A_164 = vector.broadcast %mul3A_2 : i32 to vector<16xi32>
      %sub3A_165 = arith.subi %get3A_163, %sub3A_164 : vector<16xi32>
      %get3A_166 = arith.index_cast %mul3A_161 : i32 to index
      %get3A_167 = tpu.vector_load %arg10[%get3A_166] {strides = array<i32>} : memref<4096xf32, #tpu.memory_space<vmem>>, vector<16xf32>,
      %ge3A_168 = arith.constant 0 : i32
      %ge3A_169 = vector.broadcast %ge3A_168 : i32 to vector<16xi32>
      %ge3A_170 = arith.cmpi sge, %sub3A_165, %ge3A_169 : vector<16xi32>
      %lt3A_171 = arith.constant 65536 : i32
      %lt3A_172 = vector.broadcast %lt3A_171 : i32 to vector<16xi32>
      %lt3A_173 = arith.cmpi slt, %sub3A_165, %lt3A_172 : vector<16xi32>
      %and3A_174 = arith.andi %ge3A_170, %lt3A_173 : vector<16xi1>
      %swap3A_175 = arith.index_cast %add3A_157 : i32 to index
      %swap3A_176 = tpu.vector_load %arg11[%swap3A_175] masked %and3A_174 {strides = array<i32>} : memref<4112xi32, #tpu.memory_space<vmem>>, vector<16xi32>, vector<16xi1>
      tpu.vector_store %arg11[%swap3A_175], %sub3A_165 masked %and3A_174 {strides = array<i32>} : memref<4112xi32, #tpu.memory_space<vmem>>, vector<16xi32>, vector<16xi1>
      %swap3A_177 = arith.index_cast %add3A_157 : i32 to index
      %swap3A_178 = tpu.vector_load %arg12[%swap3A_177] masked %and3A_174 {strides = array<i32>} : memref<4112xf32, #tpu.memory_space<vmem>>, vector<16xf32>, vector<16xi1>
      tpu.vector_store %arg12[%swap3A_177], %get3A_167 masked %and3A_174 {strides = array<i32>} : memref<4112xf32, #tpu.memory_space<vmem>>, vector<16xf32>, vector<16xi1>
      %all_reduce_population_count3A_179 = tpu.all_reduce %and3A_174 {dim = 0 : i64, kind = #tpu.reduction_kind<sum>} : vector<16xi1> -> vector<16xi32>
      %slice3A_180 = vector.extract_strided_slice %all_reduce_population_count3A_179 {offsets = [0], sizes = [1], strides = [1]} : vector<16xi32> to vector<1xi32>
      %squeeze3A_181 = vector.extract %slice3A_180[0] : i32 from vector<1xi32>
      %add3A_182 = arith.addi %add3A_157, %squeeze3A_181 : i32
      %scan3A_183 = arith.constant 2 : i32
      %scan3A_184 = arith.addi %scan3A_139, %scan3A_183 : i32
      %mul3A_185 = arith.constant 16 : i32
      %mul3A_186 = arith.muli %scan3A_184, %mul3A_185 : i32
      %get3A_187 = arith.index_cast %mul3A_186 : i32 to index
      %get3A_188 = tpu.vector_load %arg9[%get3A_187] {strides = array<i32>} : memref<4096xi32, #tpu.memory_space<vmem>>, vector<16xi32>,
      %sub3A_189 = vector.broadcast %mul3A_2 : i32 to vector<16xi32>
      %sub3A_190 = arith.subi %get3A_188, %sub3A_189 : vector<16xi32>
      %get3A_191 = arith.index_cast %mul3A_186 : i32 to index
      %get3A_192 = tpu.vector_load %arg10[%get3A_191] {strides = array<i32>} : memref<4096xf32, #tpu.memory_space<vmem>>, vector<16xf32>,
      %ge3A_193 = arith.constant 0 : i32
      %ge3A_194 = vector.broadcast %ge3A_193 : i32 to vector<16xi32>
      %ge3A_195 = arith.cmpi sge, %sub3A_190, %ge3A_194 : vector<16xi32>
      %lt3A_196 = arith.constant 65536 : i32
      %lt3A_197 = vector.broadcast %lt3A_196 : i32 to vector<16xi32>
      %lt3A_198 = arith.cmpi slt, %sub3A_190, %lt3A_197 : vector<16xi32>
      %and3A_199 = arith.andi %ge3A_195, %lt3A_198 : vector<16xi1>
      %swap3A_200 = arith.index_cast %add3A_182 : i32 to index
      %swap3A_201 = tpu.vector_load %arg11[%swap3A_200] masked %and3A_199 {strides = array<i32>} : memref<4112xi32, #tpu.memory_space<vmem>>, vector<16xi32>, vector<16xi1>
      tpu.vector_store %arg11[%swap3A_200], %sub3A_190 masked %and3A_199 {strides = array<i32>} : memref<4112xi32, #tpu.memory_space<vmem>>, vector<16xi32>, vector<16xi1>
      %swap3A_202 = arith.index_cast %add3A_182 : i32 to index
      %swap3A_203 = tpu.vector_load %arg12[%swap3A_202] masked %and3A_199 {strides = array<i32>} : memref<4112xf32, #tpu.memory_space<vmem>>, vector<16xf32>, vector<16xi1>
      tpu.vector_store %arg12[%swap3A_202], %get3A_192 masked %and3A_199 {strides = array<i32>} : memref<4112xf32, #tpu.memory_space<vmem>>, vector<16xf32>, vector<16xi1>
      %all_reduce_population_count3A_204 = tpu.all_reduce %and3A_199 {dim = 0 : i64, kind = #tpu.reduction_kind<sum>} : vector<16xi1> -> vector<16xi32>
      %slice3A_205 = vector.extract_strided_slice %all_reduce_population_count3A_204 {offsets = [0], sizes = [1], strides = [1]} : vector<16xi32> to vector<1xi32>
      %squeeze3A_206 = vector.extract %slice3A_205[0] : i32 from vector<1xi32>
      %add3A_207 = arith.addi %add3A_182, %squeeze3A_206 : i32
      %scan3A_208 = arith.constant 3 : i32
      %scan3A_209 = arith.addi %scan3A_139, %scan3A_208 : i32
      %mul3A_210 = arith.constant 16 : i32
      %mul3A_211 = arith.muli %scan3A_209, %mul3A_210 : i32
      %get3A_212 = arith.index_cast %mul3A_211 : i32 to index
      %get3A_213 = tpu.vector_load %arg9[%get3A_212] {strides = array<i32>} : memref<4096xi32, #tpu.memory_space<vmem>>, vector<16xi32>,
      %sub3A_214 = vector.broadcast %mul3A_2 : i32 to vector<16xi32>
      %sub3A_215 = arith.subi %get3A_213, %sub3A_214 : vector<16xi32>
      %get3A_216 = arith.index_cast %mul3A_211 : i32 to index
      %get3A_217 = tpu.vector_load %arg10[%get3A_216] {strides = array<i32>} : memref<4096xf32, #tpu.memory_space<vmem>>, vector<16xf32>,
      %ge3A_218 = arith.constant 0 : i32
      %ge3A_219 = vector.broadcast %ge3A_218 : i32 to vector<16xi32>
      %ge3A_220 = arith.cmpi sge, %sub3A_215, %ge3A_219 : vector<16xi32>
      %lt3A_221 = arith.constant 65536 : i32
      %lt3A_222 = vector.broadcast %lt3A_221 : i32 to vector<16xi32>
      %lt3A_223 = arith.cmpi slt, %sub3A_215, %lt3A_222 : vector<16xi32>
      %and3A_224 = arith.andi %ge3A_220, %lt3A_223 : vector<16xi1>
      %swap3A_225 = arith.index_cast %add3A_207 : i32 to index
      %swap3A_226 = tpu.vector_load %arg11[%swap3A_225] masked %and3A_224 {strides = array<i32>} : memref<4112xi32, #tpu.memory_space<vmem>>, vector<16xi32>, vector<16xi1>
      tpu.vector_store %arg11[%swap3A_225], %sub3A_215 masked %and3A_224 {strides = array<i32>} : memref<4112xi32, #tpu.memory_space<vmem>>, vector<16xi32>, vector<16xi1>
      %swap3A_227 = arith.index_cast %add3A_207 : i32 to index
      %swap3A_228 = tpu.vector_load %arg12[%swap3A_227] masked %and3A_224 {strides = array<i32>} : memref<4112xf32, #tpu.memory_space<vmem>>, vector<16xf32>, vector<16xi1>
      tpu.vector_store %arg12[%swap3A_227], %get3A_217 masked %and3A_224 {strides = array<i32>} : memref<4112xf32, #tpu.memory_space<vmem>>, vector<16xf32>, vector<16xi1>
      %all_reduce_population_count3A_229 = tpu.all_reduce %and3A_224 {dim = 0 : i64, kind = #tpu.reduction_kind<sum>} : vector<16xi1> -> vector<16xi32>
      %slice3A_230 = vector.extract_strided_slice %all_reduce_population_count3A_229 {offsets = [0], sizes = [1], strides = [1]} : vector<16xi32> to vector<1xi32>
      %squeeze3A_231 = vector.extract %slice3A_230[0] : i32 from vector<1xi32>
      %add3A_232 = arith.addi %add3A_207, %squeeze3A_231 : i32
      %scan3A_233 = arith.constant 4 : i32
      %scan3A_234 = arith.addi %scan3A_139, %scan3A_233 : i32
      %mul3A_235 = arith.constant 16 : i32
      %mul3A_236 = arith.muli %scan3A_234, %mul3A_235 : i32
      %get3A_237 = arith.index_cast %mul3A_236 : i32 to index
      %get3A_238 = tpu.vector_load %arg9[%get3A_237] {strides = array<i32>} : memref<4096xi32, #tpu.memory_space<vmem>>, vector<16xi32>,
      %sub3A_239 = vector.broadcast %mul3A_2 : i32 to vector<16xi32>
      %sub3A_240 = arith.subi %get3A_238, %sub3A_239 : vector<16xi32>
      %get3A_241 = arith.index_cast %mul3A_236 : i32 to index
      %get3A_242 = tpu.vector_load %arg10[%get3A_241] {strides = array<i32>} : memref<4096xf32, #tpu.memory_space<vmem>>, vector<16xf32>,
      %ge3A_243 = arith.constant 0 : i32
      %ge3A_244 = vector.broadcast %ge3A_243 : i32 to vector<16xi32>
      %ge3A_245 = arith.cmpi sge, %sub3A_240, %ge3A_244 : vector<16xi32>
      %lt3A_246 = arith.constant 65536 : i32
      %lt3A_247 = vector.broadcast %lt3A_246 : i32 to vector<16xi32>
      %lt3A_248 = arith.cmpi slt, %sub3A_240, %lt3A_247 : vector<16xi32>
      %and3A_249 = arith.andi %ge3A_245, %lt3A_248 : vector<16xi1>
      %swap3A_250 = arith.index_cast %add3A_232 : i32 to index
      %swap3A_251 = tpu.vector_load %arg11[%swap3A_250] masked %and3A_249 {strides = array<i32>} : memref<4112xi32, #tpu.memory_space<vmem>>, vector<16xi32>, vector<16xi1>
      tpu.vector_store %arg11[%swap3A_250], %sub3A_240 masked %and3A_249 {strides = array<i32>} : memref<4112xi32, #tpu.memory_space<vmem>>, vector<16xi32>, vector<16xi1>
      %swap3A_252 = arith.index_cast %add3A_232 : i32 to index
      %swap3A_253 = tpu.vector_load %arg12[%swap3A_252] masked %and3A_249 {strides = array<i32>} : memref<4112xf32, #tpu.memory_space<vmem>>, vector<16xf32>, vector<16xi1>
      tpu.vector_store %arg12[%swap3A_252], %get3A_242 masked %and3A_249 {strides = array<i32>} : memref<4112xf32, #tpu.memory_space<vmem>>, vector<16xf32>, vector<16xi1>
      %all_reduce_population_count3A_254 = tpu.all_reduce %and3A_249 {dim = 0 : i64, kind = #tpu.reduction_kind<sum>} : vector<16xi1> -> vector<16xi32>
      %slice3A_255 = vector.extract_strided_slice %all_reduce_population_count3A_254 {offsets = [0], sizes = [1], strides = [1]} : vector<16xi32> to vector<1xi32>
      %squeeze3A_256 = vector.extract %slice3A_255[0] : i32 from vector<1xi32>
      %add3A_257 = arith.addi %add3A_232, %squeeze3A_256 : i32
      %scan3A_258 = arith.constant 5 : i32
      %scan3A_259 = arith.addi %scan3A_139, %scan3A_258 : i32
      %mul3A_260 = arith.constant 16 : i32
      %mul3A_261 = arith.muli %scan3A_259, %mul3A_260 : i32
      %get3A_262 = arith.index_cast %mul3A_261 : i32 to index
      %get3A_263 = tpu.vector_load %arg9[%get3A_262] {strides = array<i32>} : memref<4096xi32, #tpu.memory_space<vmem>>, vector<16xi32>,
      %sub3A_264 = vector.broadcast %mul3A_2 : i32 to vector<16xi32>
      %sub3A_265 = arith.subi %get3A_263, %sub3A_264 : vector<16xi32>
      %get3A_266 = arith.index_cast %mul3A_261 : i32 to index
      %get3A_267 = tpu.vector_load %arg10[%get3A_266] {strides = array<i32>} : memref<4096xf32, #tpu.memory_space<vmem>>, vector<16xf32>,
      %ge3A_268 = arith.constant 0 : i32
      %ge3A_269 = vector.broadcast %ge3A_268 : i32 to vector<16xi32>
      %ge3A_270 = arith.cmpi sge, %sub3A_265, %ge3A_269 : vector<16xi32>
      %lt3A_271 = arith.constant 65536 : i32
      %lt3A_272 = vector.broadcast %lt3A_271 : i32 to vector<16xi32>
      %lt3A_273 = arith.cmpi slt, %sub3A_265, %lt3A_272 : vector<16xi32>
      %and3A_274 = arith.andi %ge3A_270, %lt3A_273 : vector<16xi1>
      %swap3A_275 = arith.index_cast %add3A_257 : i32 to index
      %swap3A_276 = tpu.vector_load %arg11[%swap3A_275] masked %and3A_274 {strides = array<i32>} : memref<4112xi32, #tpu.memory_space<vmem>>, vector<16xi32>, vector<16xi1>
      tpu.vector_store %arg11[%swap3A_275], %sub3A_265 masked %and3A_274 {strides = array<i32>} : memref<4112xi32, #tpu.memory_space<vmem>>, vector<16xi32>, vector<16xi1>
      %swap3A_277 = arith.index_cast %add3A_257 : i32 to index
      %swap3A_278 = tpu.vector_load %arg12[%swap3A_277] masked %and3A_274 {strides = array<i32>} : memref<4112xf32, #tpu.memory_space<vmem>>, vector<16xf32>, vector<16xi1>
      tpu.vector_store %arg12[%swap3A_277], %get3A_267 masked %and3A_274 {strides = array<i32>} : memref<4112xf32, #tpu.memory_space<vmem>>, vector<16xf32>, vector<16xi1>
      %all_reduce_population_count3A_279 = tpu.all_reduce %and3A_274 {dim = 0 : i64, kind = #tpu.reduction_kind<sum>} : vector<16xi1> -> vector<16xi32>
      %slice3A_280 = vector.extract_strided_slice %all_reduce_population_count3A_279 {offsets = [0], sizes = [1], strides = [1]} : vector<16xi32> to vector<1xi32>
      %squeeze3A_281 = vector.extract %slice3A_280[0] : i32 from vector<1xi32>
      %add3A_282 = arith.addi %add3A_257, %squeeze3A_281 : i32
      %scan3A_283 = arith.constant 6 : i32
      %scan3A_284 = arith.addi %scan3A_139, %scan3A_283 : i32
      %mul3A_285 = arith.constant 16 : i32
      %mul3A_286 = arith.muli %scan3A_284, %mul3A_285 : i32
      %get3A_287 = arith.index_cast %mul3A_286 : i32 to index
      %get3A_288 = tpu.vector_load %arg9[%get3A_287] {strides = array<i32>} : memref<4096xi32, #tpu.memory_space<vmem>>, vector<16xi32>,
      %sub3A_289 = vector.broadcast %mul3A_2 : i32 to vector<16xi32>
      %sub3A_290 = arith.subi %get3A_288, %sub3A_289 : vector<16xi32>
      %get3A_291 = arith.index_cast %mul3A_286 : i32 to index
      %get3A_292 = tpu.vector_load %arg10[%get3A_291] {strides = array<i32>} : memref<4096xf32, #tpu.memory_space<vmem>>, vector<16xf32>,
      %ge3A_293 = arith.constant 0 : i32
      %ge3A_294 = vector.broadcast %ge3A_293 : i32 to vector<16xi32>
      %ge3A_295 = arith.cmpi sge, %sub3A_290, %ge3A_294 : vector<16xi32>
      %lt3A_296 = arith.constant 65536 : i32
      %lt3A_297 = vector.broadcast %lt3A_296 : i32 to vector<16xi32>
      %lt3A_298 = arith.cmpi slt, %sub3A_290, %lt3A_297 : vector<16xi32>
      %and3A_299 = arith.andi %ge3A_295, %lt3A_298 : vector<16xi1>
      %swap3A_300 = arith.index_cast %add3A_282 : i32 to index
      %swap3A_301 = tpu.vector_load %arg11[%swap3A_300] masked %and3A_299 {strides = array<i32>} : memref<4112xi32, #tpu.memory_space<vmem>>, vector<16xi32>, vector<16xi1>
      tpu.vector_store %arg11[%swap3A_300], %sub3A_290 masked %and3A_299 {strides = array<i32>} : memref<4112xi32, #tpu.memory_space<vmem>>, vector<16xi32>, vector<16xi1>
      %swap3A_302 = arith.index_cast %add3A_282 : i32 to index
      %swap3A_303 = tpu.vector_load %arg12[%swap3A_302] masked %and3A_299 {strides = array<i32>} : memref<4112xf32, #tpu.memory_space<vmem>>, vector<16xf32>, vector<16xi1>
      tpu.vector_store %arg12[%swap3A_302], %get3A_292 masked %and3A_299 {strides = array<i32>} : memref<4112xf32, #tpu.memory_space<vmem>>, vector<16xf32>, vector<16xi1>
      %all_reduce_population_count3A_304 = tpu.all_reduce %and3A_299 {dim = 0 : i64, kind = #tpu.reduction_kind<sum>} : vector<16xi1> -> vector<16xi32>
      %slice3A_305 = vector.extract_strided_slice %all_reduce_population_count3A_304 {offsets = [0], sizes = [1], strides = [1]} : vector<16xi32> to vector<1xi32>
      %squeeze3A_306 = vector.extract %slice3A_305[0] : i32 from vector<1xi32>
      %add3A_307 = arith.addi %add3A_282, %squeeze3A_306 : i32
      %scan3A_308 = arith.constant 7 : i32
      %scan3A_309 = arith.addi %scan3A_139, %scan3A_308 : i32
      %mul3A_310 = arith.constant 16 : i32
      %mul3A_311 = arith.muli %scan3A_309, %mul3A_310 : i32
      %get3A_312 = arith.index_cast %mul3A_311 : i32 to index
      %get3A_313 = tpu.vector_load %arg9[%get3A_312] {strides = array<i32>} : memref<4096xi32, #tpu.memory_space<vmem>>, vector<16xi32>,
      %sub3A_314 = vector.broadcast %mul3A_2 : i32 to vector<16xi32>
      %sub3A_315 = arith.subi %get3A_313, %sub3A_314 : vector<16xi32>
      %get3A_316 = arith.index_cast %mul3A_311 : i32 to index
      %get3A_317 = tpu.vector_load %arg10[%get3A_316] {strides = array<i32>} : memref<4096xf32, #tpu.memory_space<vmem>>, vector<16xf32>,
      %ge3A_318 = arith.constant 0 : i32
      %ge3A_319 = vector.broadcast %ge3A_318 : i32 to vector<16xi32>
      %ge3A_320 = arith.cmpi sge, %sub3A_315, %ge3A_319 : vector<16xi32>
      %lt3A_321 = arith.constant 65536 : i32
      %lt3A_322 = vector.broadcast %lt3A_321 : i32 to vector<16xi32>
      %lt3A_323 = arith.cmpi slt, %sub3A_315, %lt3A_322 : vector<16xi32>
      %and3A_324 = arith.andi %ge3A_320, %lt3A_323 : vector<16xi1>
      %swap3A_325 = arith.index_cast %add3A_307 : i32 to index
      %swap3A_326 = tpu.vector_load %arg11[%swap3A_325] masked %and3A_324 {strides = array<i32>} : memref<4112xi32, #tpu.memory_space<vmem>>, vector<16xi32>, vector<16xi1>
      tpu.vector_store %arg11[%swap3A_325], %sub3A_315 masked %and3A_324 {strides = array<i32>} : memref<4112xi32, #tpu.memory_space<vmem>>, vector<16xi32>, vector<16xi1>
      %swap3A_327 = arith.index_cast %add3A_307 : i32 to index
      %swap3A_328 = tpu.vector_load %arg12[%swap3A_327] masked %and3A_324 {strides = array<i32>} : memref<4112xf32, #tpu.memory_space<vmem>>, vector<16xf32>, vector<16xi1>
      tpu.vector_store %arg12[%swap3A_327], %get3A_317 masked %and3A_324 {strides = array<i32>} : memref<4112xf32, #tpu.memory_space<vmem>>, vector<16xf32>, vector<16xi1>
      %all_reduce_population_count3A_329 = tpu.all_reduce %and3A_324 {dim = 0 : i64, kind = #tpu.reduction_kind<sum>} : vector<16xi1> -> vector<16xi32>
      %slice3A_330 = vector.extract_strided_slice %all_reduce_population_count3A_329 {offsets = [0], sizes = [1], strides = [1]} : vector<16xi32> to vector<1xi32>
      %squeeze3A_331 = vector.extract %slice3A_330[0] : i32 from vector<1xi32>
      %add3A_332 = arith.addi %add3A_307, %squeeze3A_331 : i32
      scf.yield %add3A_332 : i32
    }
    %scan3A_92 = arith.constant 256 : i32
    %swap3A_93 = arith.index_cast %scan3A_91 : i32 to index
    %swap3A_94 = tpu.vector_load %arg11[%swap3A_93] {strides = array<i32>} : memref<4112xi32, #tpu.memory_space<vmem>>, vector<16xi32>,
    tpu.vector_store %arg11[%swap3A_93], %add3A_5 {strides = array<i32>} : memref<4112xi32, #tpu.memory_space<vmem>>, vector<16xi32>,
    %broadcast_in_dim3A_95 = arith.constant -1.000000e+00 : f32
    %broadcast_in_dim3A_96 = vector.broadcast %broadcast_in_dim3A_95 : f32 to vector<16xf32>
    %swap3A_97 = arith.index_cast %scan3A_91 : i32 to index
    %swap3A_98 = tpu.vector_load %arg12[%swap3A_97] {strides = array<i32>} : memref<4112xf32, #tpu.memory_space<vmem>>, vector<16xf32>,
    tpu.vector_store %arg12[%swap3A_97], %broadcast_in_dim3A_96 {strides = array<i32>} : memref<4112xf32, #tpu.memory_space<vmem>>, vector<16xf32>,
    %jit3A_99 = arith.constant 16 : i32
    %div3A_100 = arith.divsi %scan3A_91, %jit3A_99 : i32
    %sign3A_101 = arith.constant 0 : i32
    %sign3A_102 = arith.cmpi sgt, %scan3A_91, %sign3A_101 : i32
    %sign3A_103 = arith.extui %sign3A_102 : i1 to i32
    %sign3A_104 = arith.constant 0 : i32
    %sign3A_105 = arith.cmpi slt, %scan3A_91, %sign3A_104 : i32
    %sign3A_106 = arith.extui %sign3A_105 : i1 to i32
    %sign3A_107 = arith.subi %sign3A_103, %sign3A_106 : i32
    %sign3A_108 = arith.constant 0 : i32
    %sign3A_109 = arith.cmpi sgt, %jit3A_99, %sign3A_108 : i32
    %sign3A_110 = arith.extui %sign3A_109 : i1 to i32
    %sign3A_111 = arith.constant 0 : i32
    %sign3A_112 = arith.cmpi slt, %jit3A_99, %sign3A_111 : i32
    %sign3A_113 = arith.extui %sign3A_112 : i1 to i32
    %sign3A_114 = arith.subi %sign3A_110, %sign3A_113 : i32
    %ne3A_115 = arith.cmpi ne, %sign3A_107, %sign3A_114 : i32
    %rem3A_116 = arith.remsi %scan3A_91, %jit3A_99 : i32
    %ne3A_117 = arith.constant 0 : i32
    %ne3A_118 = arith.cmpi ne, %rem3A_116, %ne3A_117 : i32
    %and3A_119 = arith.andi %ne3A_115, %ne3A_118 : i1
    %sub3A_120 = arith.constant 1 : i32
    %sub3A_121 = arith.subi %div3A_100, %sub3A_120 : i32
    %select_n3A_122 = arith.select %and3A_119, %sub3A_121, %div3A_100 : i32
    %add3A_123 = arith.constant 1 : i32
    %add3A_124 = arith.addi %select_n3A_122, %add3A_123 : i32
    %while3A_125 = arith.constant 0 : i32
    %while3A_126 = arith.constant 0 : i32
    %while3A_127 = arith.subi %add3A_124, %while3A_125 : i32
    %while3A_128 = arith.addi %while3A_125, %while3A_127 : i32
    %while3A_129 = arith.constant 1 : i32
    %while3A_130 = arith.divsi %while3A_127, %while3A_129 : i32
    %while3A_131 = arith.muli %while3A_130, %while3A_129 : i32
    %while3A_132 = arith.addi %while3A_125, %while3A_131 : i32
    %while3A_133 = arith.constant 1 : i32
    %while3A_134 = scf.for %while3A_139 = %while3A_125 to %while3A_132 step %while3A_133 iter_args(%while3A_140 = %while3A_126) -> (i32)  : i32 {
      %mul3A_141 = arith.constant 16 : i32
      %mul3A_142 = arith.muli %while3A_139, %mul3A_141 : i32
      %get3A = arith.index_cast %mul3A_142 : i32 to index
      %get3A_143 = tpu.vector_load %arg11[%get3A] {strides = array<i32>} : memref<4112xi32, #tpu.memory_space<vmem>>, vector<16xi32>,
      %get3A_144 = arith.index_cast %mul3A_142 : i32 to index
      %get3A_145 = tpu.vector_load %arg12[%get3A_144] {strides = array<i32>} : memref<4112xf32, #tpu.memory_space<vmem>>, vector<16xf32>,
      %gather3A = tpu.vector_load_idx %arg6[%get3A_143] : memref<65552xf32, #tpu.memory_space<vmem>>[vector<16xi32>], vector<16xf32>,
      %max3A = arith.maximumf %gather3A, %get3A_145 : vector<16xf32>
      tpu.vector_store_idx %arg6[%get3A_143], %max3A : memref<65552xf32, #tpu.memory_space<vmem>>[vector<16xi32>], vector<16xf32>,
      %gather3A_146 = tpu.vector_load_idx %arg6[%get3A_143] : memref<65552xf32, #tpu.memory_space<vmem>>[vector<16xi32>], vector<16xf32>,
      %lt3A = arith.cmpf olt, %gather3A_146, %get3A_145 : vector<16xf32>
      %lt3A_147 = arith.constant 65536 : i32
      %lt3A_148 = vector.broadcast %lt3A_147 : i32 to vector<16xi32>
      %lt3A_149 = arith.cmpi slt, %get3A_143, %lt3A_148 : vector<16xi32>
      %and3A_150 = arith.andi %lt3A, %lt3A_149 : vector<16xi1>
      %swap3A_151 = arith.index_cast %while3A_140 : i32 to index
      %swap3A_152 = tpu.vector_load %arg13[%swap3A_151] masked %and3A_150 {strides = array<i32>} : memref<4112xi32, #tpu.memory_space<vmem>>, vector<16xi32>, vector<16xi1>
      tpu.vector_store %arg13[%swap3A_151], %get3A_143 masked %and3A_150 {strides = array<i32>} : memref<4112xi32, #tpu.memory_space<vmem>>, vector<16xi32>, vector<16xi1>
      %swap3A_153 = arith.index_cast %while3A_140 : i32 to index
      %swap3A_154 = tpu.vector_load %arg14[%swap3A_153] masked %and3A_150 {strides = array<i32>} : memref<4112xf32, #tpu.memory_space<vmem>>, vector<16xf32>, vector<16xi1>
      tpu.vector_store %arg14[%swap3A_153], %get3A_145 masked %and3A_150 {strides = array<i32>} : memref<4112xf32, #tpu.memory_space<vmem>>, vector<16xf32>, vector<16xi1>
      %all_reduce_population_count3A = tpu.all_reduce %and3A_150 {dim = 0 : i64, kind = #tpu.reduction_kind<sum>} : vector<16xi1> -> vector<16xi32>
      %slice3A = vector.extract_strided_slice %all_reduce_population_count3A {offsets = [0], sizes = [1], strides = [1]} : vector<16xi32> to vector<1xi32>
      %squeeze3A = vector.extract %slice3A[0] : i32 from vector<1xi32>
      %add3A_155 = arith.addi %while3A_140, %squeeze3A : i32
      scf.yield %add3A_155 : i32
    }
    %while3A_135 = arith.constant 1 : i32
    %while3A_136 = scf.for %while3A_139 = %while3A_132 to %while3A_128 step %while3A_135 iter_args(%while3A_140 = %while3A_134) -> (i32)  : i32 {
      %mul3A_141 = arith.constant 16 : i32
      %mul3A_142 = arith.muli %while3A_139, %mul3A_141 : i32
      %get3A = arith.index_cast %mul3A_142 : i32 to index
      %get3A_143 = tpu.vector_load %arg11[%get3A] {strides = array<i32>} : memref<4112xi32, #tpu.memory_space<vmem>>, vector<16xi32>,
      %get3A_144 = arith.index_cast %mul3A_142 : i32 to index
      %get3A_145 = tpu.vector_load %arg12[%get3A_144] {strides = array<i32>} : memref<4112xf32, #tpu.memory_space<vmem>>, vector<16xf32>,
      %gather3A = tpu.vector_load_idx %arg6[%get3A_143] : memref<65552xf32, #tpu.memory_space<vmem>>[vector<16xi32>], vector<16xf32>,
      %max3A = arith.maximumf %gather3A, %get3A_145 : vector<16xf32>
      tpu.vector_store_idx %arg6[%get3A_143], %max3A : memref<65552xf32, #tpu.memory_space<vmem>>[vector<16xi32>], vector<16xf32>,
      %gather3A_146 = tpu.vector_load_idx %arg6[%get3A_143] : memref<65552xf32, #tpu.memory_space<vmem>>[vector<16xi32>], vector<16xf32>,
      %lt3A = arith.cmpf olt, %gather3A_146, %get3A_145 : vector<16xf32>
      %lt3A_147 = arith.constant 65536 : i32
      %lt3A_148 = vector.broadcast %lt3A_147 : i32 to vector<16xi32>
      %lt3A_149 = arith.cmpi slt, %get3A_143, %lt3A_148 : vector<16xi32>
      %and3A_150 = arith.andi %lt3A, %lt3A_149 : vector<16xi1>
      %swap3A_151 = arith.index_cast %while3A_140 : i32 to index
      %swap3A_152 = tpu.vector_load %arg13[%swap3A_151] masked %and3A_150 {strides = array<i32>} : memref<4112xi32, #tpu.memory_space<vmem>>, vector<16xi32>, vector<16xi1>
      tpu.vector_store %arg13[%swap3A_151], %get3A_143 masked %and3A_150 {strides = array<i32>} : memref<4112xi32, #tpu.memory_space<vmem>>, vector<16xi32>, vector<16xi1>
      %swap3A_153 = arith.index_cast %while3A_140 : i32 to index
      %swap3A_154 = tpu.vector_load %arg14[%swap3A_153] masked %and3A_150 {strides = array<i32>} : memref<4112xf32, #tpu.memory_space<vmem>>, vector<16xf32>, vector<16xi1>
      tpu.vector_store %arg14[%swap3A_153], %get3A_145 masked %and3A_150 {strides = array<i32>} : memref<4112xf32, #tpu.memory_space<vmem>>, vector<16xf32>, vector<16xi1>
      %all_reduce_population_count3A = tpu.all_reduce %and3A_150 {dim = 0 : i64, kind = #tpu.reduction_kind<sum>} : vector<16xi1> -> vector<16xi32>
      %slice3A = vector.extract_strided_slice %all_reduce_population_count3A {offsets = [0], sizes = [1], strides = [1]} : vector<16xi32> to vector<1xi32>
      %squeeze3A = vector.extract %slice3A[0] : i32 from vector<1xi32>
      %add3A_155 = arith.addi %while3A_140, %squeeze3A : i32
      scf.yield %add3A_155 : i32
    }
    %while3A_137 = arith.constant 0 : i32
    %while3A_138 = scf.while (%while3A_139 = %while3A_137) : (i32) -> i32 {
      %lt3A = arith.cmpi slt, %while3A_139, %while3A_136 : i32
      scf.condition(%lt3A) %while3A_139 : i32
    } do {
    ^bb0(%while3A_139: i32):
      %get3A = arith.index_cast %while3A_139 : i32 to index
      %get3A_140 = tpu.vector_load %arg13[%get3A] {strides = array<i32>} : memref<4112xi32, #tpu.memory_space<vmem>>, vector<16xi32>,
      %and3A_141 = arith.constant 65535 : i32
      %and3A_142 = vector.broadcast %and3A_141 : i32 to vector<16xi32>
      %and3A_143 = arith.andi %get3A_140, %and3A_142 : vector<16xi32>
      %get3A_144 = arith.index_cast %while3A_139 : i32 to index
      %get3A_145 = tpu.vector_load %arg14[%get3A_144] {strides = array<i32>} : memref<4112xf32, #tpu.memory_space<vmem>>, vector<16xf32>,
      %gather3A = tpu.vector_load_idx %arg6[%and3A_143] : memref<65552xf32, #tpu.memory_space<vmem>>[vector<16xi32>], vector<16xf32>,
      %max3A = arith.maximumf %gather3A, %get3A_145 : vector<16xf32>
      tpu.vector_store_idx %arg6[%and3A_143], %max3A masked %eq3A_8 : memref<65552xf32, #tpu.memory_space<vmem>>[vector<16xi32>], vector<16xf32>, vector<16xi1>
      %add3A_146 = arith.constant 1 : i32
      %add3A_147 = arith.addi %while3A_139, %add3A_146 : i32
      scf.yield %add3A_147 : i32
    }
    "tpu.region"() ({
      %run_scoped3A = tpu.sem_alloc : memref<!tpu.dma_semaphore, #tpu.memory_space<semaphore_mem>>
      %dma_start3A_139 = arith.constant 0 : i32
      %dma_start3A_140 = tpu.memref_slice %arg6[%dma_start3A_139] : memref<65552xf32, #tpu.memory_space<vmem>> -> memref<65536xf32, #tpu.memory_space<vmem>>
      %dma_start3A_141 = tpu.memref_slice %arg5[%mul3A_2] : memref<2097152xf32, #tpu.memory_space<hbm>> -> memref<65536xf32, #tpu.memory_space<hbm>>
      %dma_start3A_142 = tpu.memref_slice %arg5[%mul3A_2] : memref<2097152xf32, #tpu.memory_space<hbm>> -> memref<65536xf32, #tpu.memory_space<hbm>>
      %dma_start3A_143 = arith.constant 0 : i32
      %dma_start3A_144 = tpu.memref_slice %arg6[%dma_start3A_143] : memref<65552xf32, #tpu.memory_space<vmem>> -> memref<65536xf32, #tpu.memory_space<vmem>>
      tpu.enqueue_dma source(%dma_start3A_144 : memref<65536xf32, #tpu.memory_space<vmem>>) target(%dma_start3A_142 : memref<65536xf32, #tpu.memory_space<hbm>>) target_semaphore(%run_scoped3A : memref<!tpu.dma_semaphore, #tpu.memory_space<semaphore_mem>>)
      %dma_wait3A_145 = arith.constant 0 : i32
      %dma_wait3A_146 = tpu.memref_slice %arg6[%dma_wait3A_145] : memref<65552xf32, #tpu.memory_space<vmem>> -> memref<65536xf32, #tpu.memory_space<vmem>>
      %dma_wait3A_147 = tpu.memref_slice %arg5[%mul3A_2] : memref<2097152xf32, #tpu.memory_space<hbm>> -> memref<65536xf32, #tpu.memory_space<hbm>>
      %dma_wait3A_148 = tpu.memref_slice %arg5[%mul3A_2] : memref<2097152xf32, #tpu.memory_space<hbm>> -> memref<65536xf32, #tpu.memory_space<hbm>>
      %dma_wait3A_149 = arith.constant 0 : i32
      %dma_wait3A_150 = tpu.memref_slice %arg6[%dma_wait3A_149] : memref<65552xf32, #tpu.memory_space<vmem>> -> memref<65536xf32, #tpu.memory_space<vmem>>
      tpu.wait_dma2 semaphore(%run_scoped3A : memref<!tpu.dma_semaphore, #tpu.memory_space<semaphore_mem>>) src(%dma_wait3A_150 : memref<65536xf32, #tpu.memory_space<vmem>>) dst(%dma_wait3A_148 : memref<65536xf32, #tpu.memory_space<hbm>>)
      tpu.yield
    }) : () -> ()
    return
  }
}

#map = affine_map<(d0, d1) -> (0)>
module attributes {stable_mosaic.version = 14 : i64} {
  func.func @k(%arg0: i32, %arg1: i32, %arg2: memref<2097152xf32, #tpu.memory_space<hbm>>, %arg3: memref<2097152xi32, #tpu.memory_space<hbm>>, %arg4: memref<2097152xf32, #tpu.memory_space<hbm>>, %arg5: memref<8192xi32, #tpu.memory_space<vmem>>, %arg6: memref<8192xf32, #tpu.memory_space<vmem>>, %arg7: memref<!tpu.dma_semaphore, #tpu.memory_space<semaphore_mem>>) attributes {dimension_semantics = [#tpu.dimension_semantics<core_parallel>, #tpu.dimension_semantics<subcore_parallel>], iteration_bounds = array<i64: 2, 16>, scalar_prefetch = 0 : i64, scratch_operands = 3 : i64, tpu.core_type = #tpu.core_type<sc_vector_subcore>, window_params = [{transform_indices = #map}, {transform_indices = #map}, {transform_indices = #map}]} {
    %mul3A = arith.constant 2 : i32
    %mul3A_0 = arith.muli %arg1, %mul3A : i32
    %add3A = arith.addi %mul3A_0, %arg0 : i32
    %mul3A_1 = arith.constant 65536 : i32
    %mul3A_2 = arith.muli %add3A, %mul3A_1 : i32
    %scan3A = arith.constant 0 : i32
    %scan3A_3 = arith.constant 0 : i32
    %scan3A_4 = arith.constant 8 : i32
    %scan3A_5 = arith.addi %scan3A_3, %scan3A_4 : i32
    %scan3A_6 = arith.constant 1 : i32
    scf.for %scan3A_8 = %scan3A_3 to %scan3A_5 step %scan3A_6  : i32 {
      %mul3A_9 = arith.constant 8192 : i32
      %mul3A_10 = arith.muli %scan3A_8, %mul3A_9 : i32
      %add3A_11 = arith.addi %mul3A_2, %mul3A_10 : i32
      "tpu.region"() ({
        %run_scoped3A = tpu.sem_alloc : memref<!tpu.dma_semaphore, #tpu.memory_space<semaphore_mem>>
        %dma_start3A_14 = tpu.memref_slice %arg3[%add3A_11] : memref<2097152xi32, #tpu.memory_space<hbm>> -> memref<8192xi32, #tpu.memory_space<hbm>>
        %dma_start3A_15 = tpu.memref_slice %arg3[%add3A_11] : memref<2097152xi32, #tpu.memory_space<hbm>> -> memref<8192xi32, #tpu.memory_space<hbm>>
        tpu.enqueue_dma source(%dma_start3A_15 : memref<8192xi32, #tpu.memory_space<hbm>>) target(%arg5 : memref<8192xi32, #tpu.memory_space<vmem>>) target_semaphore(%run_scoped3A : memref<!tpu.dma_semaphore, #tpu.memory_space<semaphore_mem>>)
        %dma_wait3A_16 = tpu.memref_slice %arg3[%add3A_11] : memref<2097152xi32, #tpu.memory_space<hbm>> -> memref<8192xi32, #tpu.memory_space<hbm>>
        %dma_wait3A_17 = tpu.memref_slice %arg3[%add3A_11] : memref<2097152xi32, #tpu.memory_space<hbm>> -> memref<8192xi32, #tpu.memory_space<hbm>>
        tpu.wait_dma2 semaphore(%run_scoped3A : memref<!tpu.dma_semaphore, #tpu.memory_space<semaphore_mem>>) src(%dma_wait3A_17 : memref<8192xi32, #tpu.memory_space<hbm>>) dst(%arg5 : memref<8192xi32, #tpu.memory_space<vmem>>)
        tpu.yield
      }) : () -> ()
      %dma_start3A = arith.constant 0 : i32
      %dma_start3A_12 = tpu.memref_slice %arg2[%dma_start3A] : memref<2097152xf32, #tpu.memory_space<hbm>> -> memref<2097152xf32, #tpu.memory_space<hbm>>
      tpu.enqueue_indirect_dma source(%dma_start3A_12 : memref<2097152xf32, #tpu.memory_space<hbm>>) target(%arg6 : memref<8192xf32, #tpu.memory_space<vmem>>) offsets(%arg5 : memref<8192xi32, #tpu.memory_space<vmem>>) semaphore(%arg7 : memref<!tpu.dma_semaphore, #tpu.memory_space<semaphore_mem>>)
      %dma_wait3A = arith.constant 0 : i32
      %dma_wait3A_13 = tpu.memref_slice %arg2[%dma_wait3A] : memref<2097152xf32, #tpu.memory_space<hbm>> -> memref<2097152xf32, #tpu.memory_space<hbm>>
      tpu.wait_indirect_dma semaphore(%arg7 : memref<!tpu.dma_semaphore, #tpu.memory_space<semaphore_mem>>) src(%dma_wait3A_13 : memref<2097152xf32, #tpu.memory_space<hbm>>) dst(%arg6 : memref<8192xf32, #tpu.memory_space<vmem>>)
      "tpu.region"() ({
        %run_scoped3A = tpu.sem_alloc : memref<!tpu.dma_semaphore, #tpu.memory_space<semaphore_mem>>
        %dma_start3A_14 = tpu.memref_slice %arg4[%add3A_11] : memref<2097152xf32, #tpu.memory_space<hbm>> -> memref<8192xf32, #tpu.memory_space<hbm>>
        %dma_start3A_15 = tpu.memref_slice %arg4[%add3A_11] : memref<2097152xf32, #tpu.memory_space<hbm>> -> memref<8192xf32, #tpu.memory_space<hbm>>
        tpu.enqueue_dma source(%arg6 : memref<8192xf32, #tpu.memory_space<vmem>>) target(%dma_start3A_15 : memref<8192xf32, #tpu.memory_space<hbm>>) target_semaphore(%run_scoped3A : memref<!tpu.dma_semaphore, #tpu.memory_space<semaphore_mem>>)
        %dma_wait3A_16 = tpu.memref_slice %arg4[%add3A_11] : memref<2097152xf32, #tpu.memory_space<hbm>> -> memref<8192xf32, #tpu.memory_space<hbm>>
        %dma_wait3A_17 = tpu.memref_slice %arg4[%add3A_11] : memref<2097152xf32, #tpu.memory_space<hbm>> -> memref<8192xf32, #tpu.memory_space<hbm>>
        tpu.wait_dma2 semaphore(%run_scoped3A : memref<!tpu.dma_semaphore, #tpu.memory_space<semaphore_mem>>) src(%arg6 : memref<8192xf32, #tpu.memory_space<vmem>>) dst(%dma_wait3A_17 : memref<8192xf32, #tpu.memory_space<hbm>>)
        tpu.yield
      }) : () -> ()
    }
    %scan3A_7 = arith.constant 8 : i32
    return
  }
}

</mosaic_0001>

<sc_bundles>
// kernel: kernel.11.cloned.1.call-start
scs
__scs_entry_jumppad:
0x0: {  	(pc) =	sbr.rel $0x88, $3  }
0x1: {  	(tag) =	ssettag $0x0;
	lr =	simm.s32 $0x1  }
0x2: {  	[smem:$0x3F9E] =	sst lr;
	_ =	strace $0xD0000000  }
0x3: {  	_ = 	snop  }
0x4: {  	_ = 	snop  }
0x5: {  	_ = 	snop  }
0x6: {  	_ = 	snop  }
0x7: {  	_ = 	snop  }
__scs_overlays_trampoline_lowered:
0x8: {  	[smem:$0x3FAD] =	sst s0  }
0x9: {  	[smem:$0x3FAE] =	sst s1  }
0xa: {  	[smem:$0x3FAF] =	sst s2  }
0xb: {  	[smem:$0x3FB0] =	sst s3  }
0xc: {  	[smem:$0x3FB1] =	sst s4  }
0xd: {  	[smem:$0x3FB2] =	sst s5  }
0xe: {  	[smem:$0x3FB3] =	sst s6  }
0xf: {  	[smem:$0x3FB4] =	sst s7  }
0x10: {  	[smem:$0x3FB5] =	sst s8  }
0x11: {  	[smem:$0x3FB6] =	sst s9;
	s0 =	simm.s32 @!p0 $0x0  }
0x12: {  	s1 =	sld [smem:$0x3F9C];
	s0 =	simm.s32 @p0 $0x1  }
0x13: {  	[smem:$0x3FB7] =	sst s0;
	s0 =	simm.s32 @!p1 $0x0  }
0x14: {  	s2 =	sld [smem:$0x3F9B];
	s0 =	simm.s32 @p1 $0x1  }
0x15: {  	[smem:$0x3FB8] =	sst s0;
	s0 =	simm.s32 @!p2 $0x0  }
0x16: {  	s3 =	sld [smem:$0x3FDB];
	s0 =	simm.s32 @p2 $0x1  }
0x17: {  	s4 =	simm.s32 $0x1BF5;
	[smem:$0x3FBA] =	sst s0  }
0x18: {  	s0 =	sld [smem:$0x3F9D];
	_ =	swait.ge [sflag:s4], $0x0  }
0x19: {  	s7 =	sld [smem:$0x3F9E]  }
0x1a: {  	s8 =	sadd.s32 $0xFFFFE003, lr  }
0x1b: {  	s9 =	sadd.s32 $0xFFFFFEF7, lr;
	s5 =	simm.s32 $0xFFFFFFFF;
	p2 =	slt.u32 s8, $0xFFFFF086  }
0x1c: {  	p1 =	slt.u32 s9, $0xF7A;
	s5 =	simm.s32 @!p2 $0x0  }
0x1d: {  	s5 =	simm.s32 @p1 $0x1;
	p0 =	seq.s32 s7, s2  }
0x1e: {  	s7 =	smul.u32 @!p0 $0xF7A, s2;
	p2 =	seq.s32 @!p0 s5, $0x0  }
0x1f: {  	s9 =	smul.u32 $0xF7A, s1;
	s8 =	simm.s32 @!p0 $0x1BF5;
	p2 =	por !p2, p0  }
0x20: {  	[sflag:s8] =	ssyncset.s32 @!p0 $0xFFFFF086;
	s6 =	sadd.s32 @!p0 s3, s7;
	s7 =	simm.s32 @!p0 $0x108  }
0x21: {  	s3 =	sadd.s32 s3, s9;
	s6 =	sadd.s32 @!p0 $0x88, s6;
	s7 =	simm.s32 @p2 $0x1082  }
0x22: {  	[simem:s7], [sflag:s8] =	dma.local @!p0 [hbm:s6], $0xF7A  }
0x23: {  	s9 =	sor.u32 $0xD0000000, s2;
	s6 =	simm.s32 $0x108;
	_ =	swait.ge @!p0 [sflag:s8], $0x0  }
0x24: {  	s3 =	sadd.s32 $0x88, s3;
	s6 =	simm.s32 @!p1 $0x1082;
	[sflag:s4] =	ssyncset.s32 $0xFFFFF086  }
0x25: {  	[simem:s6], [sflag:s4] =	dma.local [hbm:s3], $0xF7A  }
0x26: {  	[smem:$0x3F9E] =	sst s1;
	(tag) =	ssettag s2;
	_ =	strace s9  }
0x27: {  	s1 =	sld [smem:$0x3FAE]  }
0x28: {  	s2 =	sld [smem:$0x3FAF]  }
0x29: {  	s4 =	sld [smem:$0x3FB1]  }
0x2a: {  	p0 =	seq.s32 s5, $0x0;
	s5 =	sld [smem:$0x3FB2]  }
0x2b: {  	s6 =	sld [smem:$0x3FB3]  }
0x2c: {  	s7 =	sld [smem:$0x3FB4]  }
0x2d: {  	s3 =	simm.s32 $0x108;
	s8 =	sld [smem:$0x3FB5]  }
0x2e: {  	s3 =	simm.s32 @!p0 $0x1082;
	s9 =	sld [smem:$0x3FB6]  }
0x2f: {  	lr =	sadd.s32 s0, s3;
	s0 =	sld [smem:$0x3FAD]  }
0x30: {  	s3 =	sld [smem:$0x3FB0]  }
0x31: {  	[smem:$0x3FB9] =	sst s10  }
0x32: {  	s10 =	sld [smem:$0x3FB7];
	_ =	sdelay $0x3  }
0x33: {  	p0 =	seq.s32 s10, $0x1;
	s10 =	sld [smem:$0x3FB9];
	_ =	sdelay $0x3  }
0x34: {  	[smem:$0x3FB9] =	sst s10  }
0x35: {  	s10 =	sld [smem:$0x3FB8];
	_ =	sdelay $0x3  }
0x36: {  	p1 =	seq.s32 s10, $0x1;
	s10 =	sld [smem:$0x3FB9];
	_ =	sdelay $0x3  }
0x37: {  	[smem:$0x3FB9] =	sst s10  }
0x38: {  	s10 =	sld [smem:$0x3FBA]  }
0x39: {  	_ = 	snop;
	(pc) =	sbr.ind lr, $3  }
0x3a: {  	_ = 	snop  }
0x3b: {  	_ = 	snop  }
0x3c: {  	p2 =	seq.s32 s10, $0x1;
	s10 =	sld [smem:$0x3FB9]  }
0x3d: {  	_ =	shalt  }
0x3e: {  	_ =	shalt  }
0x3f: {  	_ =	shalt  }
0x40: {  	_ =	shalt  }
0x41: {  	_ =	shalt  }
0x42: {  	_ =	shalt  }
0x43: {  	_ =	shalt  }
0x44: {  	_ =	shalt  }
0x45: {  	_ =	shalt  }
0x46: {  	_ =	shalt  }
0x47: {  	_ =	shalt  }
0x48: {  	_ =	shalt  }
0x49: {  	_ =	shalt  }
0x4a: {  	_ =	shalt  }
0x4b: {  	_ =	shalt  }
0x4c: {  	_ =	shalt  }
0x4d: {  	_ =	shalt  }
0x4e: {  	_ =	shalt  }
0x4f: {  	_ =	shalt  }
0x50: {  	_ =	shalt  }
0x51: {  	_ =	shalt  }
0x52: {  	_ =	shalt  }
0x53: {  	_ =	shalt  }
0x54: {  	_ =	shalt  }
0x55: {  	_ =	shalt  }
0x56: {  	_ =	shalt  }
0x57: {  	_ =	shalt  }
0x58: {  	_ =	shalt  }
0x59: {  	_ =	shalt  }
0x5a: {  	_ =	shalt  }
0x5b: {  	_ =	shalt  }
0x5c: {  	_ =	shalt  }
0x5d: {  	_ =	shalt  }
0x5e: {  	_ =	shalt  }
0x5f: {  	_ =	shalt  }
0x60: {  	_ =	shalt  }
0x61: {  	_ =	shalt  }
0x62: {  	_ =	shalt  }
0x63: {  	_ =	shalt  }
0x64: {  	_ =	shalt  }
0x65: {  	_ =	shalt  }
0x66: {  	_ =	shalt  }
0x67: {  	_ =	shalt  }
0x68: {  	_ =	shalt  }
0x69: {  	_ =	shalt  }
0x6a: {  	_ =	shalt  }
0x6b: {  	_ =	shalt  }
0x6c: {  	_ =	shalt  }
0x6d: {  	_ =	shalt  }
0x6e: {  	_ =	shalt  }
0x6f: {  	_ =	shalt  }
0x70: {  	_ =	shalt  }
0x71: {  	_ =	shalt  }
0x72: {  	_ =	shalt  }
0x73: {  	_ =	shalt  }
0x74: {  	_ =	shalt  }
0x75: {  	_ =	shalt  }
0x76: {  	_ =	shalt  }
0x77: {  	_ =	shalt  }
0x78: {  	_ =	shalt  }
0x79: {  	_ =	shalt  }
0x7a: {  	_ =	shalt  }
0x7b: {  	_ =	shalt  }
0x7c: {  	_ =	shalt  }
0x7d: {  	_ =	shalt  }
0x7e: {  	_ =	shalt  }
0x7f: {  	_ =	shalt  }
0x80: {  	_ =	shalt  }
0x81: {  	_ =	shalt  }
0x82: {  	_ =	shalt  }
0x83: {  	_ =	shalt  }
0x84: {  	_ =	shalt  }
0x85: {  	_ =	shalt  }
0x86: {  	_ =	shalt  }
0x87: {  	_ =	shalt  }
.Lfunc_end0:
.L_simem_size_0:
called_computation.2_lowered:
.L_overlay_start_0:
0x88: {  	s2 =	sld [smem:$0x3FD9]  }
0x89: {  	s3 =	sld [smem:$0x3FFE];
	_ =	sdelay $0x1  }
0x8a: {  	s1 =	srdreg.scid  }
0x8b: {  	s0 =	sand.u32 $0x1, s1  }
0x8c: {  	s17 =	sshll.u32 s0, $0xA;
	s2 =	sadd.s32 s3, s2  }
0x8d: {  	s2 =	sadd.s32 s2, s17  }
0x8e: {  	[smem:$0x3FC5] =	sst s2  }
0x8f: {  	_ = 	snop  }
0x90: {  	s2 =	sld [smem:$0x3FD0];
	(tm) =	ssettm $0x1  }
0x91: {  	s18 =	sld [smem:$0x3FFB];
	_ =	sdelay $0x3  }
0x92: {  	_ =	strace s18  }
0x93: {  	s3 =	sld [smem:$0x3FFC];
	_ =	sdelay $0x3  }
0x94: {  	_ =	strace s3  }
0x95: {  	s3 =	sld [smem:$0x3FFD];
	_ =	sdelay $0x3  }
0x96: {  	_ =	strace s3  }
0x97: {  	_ =	strace $0x8FFFFFFF  }
0x98: {  	s19 =	sld [smem:$0x3FDB];
	_ =	sdelay $0x1  }
0x99: {  	s4 =	simm.s32 $_scs_section_size  }
0x9a: {  	s5 =	simm.s32 $_size__tile_overlayer_lowered;
	s6 =	simm.s32 $_tile_overlayer_lowered  }
0x9b: {  	s22 =	simm.s32 $0x1BFF;
	s21 =	sshll.u32 s6, $0x1;
	s3 =	sadd.s32 s4, s19  }
0x9c: {  	s7 =	simm.s32 $0x0;
	s20 =	sshll.u32 s5, $0x1;
	s5 =	sadd.s32 s21, s3  }
0x9d: {  	[timem:s7], [sflag:s22] =	dma.local [hbm:s5], s20  }
0x9e: {  	_ =	swait.ge [sflag:s22], s20  }
0x9f: {  	s4 =	ssub.s32 $0x0, s20;
	[sflag:s22] =	ssyncset.done $0x0  }
0xa0: {  	[sflag:s22] =	ssyncadd.s32 s4;
	_ =	sdelay $0x1  }
0xa1: {  	s23 =	simm.s32 $0x1B8B  }
0xa2: {  	_ =	swait.ge [sflag:s23], $0x1  }
0xa3: {  	[sflag:s23] =	ssyncset.done $0x0  }
0xa4: {  	s25 =	simm.s32 $0x1B8E;
	s24 =	sld [smem:$0x3FFE];
	[sflag:s23] =	ssyncadd.s32 $0xFFFFFFFF  }
0xa5: {  	s26 =	simm.s32 $execute0_lowered;
	[smem:$0x3FD2] =	sst s25  }
0xa6: {  	s5 =	sshll.u32 s26, $0x1;
	_ =	strace $0x8000004C;
	[dreg:$0x1] =	wrdreg $0xFFFFFFFF  }
0xa7: {  	s28 =	simm.s32 $_size_execute0_lowered;
	s3 =	sadd.s32 s3, s5;
	[dreg:$0x0] =	wrdreg $0x0  }
0xa8: {  	s5 =	sshll.u32 s28, $0x1;
	[dreg:$0x2] =	wrdreg s3  }
0xa9: {  	[dreg:$0x3] =	wrdreg s5  }
0xaa: {  	[dreg:$0x4] =	wrdreg $0xC0  }
0xab: {  	_ =	task [dreg:s7], $0x5FFFF  }
0xac: {  	[dreg:$0x1] =	wrdreg $0xFFFFFFFF  }
0xad: {  	[dreg:$0x0] =	wrdreg $0x60  }
0xae: {  	[dreg:$0x2] =	wrdreg s24  }
0xaf: {  	[dreg:$0x3] =	wrdreg s2  }
0xb0: {  	[dreg:$0x4] =	wrdreg $0x9  }
0xb1: {  	_ =	task.clear_ibuf [dreg:s7], $0x5FFFF;
	_ =	strace $0x9000004C  }
0xb2: {  	s29 =	simm.s32 $0x9;
	_ =	strace $0x8000004E  }
0xb3: {  	_ =	swait.ge [sflag:s29], $0x1  }
0xb4: {  	[sflag:s29] =	ssyncadd.s32 $0xFFFFFFFF  }
0xb5: {  	_ =	strace $0x9000004E  }
0xb6: {  	_ =	sfence  }
0xb7: {  	s30 =	sld [smem:$0x0];
	_ =	sdelay $0x2  }
0xb8: {  	s31 =	sshll.u32 s1, $0xD;
	s1 =	sshrl.u32 s1, $0x2  }
0xb9: {  	s3 =	sand.u32 $0x4000, s31;
	s1 =	sadd.s32 s1, s30  }
0xba: {  	s0 =	sor.u32 s3, s0;
	s1 =	sshll.u32 s1, $0x11  }
0xbb: {  	s0 =	sor.u32 s1, s0  }
0xbc: {  	s0 =	sadd.s32 $0x8F2B, s0  }
0xbd: {  	[sflag:s0] =	ssyncadd.remote.s32 $0x1  }
0xbe: {  	_ =	sfence.sel $0xFFFF  }
0xbf: {  	[dreg:$0x0] =	wrdreg $0xFFFFFFFF;
	(pc) =	sbr.abs _section_cstart, $3  }
0xc0: {  	[dreg:$0x1] =	wrdreg $0xFFFFFFFF  }
0xc1: {  	_ =	task.clear_ibuf [dreg:s7], $0x2FFFF;
	_ =	strace $0x9FFFFFFF  }
0xc2: {  	(tm) =	ssettm $0x7FFFFFFF  }
0xc3: {  	_ =	shalt  }
tec
execute0_lowered:
.L_overlay_start_1:
0x0: {  	(tag) =	ssettag $0x1  }
0x1: {  	s5 =	rddreg [dreg:$0x0]  }
0x2: {  	s22 =	rddreg [dreg:$0x1];
	s2 =	srdreg.scid  }
0x3: {  	s0 =	rddreg [dreg:$0x2];
	s1 =	stileid.u32;
	s23 =	sand.u32 $0x1, s2  }
0x4: {  	s2 =	simm.s32 $0x0;
	s3 =	sshll.u32 s1, $0xE;
	s4 =	sshll.u32 s23, $0xD  }
0x5: {  	s21 =	sadd.s32 $0x81200, s5;
	[smem:$0x7FF] =	sst s2;
	s24 =	sor.u32 s4, s3  }
0x6: {  	_ =	strace $0x8000004D;
	s3 =	simm.s32 $0x2;
	s4 =	sadd.s32 s21, s24  }
0x7: {  	[tilespmem:s2], [sflag:$0x2] =	stream.linear.gather [hbm4b:s4+s2], $0x2000, $0x38;
	[tilespmem:$0x4000] =	vst v63  }
0x8: {  	_ =	swait.ge [sflag:s3], $0x2000  }
0x9: {  	s6 =	simm.s32 $0x2000;
	[sflag:s3] =	ssyncset.done $0x0  }
0xa: {  	s7 =	simm.s32 $0x1;
	s5 =	sadd.s32 $0xE00, s5;
	[sflag:s3] =	ssyncadd.s32 $0xFFFFE000  }
0xb: {  	[tilespmem:s6], [sflag:$0x1] =	stream.indirect.gather [hbm4b:s5+s6], $0x1, s2, s6, $0xb8;
	[tilespmem:$0x4000] =	vst v63  }
0xc: {  	_ =	swait.ge [sflag:s7], $0x2000  }
0xd: {  	[sflag:s7] =	ssyncset.done $0x0  }
0xe: {  	s8 =	sadd.s32 s22, s24;
	[sflag:s7] =	ssyncadd.s32 $0xFFFFE000  }
0xf: {  	[hbm4b:s8+s2] =	stream.linear.scatter [tilespmem:s6], [sflag:$0x2], $0x2000, $0x38;
	[tilespmem:$0x4000] =	vst v63  }
0x10: {  	_ =	swait.ge [sflag:s3], $0x2000  }
0x11: {  	s10 =	sor.u32 $0x400, s24;
	[sflag:s3] =	ssyncset.done $0x0  }
0x12: {  	s9 =	sadd.s32 s21, s10;
	[sflag:s3] =	ssyncadd.s32 $0xFFFFE000  }
0x13: {  	[tilespmem:s2], [sflag:$0x2] =	stream.linear.gather [hbm4b:s9+s2], $0x2000, $0x38;
	[tilespmem:$0x4000] =	vst v63  }
0x14: {  	_ =	swait.ge [sflag:s3], $0x2000  }
0x15: {  	[sflag:s3] =	ssyncset.done $0x0  }
0x16: {  	[sflag:s3] =	ssyncadd.s32 $0xFFFFE000  }
0x17: {  	[tilespmem:s6], [sflag:$0x1] =	stream.indirect.gather [hbm4b:s5+s6], $0x1, s2, s6, $0xb8;
	[tilespmem:$0x4000] =	vst v63  }
0x18: {  	_ =	swait.ge [sflag:s7], $0x2000  }
0x19: {  	[sflag:s7] =	ssyncset.done $0x0  }
0x1a: {  	s10 =	sadd.s32 s22, s10;
	[sflag:s7] =	ssyncadd.s32 $0xFFFFE000  }
0x1b: {  	[hbm4b:s10+s2] =	stream.linear.scatter [tilespmem:s6], [sflag:$0x2], $0x2000, $0x38;
	[tilespmem:$0x4000] =	vst v63  }
0x1c: {  	_ =	swait.ge [sflag:s3], $0x2000  }
0x1d: {  	s12 =	sor.u32 $0x800, s24;
	[sflag:s3] =	ssyncset.done $0x0  }
0x1e: {  	s11 =	sadd.s32 s21, s12;
	[sflag:s3] =	ssyncadd.s32 $0xFFFFE000  }
0x1f: {  	[tilespmem:s2], [sflag:$0x2] =	stream.linear.gather [hbm4b:s11+s2], $0x2000, $0x38;
	[tilespmem:$0x4000] =	vst v63  }
0x20: {  	_ =	swait.ge [sflag:s3], $0x2000  }
0x21: {  	[sflag:s3] =	ssyncset.done $0x0  }
0x22: {  	[sflag:s3] =	ssyncadd.s32 $0xFFFFE000  }
0x23: {  	[tilespmem:s6], [sflag:$0x1] =	stream.indirect.gather [hbm4b:s5+s6], $0x1, s2, s6, $0xb8;
	[tilespmem:$0x4000] =	vst v63  }
0x24: {  	_ =	swait.ge [sflag:s7], $0x2000  }
0x25: {  	[sflag:s7] =	ssyncset.done $0x0  }
0x26: {  	s12 =	sadd.s32 s22, s12;
	[sflag:s7] =	ssyncadd.s32 $0xFFFFE000  }
0x27: {  	[hbm4b:s12+s2] =	stream.linear.scatter [tilespmem:s6], [sflag:$0x2], $0x2000, $0x38;
	[tilespmem:$0x4000] =	vst v63  }
0x28: {  	_ =	swait.ge [sflag:s3], $0x2000  }
0x29: {  	s14 =	sor.u32 $0xC00, s24;
	[sflag:s3] =	ssyncset.done $0x0  }
0x2a: {  	s13 =	sadd.s32 s21, s14;
	[sflag:s3] =	ssyncadd.s32 $0xFFFFE000  }
0x2b: {  	[tilespmem:s2], [sflag:$0x2] =	stream.linear.gather [hbm4b:s13+s2], $0x2000, $0x38;
	[tilespmem:$0x4000] =	vst v63  }
0x2c: {  	_ =	swait.ge [sflag:s3], $0x2000  }
0x2d: {  	[sflag:s3] =	ssyncset.done $0x0  }
0x2e: {  	[sflag:s3] =	ssyncadd.s32 $0xFFFFE000  }
0x2f: {  	[tilespmem:s6], [sflag:$0x1] =	stream.indirect.gather [hbm4b:s5+s6], $0x1, s2, s6, $0xb8;
	[tilespmem:$0x4000] =	vst v63  }
0x30: {  	_ =	swait.ge [sflag:s7], $0x2000  }
0x31: {  	[sflag:s7] =	ssyncset.done $0x0  }
0x32: {  	s14 =	sadd.s32 s22, s14;
	[sflag:s7] =	ssyncadd.s32 $0xFFFFE000  }
0x33: {  	[hbm4b:s14+s2] =	stream.linear.scatter [tilespmem:s6], [sflag:$0x2], $0x2000, $0x38;
	[tilespmem:$0x4000] =	vst v63  }
0x34: {  	_ =	swait.ge [sflag:s3], $0x2000  }
0x35: {  	s16 =	sor.u32 $0x1000, s24;
	[sflag:s3] =	ssyncset.done $0x0  }
0x36: {  	s15 =	sadd.s32 s21, s16;
	[sflag:s3] =	ssyncadd.s32 $0xFFFFE000  }
0x37: {  	[tilespmem:s2], [sflag:$0x2] =	stream.linear.gather [hbm4b:s15+s2], $0x2000, $0x38;
	[tilespmem:$0x4000] =	vst v63  }
0x38: {  	_ =	swait.ge [sflag:s3], $0x2000  }
0x39: {  	[sflag:s3] =	ssyncset.done $0x0  }
0x3a: {  	[sflag:s3] =	ssyncadd.s32 $0xFFFFE000  }
0x3b: {  	[tilespmem:s6], [sflag:$0x1] =	stream.indirect.gather [hbm4b:s5+s6], $0x1, s2, s6, $0xb8;
	[tilespmem:$0x4000] =	vst v63  }
0x3c: {  	_ =	swait.ge [sflag:s7], $0x2000  }
0x3d: {  	[sflag:s7] =	ssyncset.done $0x0  }
0x3e: {  	s16 =	sadd.s32 s22, s16;
	[sflag:s7] =	ssyncadd.s32 $0xFFFFE000  }
0x3f: {  	[hbm4b:s16+s2] =	stream.linear.scatter [tilespmem:s6], [sflag:$0x2], $0x2000, $0x38;
	[tilespmem:$0x4000] =	vst v63  }
0x40: {  	_ =	swait.ge [sflag:s3], $0x2000  }
0x41: {  	s18 =	sor.u32 $0x1400, s24;
	[sflag:s3] =	ssyncset.done $0x0  }
0x42: {  	s17 =	sadd.s32 s21, s18;
	[sflag:s3] =	ssyncadd.s32 $0xFFFFE000  }
0x43: {  	[tilespmem:s2], [sflag:$0x2] =	stream.linear.gather [hbm4b:s17+s2], $0x2000, $0x38;
	[tilespmem:$0x4000] =	vst v63  }
0x44: {  	_ =	swait.ge [sflag:s3], $0x2000  }
0x45: {  	[sflag:s3] =	ssyncset.done $0x0  }
0x46: {  	[sflag:s3] =	ssyncadd.s32 $0xFFFFE000  }
0x47: {  	[tilespmem:s6], [sflag:$0x1] =	stream.indirect.gather [hbm4b:s5+s6], $0x1, s2, s6, $0xb8;
	[tilespmem:$0x4000] =	vst v63  }
0x48: {  	_ =	swait.ge [sflag:s7], $0x2000  }
0x49: {  	[sflag:s7] =	ssyncset.done $0x0  }
0x4a: {  	s18 =	sadd.s32 s22, s18;
	[sflag:s7] =	ssyncadd.s32 $0xFFFFE000  }
0x4b: {  	[hbm4b:s18+s2] =	stream.linear.scatter [tilespmem:s6], [sflag:$0x2], $0x2000, $0x38;
	[tilespmem:$0x4000] =	vst v63  }
0x4c: {  	_ =	swait.ge [sflag:s3], $0x2000  }
0x4d: {  	s20 =	sor.u32 $0x1800, s24;
	[sflag:s3] =	ssyncset.done $0x0  }
0x4e: {  	s19 =	sadd.s32 s21, s20;
	[sflag:s3] =	ssyncadd.s32 $0xFFFFE000  }
0x4f: {  	[tilespmem:s2], [sflag:$0x2] =	stream.linear.gather [hbm4b:s19+s2], $0x2000, $0x38;
	[tilespmem:$0x4000] =	vst v63  }
0x50: {  	_ =	swait.ge [sflag:s3], $0x2000  }
0x51: {  	[sflag:s3] =	ssyncset.done $0x0  }
0x52: {  	[sflag:s3] =	ssyncadd.s32 $0xFFFFE000  }
0x53: {  	[tilespmem:s6], [sflag:$0x1] =	stream.indirect.gather [hbm4b:s5+s6], $0x1, s2, s6, $0xb8;
	[tilespmem:$0x4000] =	vst v63  }
0x54: {  	_ =	swait.ge [sflag:s7], $0x2000  }
0x55: {  	[sflag:s7] =	ssyncset.done $0x0  }
0x56: {  	s20 =	sadd.s32 s22, s20;
	[sflag:s7] =	ssyncadd.s32 $0xFFFFE000  }
0x57: {  	[hbm4b:s20+s2] =	stream.linear.scatter [tilespmem:s6], [sflag:$0x2], $0x2000, $0x38;
	[tilespmem:$0x4000] =	vst v63  }
0x58: {  	_ =	swait.ge [sflag:s3], $0x2000  }
0x59: {  	s24 =	sor.u32 $0x1C00, s24;
	[sflag:s3] =	ssyncset.done $0x0  }
0x5a: {  	s23 =	ssub.s32 $0x2, s23;
	s21 =	sadd.s32 s21, s24;
	[sflag:s3] =	ssyncadd.s32 $0xFFFFE000  }
0x5b: {  	[tilespmem:s2], [sflag:$0x2] =	stream.linear.gather [hbm4b:s21+s2], $0x2000, $0x38;
	[tilespmem:$0x4000] =	vst v63  }
0x5c: {  	s25 =	sshrl.u32 s23, $0x1;
	_ =	swait.ge [sflag:s3], $0x2000  }
0x5d: {  	s23 =	ssub.s32 s23, s25;
	[sflag:s3] =	ssyncset.done $0x0  }
0x5e: {  	s23 =	smax.u32 s23, $0x1;
	[sflag:s3] =	ssyncadd.s32 $0xFFFFE000  }
0x5f: {  	[tilespmem:s6], [sflag:$0x1] =	stream.indirect.gather [hbm4b:s5+s6], $0x1, s2, s6, $0xb8;
	[tilespmem:$0x4000] =	vst v63  }
0x60: {  	p0 =	sne.s32 s23, $0x1;
	_ =	swait.ge [sflag:s7], $0x2000  }
.Ltmp0:
0x61: {  	[sflag:s7] =	ssyncset.done $0x0;
	(pc) =	sbr.rel @!p0 .LBB2_2-.Ltmp0, $4  }
0x62: {  	s22 =	sadd.s32 s22, s24;
	[sflag:s7] =	ssyncadd.s32 $0xFFFFE000  }
0x63: {  	[hbm4b:s22+s2] =	stream.linear.scatter [tilespmem:s6], [sflag:$0x2], $0x2000, $0x38;
	[tilespmem:$0x4000] =	vst v63  }
0x64: {  	_ =	swait.ge [sflag:s3], $0x2000  }
0x65: {  	s23 =	sadd.s32 $0xFFFFFFFF, s23;
	[sflag:s3] =	ssyncset.done $0x0  }
.LBB2_1:
0x66: {  	p0 =	sne.s32 s23, $0x1;
	s23 =	sadd.s32 $0xFFFFFFFF, s23;
	[sflag:s3] =	ssyncadd.s32 $0xFFFFE000  }
0x67: {  	[tilespmem:s2], [sflag:$0x2] =	stream.linear.gather [hbm4b:s4+s2], $0x2000, $0x38;
	[tilespmem:$0x4000] =	vst v63  }
0x68: {  	_ =	swait.ge [sflag:s3], $0x2000  }
0x69: {  	[sflag:s3] =	ssyncset.done $0x0  }
0x6a: {  	[sflag:s3] =	ssyncadd.s32 $0xFFFFE000  }
0x6b: {  	[tilespmem:s6], [sflag:$0x1] =	stream.indirect.gather [hbm4b:s5+s6], $0x1, s2, s6, $0xb8;
	[tilespmem:$0x4000] =	vst v63  }
0x6c: {  	_ =	swait.ge [sflag:s7], $0x2000  }
0x6d: {  	[sflag:s7] =	ssyncset.done $0x0  }
0x6e: {  	[sflag:s7] =	ssyncadd.s32 $0xFFFFE000  }
0x6f: {  	[hbm4b:s8+s2] =	stream.linear.scatter [tilespmem:s6], [sflag:$0x2], $0x2000, $0x38;
	[tilespmem:$0x4000] =	vst v63  }
0x70: {  	_ =	swait.ge [sflag:s3], $0x2000  }
0x71: {  	[sflag:s3] =	ssyncset.done $0x0  }
0x72: {  	[sflag:s3] =	ssyncadd.s32 $0xFFFFE000  }
0x73: {  	[tilespmem:s2], [sflag:$0x2] =	stream.linear.gather [hbm4b:s9+s2], $0x2000, $0x38;
	[tilespmem:$0x4000] =	vst v63  }
0x74: {  	_ =	swait.ge [sflag:s3], $0x2000  }
0x75: {  	[sflag:s3] =	ssyncset.done $0x0  }
0x76: {  	[sflag:s3] =	ssyncadd.s32 $0xFFFFE000  }
0x77: {  	[tilespmem:s6], [sflag:$0x1] =	stream.indirect.gather [hbm4b:s5+s6], $0x1, s2, s6, $0xb8;
	[tilespmem:$0x4000] =	vst v63  }
0x78: {  	_ =	swait.ge [sflag:s7], $0x2000  }
0x79: {  	[sflag:s7] =	ssyncset.done $0x0  }
0x7a: {  	[sflag:s7] =	ssyncadd.s32 $0xFFFFE000  }
0x7b: {  	[hbm4b:s10+s2] =	stream.linear.scatter [tilespmem:s6], [sflag:$0x2], $0x2000, $0x38;
	[tilespmem:$0x4000] =	vst v63  }
0x7c: {  	_ =	swait.ge [sflag:s3], $0x2000  }
0x7d: {  	[sflag:s3] =	ssyncset.done $0x0  }
0x7e: {  	[sflag:s3] =	ssyncadd.s32 $0xFFFFE000  }
0x7f: {  	[tilespmem:s2], [sflag:$0x2] =	stream.linear.gather [hbm4b:s11+s2], $0x2000, $0x38;
	[tilespmem:$0x4000] =	vst v63  }
0x80: {  	_ =	swait.ge [sflag:s3], $0x2000  }
0x81: {  	[sflag:s3] =	ssyncset.done $0x0  }
0x82: {  	[sflag:s3] =	ssyncadd.s32 $0xFFFFE000  }
0x83: {  	[tilespmem:s6], [sflag:$0x1] =	stream.indirect.gather [hbm4b:s5+s6], $0x1, s2, s6, $0xb8;
	[tilespmem:$0x4000] =	vst v63  }
0x84: {  	_ =	swait.ge [sflag:s7], $0x2000  }
0x85: {  	[sflag:s7] =	ssyncset.done $0x0  }
0x86: {  	[sflag:s7] =	ssyncadd.s32 $0xFFFFE000  }
0x87: {  	[hbm4b:s12+s2] =	stream.linear.scatter [tilespmem:s6], [sflag:$0x2], $0x2000, $0x38;
	[tilespmem:$0x4000] =	vst v63  }
0x88: {  	_ =	swait.ge [sflag:s3], $0x2000  }
0x89: {  	[sflag:s3] =	ssyncset.done $0x0  }
0x8a: {  	[sflag:s3] =	ssyncadd.s32 $0xFFFFE000  }
0x8b: {  	[tilespmem:s2], [sflag:$0x2] =	stream.linear.gather [hbm4b:s13+s2], $0x2000, $0x38;
	[tilespmem:$0x4000] =	vst v63  }
0x8c: {  	_ =	swait.ge [sflag:s3], $0x2000  }
0x8d: {  	[sflag:s3] =	ssyncset.done $0x0  }
0x8e: {  	[sflag:s3] =	ssyncadd.s32 $0xFFFFE000  }
0x8f: {  	[tilespmem:s6], [sflag:$0x1] =	stream.indirect.gather [hbm4b:s5+s6], $0x1, s2, s6, $0xb8;
	[tilespmem:$0x4000] =	vst v63  }
0x90: {  	_ =	swait.ge [sflag:s7], $0x2000  }
0x91: {  	[sflag:s7] =	ssyncset.done $0x0  }
0x92: {  	[sflag:s7] =	ssyncadd.s32 $0xFFFFE000  }
0x93: {  	[hbm4b:s14+s2] =	stream.linear.scatter [tilespmem:s6], [sflag:$0x2], $0x2000, $0x38;
	[tilespmem:$0x4000] =	vst v63  }
0x94: {  	_ =	swait.ge [sflag:s3], $0x2000  }
0x95: {  	[sflag:s3] =	ssyncset.done $0x0  }
0x96: {  	[sflag:s3] =	ssyncadd.s32 $0xFFFFE000  }
0x97: {  	[tilespmem:s2], [sflag:$0x2] =	stream.linear.gather [hbm4b:s15+s2], $0x2000, $0x38;
	[tilespmem:$0x4000] =	vst v63  }
0x98: {  	_ =	swait.ge [sflag:s3], $0x2000  }
0x99: {  	[sflag:s3] =	ssyncset.done $0x0  }
0x9a: {  	[sflag:s3] =	ssyncadd.s32 $0xFFFFE000  }
0x9b: {  	[tilespmem:s6], [sflag:$0x1] =	stream.indirect.gather [hbm4b:s5+s6], $0x1, s2, s6, $0xb8;
	[tilespmem:$0x4000] =	vst v63  }
0x9c: {  	_ =	swait.ge [sflag:s7], $0x2000  }
0x9d: {  	[sflag:s7] =	ssyncset.done $0x0  }
0x9e: {  	[sflag:s7] =	ssyncadd.s32 $0xFFFFE000  }
0x9f: {  	[hbm4b:s16+s2] =	stream.linear.scatter [tilespmem:s6], [sflag:$0x2], $0x2000, $0x38;
	[tilespmem:$0x4000] =	vst v63  }
0xa0: {  	_ =	swait.ge [sflag:s3], $0x2000  }
0xa1: {  	[sflag:s3] =	ssyncset.done $0x0  }
0xa2: {  	[sflag:s3] =	ssyncadd.s32 $0xFFFFE000  }
0xa3: {  	[tilespmem:s2], [sflag:$0x2] =	stream.linear.gather [hbm4b:s17+s2], $0x2000, $0x38;
	[tilespmem:$0x4000] =	vst v63  }
0xa4: {  	_ =	swait.ge [sflag:s3], $0x2000  }
0xa5: {  	[sflag:s3] =	ssyncset.done $0x0  }
0xa6: {  	[sflag:s3] =	ssyncadd.s32 $0xFFFFE000  }
0xa7: {  	[tilespmem:s6], [sflag:$0x1] =	stream.indirect.gather [hbm4b:s5+s6], $0x1, s2, s6, $0xb8;
	[tilespmem:$0x4000] =	vst v63  }
0xa8: {  	_ =	swait.ge [sflag:s7], $0x2000  }
0xa9: {  	[sflag:s7] =	ssyncset.done $0x0  }
0xaa: {  	[sflag:s7] =	ssyncadd.s32 $0xFFFFE000  }
0xab: {  	[hbm4b:s18+s2] =	stream.linear.scatter [tilespmem:s6], [sflag:$0x2], $0x2000, $0x38;
	[tilespmem:$0x4000] =	vst v63  }
0xac: {  	_ =	swait.ge [sflag:s3], $0x2000  }
0xad: {  	[sflag:s3] =	ssyncset.done $0x0  }
0xae: {  	[sflag:s3] =	ssyncadd.s32 $0xFFFFE000  }
0xaf: {  	[tilespmem:s2], [sflag:$0x2] =	stream.linear.gather [hbm4b:s19+s2], $0x2000, $0x38;
	[tilespmem:$0x4000] =	vst v63  }
0xb0: {  	_ =	swait.ge [sflag:s3], $0x2000  }
0xb1: {  	[sflag:s3] =	ssyncset.done $0x0  }
0xb2: {  	[sflag:s3] =	ssyncadd.s32 $0xFFFFE000  }
0xb3: {  	[tilespmem:s6], [sflag:$0x1] =	stream.indirect.gather [hbm4b:s5+s6], $0x1, s2, s6, $0xb8;
	[tilespmem:$0x4000] =	vst v63  }
0xb4: {  	_ =	swait.ge [sflag:s7], $0x2000  }
0xb5: {  	[sflag:s7] =	ssyncset.done $0x0  }
0xb6: {  	[sflag:s7] =	ssyncadd.s32 $0xFFFFE000  }
0xb7: {  	[hbm4b:s20+s2] =	stream.linear.scatter [tilespmem:s6], [sflag:$0x2], $0x2000, $0x38;
	[tilespmem:$0x4000] =	vst v63  }
0xb8: {  	_ =	swait.ge [sflag:s3], $0x2000  }
0xb9: {  	[sflag:s3] =	ssyncset.done $0x0  }
0xba: {  	[sflag:s3] =	ssyncadd.s32 $0xFFFFE000  }
0xbb: {  	[tilespmem:s2], [sflag:$0x2] =	stream.linear.gather [hbm4b:s21+s2], $0x2000, $0x38;
	[tilespmem:$0x4000] =	vst v63  }
0xbc: {  	_ =	swait.ge [sflag:s3], $0x2000  }
0xbd: {  	[sflag:s3] =	ssyncset.done $0x0  }
0xbe: {  	[sflag:s3] =	ssyncadd.s32 $0xFFFFE000  }
0xbf: {  	[tilespmem:s6], [sflag:$0x1] =	stream.indirect.gather [hbm4b:s5+s6], $0x1, s2, s6, $0xb8;
	[tilespmem:$0x4000] =	vst v63  }
0xc0: {  	_ =	swait.ge [sflag:s7], $0x2000  }
.Ltmp1:
0xc1: {  	[sflag:s7] =	ssyncset.done $0x0;
	(pc) =	sbr.rel @p0 .LBB2_1-.Ltmp1, $4  }
0xc2: {  	[sflag:s7] =	ssyncadd.s32 $0xFFFFE000  }
0xc3: {  	[hbm4b:s22+s2] =	stream.linear.scatter [tilespmem:s6], [sflag:$0x2], $0x2000, $0x38;
	[tilespmem:$0x4000] =	vst v63  }
0xc4: {  	_ =	swait.ge [sflag:s3], $0x2000  }
0xc5: {  	[sflag:s3] =	ssyncset.done $0x0  }
.LBB2_2:
0xc6: {  	[sflag:s3] =	ssyncadd.s32 $0xFFFFE000  }
0xc7: {  	_ =	sfence.sel $0x180000  }
0xc8: {  	[bflag:$0x0] =	sbarrier.arrive $0xFFFF  }
0xc9: {  	p0 =	sne.s32 s1, $0x0;
	_ =	strace $0x9000004D  }
0xca: {  	s0 =	sadd.s32 @!p0 $0x100000, s0;
	[bflag:$0x2] =	sbarrier.arrive $0xFFFF  }
0xcb: {  	[sflag:s0] =	ssyncadd.tile.s32 @!p0 $0x1;
	_ =	shalt  }
.Lfunc_end2:
_tile_overlayer_lowered:
.L_overlay_start_2:
0xcc: {  	(tag) =	ssettag $0x2  }
0xcd: {  	s0 =	rddreg [dreg:$0x0];
	s2 =	stileid.u32  }
0xce: {  	s1 =	rddreg [dreg:$0x1];
	p0 =	sne.s32 s2, $0x0  }
0xcf: {  	s3 =	rddreg [dreg:$0x2];
	[bflag:$0x3] =	sbarrier.arrive $0xFFFF;
	s2 =	simm.s32 @!p0 $0x1C02  }
0xd0: {  	[timem:s3], [sflag:s2] =	dma.local @!p0 [hbm:s0], s1  }
0xd1: {  	s0 =	simm.s32 @!p0 $0x2  }
0xd2: {  	_ =	swait.ge @!p0 [sflag:s0], s1  }
0xd3: {  	s1 =	ssub.s32 @!p0 $0x0, s1;
	[sflag:s0] =	ssyncset.done @!p0 $0x0  }
0xd4: {  	[sflag:s0] =	ssyncadd.s32 @!p0 s1  }
0xd5: {  	[bflag:$0x3] =	sbarrier.arrive $0xFFFF  }
0xd6: {  	_ =	shalt  }

// kernel: kernel.5.cloned.1.call-start
scs
__scs_entry_jumppad:
0x0: {  	(pc) =	sbr.rel $0x88, $3  }
0x1: {  	(tag) =	ssettag $0x0;
	lr =	simm.s32 $0x1  }
0x2: {  	[smem:$0x3F9E] =	sst lr;
	_ =	strace $0xD0000000  }
0x3: {  	_ = 	snop  }
0x4: {  	_ = 	snop  }
0x5: {  	_ = 	snop  }
0x6: {  	_ = 	snop  }
0x7: {  	_ = 	snop  }
__scs_overlays_trampoline_lowered:
0x8: {  	[smem:$0x3FAD] =	sst s0  }
0x9: {  	[smem:$0x3FAE] =	sst s1  }
0xa: {  	[smem:$0x3FAF] =	sst s2  }
0xb: {  	[smem:$0x3FB0] =	sst s3  }
0xc: {  	[smem:$0x3FB1] =	sst s4  }
0xd: {  	[smem:$0x3FB2] =	sst s5  }
0xe: {  	[smem:$0x3FB3] =	sst s6  }
0xf: {  	[smem:$0x3FB4] =	sst s7  }
0x10: {  	[smem:$0x3FB5] =	sst s8  }
0x11: {  	[smem:$0x3FB6] =	sst s9;
	s0 =	simm.s32 @!p0 $0x0  }
0x12: {  	s1 =	sld [smem:$0x3F9C];
	s0 =	simm.s32 @p0 $0x1  }
0x13: {  	[smem:$0x3FB7] =	sst s0;
	s0 =	simm.s32 @!p1 $0x0  }
0x14: {  	s2 =	sld [smem:$0x3F9B];
	s0 =	simm.s32 @p1 $0x1  }
0x15: {  	[smem:$0x3FB8] =	sst s0;
	s0 =	simm.s32 @!p2 $0x0  }
0x16: {  	s3 =	sld [smem:$0x3FDB];
	s0 =	simm.s32 @p2 $0x1  }
0x17: {  	s4 =	simm.s32 $0x1BF5;
	[smem:$0x3FBA] =	sst s0  }
0x18: {  	s0 =	sld [smem:$0x3F9D];
	_ =	swait.ge [sflag:s4], $0x0  }
0x19: {  	s7 =	sld [smem:$0x3F9E]  }
0x1a: {  	s8 =	sadd.s32 $0xFFFFE003, lr  }
0x1b: {  	s9 =	sadd.s32 $0xFFFFFEF7, lr;
	s5 =	simm.s32 $0xFFFFFFFF;
	p2 =	slt.u32 s8, $0xFFFFF086  }
0x1c: {  	p1 =	slt.u32 s9, $0xF7A;
	s5 =	simm.s32 @!p2 $0x0  }
0x1d: {  	s5 =	simm.s32 @p1 $0x1;
	p0 =	seq.s32 s7, s2  }
0x1e: {  	s7 =	smul.u32 @!p0 $0xF7A, s2;
	p2 =	seq.s32 @!p0 s5, $0x0  }
0x1f: {  	s9 =	smul.u32 $0xF7A, s1;
	s8 =	simm.s32 @!p0 $0x1BF5;
	p2 =	por !p2, p0  }
0x20: {  	[sflag:s8] =	ssyncset.s32 @!p0 $0xFFFFF086;
	s6 =	sadd.s32 @!p0 s3, s7;
	s7 =	simm.s32 @!p0 $0x108  }
0x21: {  	s3 =	sadd.s32 s3, s9;
	s6 =	sadd.s32 @!p0 $0x88, s6;
	s7 =	simm.s32 @p2 $0x1082  }
0x22: {  	[simem:s7], [sflag:s8] =	dma.local @!p0 [hbm:s6], $0xF7A  }
0x23: {  	s9 =	sor.u32 $0xD0000000, s2;
	s6 =	simm.s32 $0x108;
	_ =	swait.ge @!p0 [sflag:s8], $0x0  }
0x24: {  	s3 =	sadd.s32 $0x88, s3;
	s6 =	simm.s32 @!p1 $0x1082;
	[sflag:s4] =	ssyncset.s32 $0xFFFFF086  }
0x25: {  	[simem:s6], [sflag:s4] =	dma.local [hbm:s3], $0xF7A  }
0x26: {  	[smem:$0x3F9E] =	sst s1;
	(tag) =	ssettag s2;
	_ =	strace s9  }
0x27: {  	s1 =	sld [smem:$0x3FAE]  }
0x28: {  	s2 =	sld [smem:$0x3FAF]  }
0x29: {  	s4 =	sld [smem:$0x3FB1]  }
0x2a: {  	p0 =	seq.s32 s5, $0x0;
	s5 =	sld [smem:$0x3FB2]  }
0x2b: {  	s6 =	sld [smem:$0x3FB3]  }
0x2c: {  	s7 =	sld [smem:$0x3FB4]  }
0x2d: {  	s3 =	simm.s32 $0x108;
	s8 =	sld [smem:$0x3FB5]  }
0x2e: {  	s3 =	simm.s32 @!p0 $0x1082;
	s9 =	sld [smem:$0x3FB6]  }
0x2f: {  	lr =	sadd.s32 s0, s3;
	s0 =	sld [smem:$0x3FAD]  }
0x30: {  	s3 =	sld [smem:$0x3FB0]  }
0x31: {  	[smem:$0x3FB9] =	sst s10  }
0x32: {  	s10 =	sld [smem:$0x3FB7];
	_ =	sdelay $0x3  }
0x33: {  	p0 =	seq.s32 s10, $0x1;
	s10 =	sld [smem:$0x3FB9];
	_ =	sdelay $0x3  }
0x34: {  	[smem:$0x3FB9] =	sst s10  }
0x35: {  	s10 =	sld [smem:$0x3FB8];
	_ =	sdelay $0x3  }
0x36: {  	p1 =	seq.s32 s10, $0x1;
	s10 =	sld [smem:$0x3FB9];
	_ =	sdelay $0x3  }
0x37: {  	[smem:$0x3FB9] =	sst s10  }
0x38: {  	s10 =	sld [smem:$0x3FBA]  }
0x39: {  	_ = 	snop;
	(pc) =	sbr.ind lr, $3  }
0x3a: {  	_ = 	snop  }
0x3b: {  	_ = 	snop  }
0x3c: {  	p2 =	seq.s32 s10, $0x1;
	s10 =	sld [smem:$0x3FB9]  }
0x3d: {  	_ =	shalt  }
0x3e: {  	_ =	shalt  }
0x3f: {  	_ =	shalt  }
0x40: {  	_ =	shalt  }
0x41: {  	_ =	shalt  }
0x42: {  	_ =	shalt  }
0x43: {  	_ =	shalt  }
0x44: {  	_ =	shalt  }
0x45: {  	_ =	shalt  }
0x46: {  	_ =	shalt  }
0x47: {  	_ =	shalt  }
0x48: {  	_ =	shalt  }
0x49: {  	_ =	shalt  }
0x4a: {  	_ =	shalt  }
0x4b: {  	_ =	shalt  }
0x4c: {  	_ =	shalt  }
0x4d: {  	_ =	shalt  }
0x4e: {  	_ =	shalt  }
0x4f: {  	_ =	shalt  }
0x50: {  	_ =	shalt  }
0x51: {  	_ =	shalt  }
0x52: {  	_ =	shalt  }
0x53: {  	_ =	shalt  }
0x54: {  	_ =	shalt  }
0x55: {  	_ =	shalt  }
0x56: {  	_ =	shalt  }
0x57: {  	_ =	shalt  }
0x58: {  	_ =	shalt  }
0x59: {  	_ =	shalt  }
0x5a: {  	_ =	shalt  }
0x5b: {  	_ =	shalt  }
0x5c: {  	_ =	shalt  }
0x5d: {  	_ =	shalt  }
0x5e: {  	_ =	shalt  }
0x5f: {  	_ =	shalt  }
0x60: {  	_ =	shalt  }
0x61: {  	_ =	shalt  }
0x62: {  	_ =	shalt  }
0x63: {  	_ =	shalt  }
0x64: {  	_ =	shalt  }
0x65: {  	_ =	shalt  }
0x66: {  	_ =	shalt  }
0x67: {  	_ =	shalt  }
0x68: {  	_ =	shalt  }
0x69: {  	_ =	shalt  }
0x6a: {  	_ =	shalt  }
0x6b: {  	_ =	shalt  }
0x6c: {  	_ =	shalt  }
0x6d: {  	_ =	shalt  }
0x6e: {  	_ =	shalt  }
0x6f: {  	_ =	shalt  }
0x70: {  	_ =	shalt  }
0x71: {  	_ =	shalt  }
0x72: {  	_ =	shalt  }
0x73: {  	_ =	shalt  }
0x74: {  	_ =	shalt  }
0x75: {  	_ =	shalt  }
0x76: {  	_ =	shalt  }
0x77: {  	_ =	shalt  }
0x78: {  	_ =	shalt  }
0x79: {  	_ =	shalt  }
0x7a: {  	_ =	shalt  }
0x7b: {  	_ =	shalt  }
0x7c: {  	_ =	shalt  }
0x7d: {  	_ =	shalt  }
0x7e: {  	_ =	shalt  }
0x7f: {  	_ =	shalt  }
0x80: {  	_ =	shalt  }
0x81: {  	_ =	shalt  }
0x82: {  	_ =	shalt  }
0x83: {  	_ =	shalt  }
0x84: {  	_ =	shalt  }
0x85: {  	_ =	shalt  }
0x86: {  	_ =	shalt  }
0x87: {  	_ =	shalt  }
.Lfunc_end0:
.L_simem_size_0:
called_computation_lowered:
.L_overlay_start_0:
0x88: {  	s2 =	sld [smem:$0x3FD9]  }
0x89: {  	s3 =	sld [smem:$0x3FFE];
	_ =	sdelay $0x1  }
0x8a: {  	s1 =	srdreg.scid  }
0x8b: {  	s0 =	sand.u32 $0x1, s1  }
0x8c: {  	s17 =	sshll.u32 s0, $0xA;
	s2 =	sadd.s32 s3, s2  }
0x8d: {  	s2 =	sadd.s32 s2, s17  }
0x8e: {  	[smem:$0x3FC5] =	sst s2  }
0x8f: {  	_ = 	snop  }
0x90: {  	s2 =	sld [smem:$0x3FD0];
	(tm) =	ssettm $0x1  }
0x91: {  	s18 =	sld [smem:$0x3FFB];
	_ =	sdelay $0x3  }
0x92: {  	_ =	strace s18  }
0x93: {  	s3 =	sld [smem:$0x3FFC];
	_ =	sdelay $0x3  }
0x94: {  	_ =	strace s3  }
0x95: {  	s3 =	sld [smem:$0x3FFD];
	_ =	sdelay $0x3  }
0x96: {  	_ =	strace s3  }
0x97: {  	_ =	strace $0x8FFFFFFF  }
0x98: {  	s19 =	sld [smem:$0x3FDB];
	_ =	sdelay $0x1  }
0x99: {  	s4 =	simm.s32 $_scs_section_size  }
0x9a: {  	s5 =	simm.s32 $_size__tile_overlayer_lowered;
	s6 =	simm.s32 $_tile_overlayer_lowered  }
0x9b: {  	s22 =	simm.s32 $0x1BFF;
	s21 =	sshll.u32 s6, $0x1;
	s3 =	sadd.s32 s4, s19  }
0x9c: {  	s7 =	simm.s32 $0x0;
	s20 =	sshll.u32 s5, $0x1;
	s5 =	sadd.s32 s21, s3  }
0x9d: {  	[timem:s7], [sflag:s22] =	dma.local [hbm:s5], s20  }
0x9e: {  	_ =	swait.ge [sflag:s22], s20  }
0x9f: {  	s4 =	ssub.s32 $0x0, s20;
	[sflag:s22] =	ssyncset.done $0x0  }
0xa0: {  	[sflag:s22] =	ssyncadd.s32 s4;
	_ =	sdelay $0x1  }
0xa1: {  	s23 =	simm.s32 $0x1B8B  }
0xa2: {  	_ =	swait.ge [sflag:s23], $0x1  }
0xa3: {  	[sflag:s23] =	ssyncset.done $0x0  }
0xa4: {  	s25 =	simm.s32 $0x1B8E;
	s24 =	sld [smem:$0x3FFE];
	[sflag:s23] =	ssyncadd.s32 $0xFFFFFFFF  }
0xa5: {  	s26 =	simm.s32 $execute0_lowered;
	[smem:$0x3FD2] =	sst s25  }
0xa6: {  	s5 =	sshll.u32 s26, $0x1;
	_ =	strace $0x80000046;
	[dreg:$0x1] =	wrdreg $0xFFFFFFFF  }
0xa7: {  	s28 =	simm.s32 $_size_execute0_lowered;
	s3 =	sadd.s32 s3, s5;
	[dreg:$0x0] =	wrdreg $0x0  }
0xa8: {  	s5 =	sshll.u32 s28, $0x1;
	[dreg:$0x2] =	wrdreg s3  }
0xa9: {  	[dreg:$0x3] =	wrdreg s5  }
0xaa: {  	[dreg:$0x4] =	wrdreg $0xC0  }
0xab: {  	_ =	task [dreg:s7], $0x5FFFF  }
0xac: {  	[dreg:$0x1] =	wrdreg $0xFFFFFFFF  }
0xad: {  	[dreg:$0x0] =	wrdreg $0x60  }
0xae: {  	[dreg:$0x2] =	wrdreg s24  }
0xaf: {  	[dreg:$0x3] =	wrdreg s2  }
0xb0: {  	[dreg:$0x4] =	wrdreg $0x9  }
0xb1: {  	_ =	task.clear_ibuf [dreg:s7], $0x5FFFF;
	_ =	strace $0x90000046  }
0xb2: {  	s29 =	simm.s32 $0x9;
	_ =	strace $0x80000048  }
0xb3: {  	_ =	swait.ge [sflag:s29], $0x1  }
0xb4: {  	[sflag:s29] =	ssyncadd.s32 $0xFFFFFFFF  }
0xb5: {  	_ =	strace $0x90000048  }
0xb6: {  	_ =	sfence  }
0xb7: {  	s30 =	sld [smem:$0x0];
	_ =	sdelay $0x2  }
0xb8: {  	s31 =	sshll.u32 s1, $0xD;
	s1 =	sshrl.u32 s1, $0x2  }
0xb9: {  	s3 =	sand.u32 $0x4000, s31;
	s1 =	sadd.s32 s1, s30  }
0xba: {  	s0 =	sor.u32 s3, s0;
	s1 =	sshll.u32 s1, $0x11  }
0xbb: {  	s0 =	sor.u32 s1, s0  }
0xbc: {  	s0 =	sadd.s32 $0x8F2B, s0  }
0xbd: {  	[sflag:s0] =	ssyncadd.remote.s32 $0x1  }
0xbe: {  	_ =	sfence.sel $0xFFFF  }
0xbf: {  	[dreg:$0x0] =	wrdreg $0xFFFFFFFF;
	(pc) =	sbr.abs _section_cstart, $3  }
0xc0: {  	[dreg:$0x1] =	wrdreg $0xFFFFFFFF  }
0xc1: {  	_ =	task.clear_ibuf [dreg:s7], $0x2FFFF;
	_ =	strace $0x9FFFFFFF  }
0xc2: {  	(tm) =	ssettm $0x7FFFFFFF  }
0xc3: {  	_ =	shalt  }
tec
execute0_lowered:
.L_overlay_start_1:
0x0: {  	(tag) =	ssettag $0x1  }
0x1: {  	s5 =	rddreg [dreg:$0x0]  }
0x2: {  	s1 =	rddreg [dreg:$0x1]  }
0x3: {  	s0 =	rddreg [dreg:$0x2];
	s2 =	simm.s32 $0x0  }
0x4: {  	s6 =	srdreg.scid;
	s12 =	simm.s32 $0x10080;
	s13 =	simm.s32 $0x1  }
0x5: {  	s14 =	simm.s32 $0x4000;
	s15 =	simm.s32 $0x8000;
	s16 =	simm.s32 $0xC000  }
0x6: {  	s17 =	simm.s32 $0x0;
	[smem:$0x7FF] =	sst s2;
	s3 =	sadd.s32 $0x40E00, s5  }
0x7: {  	s4 =	sadd.s32 $0xE00, s5;
	s9 =	sand.u32 $0x1, s6;
	s6 =	sadd.s32 $0x80E00, s5  }
0x8: {  	s7 =	sadd.s32 $0x81000, s5;
	s8 =	sadd.s32 $0x81200, s5;
	s10 =	ssub.s32 $0x2, s9  }
0x9: {  	s5 =	stileid.u32;
	_ =	strace $0x80000047;
	s11 =	sshrl.u32 s10, $0x1  }
0xa: {  	s31 =	sshll.u32 s5, $0xE;
	s9 =	sshll.u32 s9, $0xD;
	s10 =	ssub.s32 s10, s11  }
0xb: {  	s9 =	sor.u32 s9, s31;
	s11 =	simm.s32 $0x10000;
	s10 =	smax.u32 s10, $0x1  }
.LBB2_1:
0xc: {  	[tilespmem:s11], [sflag:$0x1] =	stream.linear.gather [hbm4b:s6+s2], $0x1, $0x38;
	[tilespmem:$0x10100] =	vst v63  }
0xd: {  	_ = 	snop  }
0xe: {  	[tilespmem:s12], [sflag:$0x1] =	stream.linear.gather [hbm4b:s7+s2], $0x1, $0x38;
	[tilespmem:$0x10100] =	vst v63  }
0xf: {  	_ =	swait.ge [sflag:s13], $0x1  }
0x10: {  	[sflag:s13] =	ssyncset.done $0x0  }
0x11: {  	[sflag:s13] =	ssyncadd.s32 $0xFFFFFFFF  }
0x12: {  	_ =	swait.ge [sflag:s13], $0x1  }
0x13: {  	[sflag:s13] =	ssyncset.done $0x0  }
0x14: {  	[sflag:s13] =	ssyncadd.s32 $0xFFFFFFFF  }
0x15: {  	v0 =	vld.msk [tilespmem:$0x10000 ss:$0x0], $0xffff  }
0x16: {  	v1 =	vld.msk [tilespmem:$0x10080 ss:$0x0], $0xffff;
	_ =	sdelay $0x2  }
0x17: {  	s18 =	simm.s32 $0x0  }
.LBB2_2:
0x18: {  	s19 =	sshll.u32 s18, $0xB  }
0x19: {  	s19 =	sadd.s32 s9, s19  }
0x1a: {  	s21 =	simm.s32 $0x0;
	s20 =	sadd.s32 s3, s19  }
0x1b: {  	[tilespmem:s21], [sflag:$0x1] =	stream.linear.gather [hbm4b:s20+s21], $0x4000, $0x38;
	[tilespmem:$0x10100] =	vst v63  }
0x1c: {  	_ =	swait.ge [sflag:s13], $0x4000  }
0x1d: {  	[sflag:s13] =	ssyncset.done $0x0  }
0x1e: {  	s30 =	sadd.s32 s4, s19;
	[sflag:s13] =	ssyncadd.s32 $0xFFFFC000  }
0x1f: {  	[tilespmem:s14], [sflag:$0x1] =	stream.linear.gather [hbm4b:s30+s21], $0x4000, $0x38;
	[tilespmem:$0x10100] =	vst v63  }
0x20: {  	_ =	swait.ge [sflag:s13], $0x4000  }
0x21: {  	[sflag:s13] =	ssyncset.done $0x0  }
0x22: {  	s31 =	sadd.s32 s1, s19;
	[sflag:s13] =	ssyncadd.s32 $0xFFFFC000  }
0x23: {  	[tilespmem:s15], [sflag:$0x1] =	stream.linear.gather [hbm4b:s31+s21], $0x4000, $0x38;
	[tilespmem:$0x10100] =	vst v63  }
0x24: {  	_ =	swait.ge [sflag:s13], $0x4000  }
0x25: {  	[sflag:s13] =	ssyncset.done $0x0  }
0x26: {  	s20 =	simm.s32 $0x0;
	[sflag:s13] =	ssyncadd.s32 $0xFFFFC000  }
0x27: {  	v2 =	vld [tilespmem:s20+$0x0]  }
0x28: {  	v3 =	vld [tilespmem:s20+$0x4000];
	_ =	sdelay $0x1  }
0x29: {  	v4 =	vld [tilespmem:s20+$0x8000];
	_ =	sdelay $0x1  }
0x2a: {  	s21 =	simm.s32 $0x10;
	v2 =	vmul.f32 v2, v0  }
0x2b: {  	v5 =	vld [tilespmem:s21+$0x0];
	v3 =	vmul.f32 v3, v0  }
0x2c: {  	v6 =	vld [tilespmem:s21+$0x4000];
	v2 =	vmax.f32 v2, $0.0e+00  }
0x2d: {  	v4 =	vmul.f32 v4, v0;
	v3 =	vmax.f32 v3, $0.0e+00;
	v2 =	vmin.f32 v1, v2  }
0x2e: {  	v8 =	vld [tilespmem:s21+$0x8000];
	v3 =	vmin.f32 v1, v3;
	v2 =	vtrunc.f32 v2  }
0x2f: {  	s22 =	simm.s32 $0x20;
	v4 =	vmax.f32 v4, $0.0e+00;
	v3 =	vtrunc.f32 v3;
	v7 =	vcvt.f32.s32 v2  }
0x30: {  	v3 =	vcvt.f32.s32 v3;
	v2 =	vmul.f32 v5, v0;
	v5 =	vmin.f32 v1, v4;
	v4 =	vld [tilespmem:s22+$0x0]  }
0x31: {  	v6 =	vmul.f32 v6, v0;
	v5 =	vtrunc.f32 v5  }
0x32: {  	v9 =	vshll.u32 v7, $0xE;
	v10 =	vshll.u32 v3, $0x7;
	v7 =	vcvt.f32.s32 v5  }
0x33: {  	s23 =	simm.s32 $0xC0;
	v3 =	vld [tilespmem:s22+$0x4000];
	v5 =	vmul.f32 v8, v0;
	v8 =	vadd.s32 v9, v10  }
.LBB2_3:
0x34: {  	p0 =	sne.s32 s23, $0xFFC0;
	v9 =	vmax.f32 v2, $0.0e+00;
	v6 =	vmax.f32 v6, $0.0e+00;
	v7 =	vadd.s32 v7, v8  }
0x35: {  	v2 =	vmul.f32 v4, v0;
	v8 =	vld [tilespmem:s22+$0x8000];
	v4 =	vmin.f32 v1, v9;
	v6 =	vmin.f32 v1, v6;
	[tilespmem:s20+$0xC000] =	vst v7;
	s20 =	smov.u32 s21;
	s21 =	smov.u32 s22  }
.Ltmp0:
0x36: {  	s22 =	sshra.s32 s23, $0x2;
	v5 =	vmax.f32 v5, $0.0e+00;
	v7 =	vtrunc.f32 v4;
	v6 =	vtrunc.f32 v6;
	(pc) =	sbr.rel @p0 .LBB2_3-.Ltmp0, $4  }
0x37: {  	v5 =	vmin.f32 v1, v5;
	v4 =	vld [tilespmem:s22+$0x0];
	v9 =	vcvt.f32.s32 v7;
	v10 =	vcvt.f32.s32 v6  }
0x38: {  	v6 =	vmul.f32 v3, v0;
	v3 =	vtrunc.f32 v5  }
0x39: {  	v7 =	vcvt.f32.s32 v3;
	v9 =	vshll.u32 v9, $0xE;
	v10 =	vshll.u32 v10, $0x7  }
0x3a: {  	s23 =	sadd.s32 $0x40, s23;
	v3 =	vld [tilespmem:s22+$0x4000];
	v5 =	vmul.f32 v8, v0;
	v8 =	vadd.s32 v9, v10  }
0x3b: {  	_ = 	snop  }
0x3c: {  	v2 =	vmax.f32 v2, $0.0e+00;
	v7 =	vadd.s32 v7, v8;
	v62 =	vld [tilespmem:s22+$0x8000];
	v6 =	vmax.f32 v6, $0.0e+00  }
0x3d: {  	v2 =	vmin.f32 v1, v2;
	v4 =	vmul.f32 v4, v0;
	v6 =	vmin.f32 v1, v6  }
0x3e: {  	v5 =	vmax.f32 v5, $0.0e+00;
	v2 =	vtrunc.f32 v2;
	v6 =	vtrunc.f32 v6  }
0x3f: {  	v5 =	vmin.f32 v1, v5;
	v2 =	vcvt.f32.s32 v2;
	v3 =	vmul.f32 v3, v0  }
0x40: {  	v6 =	vcvt.f32.s32 v6;
	v5 =	vtrunc.f32 v5;
	v4 =	vmax.f32 v4, $0.0e+00  }
0x41: {  	v4 =	vmin.f32 v1, v4;
	v8 =	vmul.f32 v62, v0;
	v3 =	vmax.f32 v3, $0.0e+00  }
0x42: {  	v2 =	vshll.u32 v2, $0xE;
	v6 =	vshll.u32 v6, $0x7;
	v3 =	vmin.f32 v1, v3  }
0x43: {  	v4 =	vtrunc.f32 v4;
	v8 =	vmax.f32 v8, $0.0e+00;
	v3 =	vtrunc.f32 v3  }
0x44: {  	v4 =	vcvt.f32.s32 v4;
	v8 =	vmin.f32 v1, v8;
	v3 =	vcvt.f32.s32 v3  }
0x45: {  	v5 =	vcvt.f32.s32 v5;
	v2 =	vadd.s32 v2, v6;
	v63 =	vtrunc.f32 v8  }
0x46: {  	v4 =	vshll.u32 v4, $0xE;
	v6 =	vcvt.f32.s32 v63;
	v3 =	vshll.u32 v3, $0x7  }
0x47: {  	s18 =	sadd.s32 $0x1, s18;
	[tilespmem:s20+$0xC000] =	vst v7;
	v2 =	vadd.s32 v5, v2;
	v3 =	vadd.s32 v4, v3  }
0x48: {  	p0 =	sne.s32 s18, $0x4;
	[tilespmem:s21+$0xC000] =	vst v2;
	v2 =	vadd.s32 v6, v3  }
.Ltmp1:
0x49: {  	s19 =	sadd.s32 s8, s19;
	[tilespmem:s22+$0xC000] =	vst v2;
	(pc) =	sbr.rel @p0 .LBB2_2-.Ltmp1, $4  }
0x4a: {  	[hbm4b:s19+s2] =	stream.linear.scatter [tilespmem:s16], [sflag:$0x1], $0x4000, $0x38;
	[tilespmem:$0x10100] =	vst v63  }
0x4b: {  	_ =	swait.ge [sflag:s13], $0x4000  }
0x4c: {  	[sflag:s13] =	ssyncset.done $0x0  }
0x4d: {  	[sflag:s13] =	ssyncadd.s32 $0xFFFFC000  }
0x4e: {  	s17 =	sadd.s32 $0x1, s17  }
0x4f: {  	p0 =	sne.s32 s17, s10  }
.Ltmp2:
0x50: {  	_ = 	snop;
	(pc) =	sbr.rel @p0 .LBB2_1-.Ltmp2, $1  }
0x51: {  	_ =	sdelay $0x3  }
0x52: {  	_ =	sfence.sel $0x180000  }
0x53: {  	[bflag:$0x0] =	sbarrier.arrive $0xFFFF  }
0x54: {  	p0 =	sne.s32 s5, $0x0;
	_ =	strace $0x90000047  }
0x55: {  	s0 =	sadd.s32 @!p0 $0x100000, s0;
	[bflag:$0x2] =	sbarrier.arrive $0xFFFF  }
0x56: {  	[sflag:s0] =	ssyncadd.tile.s32 @!p0 $0x1;
	_ =	shalt  }
.Lfunc_end2:
_tile_overlayer_lowered:
.L_overlay_start_2:
0x57: {  	(tag) =	ssettag $0x2  }
0x58: {  	s0 =	rddreg [dreg:$0x0];
	s2 =	stileid.u32  }
0x59: {  	s1 =	rddreg [dreg:$0x1];
	p0 =	sne.s32 s2, $0x0  }
0x5a: {  	s3 =	rddreg [dreg:$0x2];
	[bflag:$0x3] =	sbarrier.arrive $0xFFFF;
	s2 =	simm.s32 @!p0 $0x1C01  }
0x5b: {  	[timem:s3], [sflag:s2] =	dma.local @!p0 [hbm:s0], s1  }
0x5c: {  	s0 =	simm.s32 @!p0 $0x1  }
0x5d: {  	_ =	swait.ge @!p0 [sflag:s0], s1  }
0x5e: {  	s1 =	ssub.s32 @!p0 $0x0, s1;
	[sflag:s0] =	ssyncset.done @!p0 $0x0  }
0x5f: {  	[sflag:s0] =	ssyncadd.s32 @!p0 s1  }
0x60: {  	[bflag:$0x3] =	sbarrier.arrive $0xFFFF  }
0x61: {  	_ =	shalt  }

// kernel: kernel.8.cloned.1.call-start
scs
__scs_entry_jumppad:
0x0: {  	(pc) =	sbr.rel $0x88, $3  }
0x1: {  	(tag) =	ssettag $0x0;
	lr =	simm.s32 $0x1  }
0x2: {  	[smem:$0x3F9E] =	sst lr;
	_ =	strace $0xD0000000  }
0x3: {  	_ = 	snop  }
0x4: {  	_ = 	snop  }
0x5: {  	_ = 	snop  }
0x6: {  	_ = 	snop  }
0x7: {  	_ = 	snop  }
__scs_overlays_trampoline_lowered:
0x8: {  	[smem:$0x3FAD] =	sst s0  }
0x9: {  	[smem:$0x3FAE] =	sst s1  }
0xa: {  	[smem:$0x3FAF] =	sst s2  }
0xb: {  	[smem:$0x3FB0] =	sst s3  }
0xc: {  	[smem:$0x3FB1] =	sst s4  }
0xd: {  	[smem:$0x3FB2] =	sst s5  }
0xe: {  	[smem:$0x3FB3] =	sst s6  }
0xf: {  	[smem:$0x3FB4] =	sst s7  }
0x10: {  	[smem:$0x3FB5] =	sst s8  }
0x11: {  	[smem:$0x3FB6] =	sst s9;
	s0 =	simm.s32 @!p0 $0x0  }
0x12: {  	s1 =	sld [smem:$0x3F9C];
	s0 =	simm.s32 @p0 $0x1  }
0x13: {  	[smem:$0x3FB7] =	sst s0;
	s0 =	simm.s32 @!p1 $0x0  }
0x14: {  	s2 =	sld [smem:$0x3F9B];
	s0 =	simm.s32 @p1 $0x1  }
0x15: {  	[smem:$0x3FB8] =	sst s0;
	s0 =	simm.s32 @!p2 $0x0  }
0x16: {  	s3 =	sld [smem:$0x3FDB];
	s0 =	simm.s32 @p2 $0x1  }
0x17: {  	s4 =	simm.s32 $0x1BF5;
	[smem:$0x3FBA] =	sst s0  }
0x18: {  	s0 =	sld [smem:$0x3F9D];
	_ =	swait.ge [sflag:s4], $0x0  }
0x19: {  	s7 =	sld [smem:$0x3F9E]  }
0x1a: {  	s8 =	sadd.s32 $0xFFFFE003, lr  }
0x1b: {  	s9 =	sadd.s32 $0xFFFFFEF7, lr;
	s5 =	simm.s32 $0xFFFFFFFF;
	p2 =	slt.u32 s8, $0xFFFFF086  }
0x1c: {  	p1 =	slt.u32 s9, $0xF7A;
	s5 =	simm.s32 @!p2 $0x0  }
0x1d: {  	s5 =	simm.s32 @p1 $0x1;
	p0 =	seq.s32 s7, s2  }
0x1e: {  	s7 =	smul.u32 @!p0 $0xF7A, s2;
	p2 =	seq.s32 @!p0 s5, $0x0  }
0x1f: {  	s9 =	smul.u32 $0xF7A, s1;
	s8 =	simm.s32 @!p0 $0x1BF5;
	p2 =	por !p2, p0  }
0x20: {  	[sflag:s8] =	ssyncset.s32 @!p0 $0xFFFFF086;
	s6 =	sadd.s32 @!p0 s3, s7;
	s7 =	simm.s32 @!p0 $0x108  }
0x21: {  	s3 =	sadd.s32 s3, s9;
	s6 =	sadd.s32 @!p0 $0x88, s6;
	s7 =	simm.s32 @p2 $0x1082  }
0x22: {  	[simem:s7], [sflag:s8] =	dma.local @!p0 [hbm:s6], $0xF7A  }
0x23: {  	s9 =	sor.u32 $0xD0000000, s2;
	s6 =	simm.s32 $0x108;
	_ =	swait.ge @!p0 [sflag:s8], $0x0  }
0x24: {  	s3 =	sadd.s32 $0x88, s3;
	s6 =	simm.s32 @!p1 $0x1082;
	[sflag:s4] =	ssyncset.s32 $0xFFFFF086  }
0x25: {  	[simem:s6], [sflag:s4] =	dma.local [hbm:s3], $0xF7A  }
0x26: {  	[smem:$0x3F9E] =	sst s1;
	(tag) =	ssettag s2;
	_ =	strace s9  }
0x27: {  	s1 =	sld [smem:$0x3FAE]  }
0x28: {  	s2 =	sld [smem:$0x3FAF]  }
0x29: {  	s4 =	sld [smem:$0x3FB1]  }
0x2a: {  	p0 =	seq.s32 s5, $0x0;
	s5 =	sld [smem:$0x3FB2]  }
0x2b: {  	s6 =	sld [smem:$0x3FB3]  }
0x2c: {  	s7 =	sld [smem:$0x3FB4]  }
0x2d: {  	s3 =	simm.s32 $0x108;
	s8 =	sld [smem:$0x3FB5]  }
0x2e: {  	s3 =	simm.s32 @!p0 $0x1082;
	s9 =	sld [smem:$0x3FB6]  }
0x2f: {  	lr =	sadd.s32 s0, s3;
	s0 =	sld [smem:$0x3FAD]  }
0x30: {  	s3 =	sld [smem:$0x3FB0]  }
0x31: {  	[smem:$0x3FB9] =	sst s10  }
0x32: {  	s10 =	sld [smem:$0x3FB7];
	_ =	sdelay $0x3  }
0x33: {  	p0 =	seq.s32 s10, $0x1;
	s10 =	sld [smem:$0x3FB9];
	_ =	sdelay $0x3  }
0x34: {  	[smem:$0x3FB9] =	sst s10  }
0x35: {  	s10 =	sld [smem:$0x3FB8];
	_ =	sdelay $0x3  }
0x36: {  	p1 =	seq.s32 s10, $0x1;
	s10 =	sld [smem:$0x3FB9];
	_ =	sdelay $0x3  }
0x37: {  	[smem:$0x3FB9] =	sst s10  }
0x38: {  	s10 =	sld [smem:$0x3FBA]  }
0x39: {  	_ = 	snop;
	(pc) =	sbr.ind lr, $3  }
0x3a: {  	_ = 	snop  }
0x3b: {  	_ = 	snop  }
0x3c: {  	p2 =	seq.s32 s10, $0x1;
	s10 =	sld [smem:$0x3FB9]  }
0x3d: {  	_ =	shalt  }
0x3e: {  	_ =	shalt  }
0x3f: {  	_ =	shalt  }
0x40: {  	_ =	shalt  }
0x41: {  	_ =	shalt  }
0x42: {  	_ =	shalt  }
0x43: {  	_ =	shalt  }
0x44: {  	_ =	shalt  }
0x45: {  	_ =	shalt  }
0x46: {  	_ =	shalt  }
0x47: {  	_ =	shalt  }
0x48: {  	_ =	shalt  }
0x49: {  	_ =	shalt  }
0x4a: {  	_ =	shalt  }
0x4b: {  	_ =	shalt  }
0x4c: {  	_ =	shalt  }
0x4d: {  	_ =	shalt  }
0x4e: {  	_ =	shalt  }
0x4f: {  	_ =	shalt  }
0x50: {  	_ =	shalt  }
0x51: {  	_ =	shalt  }
0x52: {  	_ =	shalt  }
0x53: {  	_ =	shalt  }
0x54: {  	_ =	shalt  }
0x55: {  	_ =	shalt  }
0x56: {  	_ =	shalt  }
0x57: {  	_ =	shalt  }
0x58: {  	_ =	shalt  }
0x59: {  	_ =	shalt  }
0x5a: {  	_ =	shalt  }
0x5b: {  	_ =	shalt  }
0x5c: {  	_ =	shalt  }
0x5d: {  	_ =	shalt  }
0x5e: {  	_ =	shalt  }
0x5f: {  	_ =	shalt  }
0x60: {  	_ =	shalt  }
0x61: {  	_ =	shalt  }
0x62: {  	_ =	shalt  }
0x63: {  	_ =	shalt  }
0x64: {  	_ =	shalt  }
0x65: {  	_ =	shalt  }
0x66: {  	_ =	shalt  }
0x67: {  	_ =	shalt  }
0x68: {  	_ =	shalt  }
0x69: {  	_ =	shalt  }
0x6a: {  	_ =	shalt  }
0x6b: {  	_ =	shalt  }
0x6c: {  	_ =	shalt  }
0x6d: {  	_ =	shalt  }
0x6e: {  	_ =	shalt  }
0x6f: {  	_ =	shalt  }
0x70: {  	_ =	shalt  }
0x71: {  	_ =	shalt  }
0x72: {  	_ =	shalt  }
0x73: {  	_ =	shalt  }
0x74: {  	_ =	shalt  }
0x75: {  	_ =	shalt  }
0x76: {  	_ =	shalt  }
0x77: {  	_ =	shalt  }
0x78: {  	_ =	shalt  }
0x79: {  	_ =	shalt  }
0x7a: {  	_ =	shalt  }
0x7b: {  	_ =	shalt  }
0x7c: {  	_ =	shalt  }
0x7d: {  	_ =	shalt  }
0x7e: {  	_ =	shalt  }
0x7f: {  	_ =	shalt  }
0x80: {  	_ =	shalt  }
0x81: {  	_ =	shalt  }
0x82: {  	_ =	shalt  }
0x83: {  	_ =	shalt  }
0x84: {  	_ =	shalt  }
0x85: {  	_ =	shalt  }
0x86: {  	_ =	shalt  }
0x87: {  	_ =	shalt  }
.Lfunc_end0:
.L_simem_size_0:
called_computation.1_lowered:
.L_overlay_start_0:
0x88: {  	s2 =	sld [smem:$0x3FD9]  }
0x89: {  	s3 =	sld [smem:$0x3FFE];
	_ =	sdelay $0x1  }
0x8a: {  	s1 =	srdreg.scid  }
0x8b: {  	s0 =	sand.u32 $0x1, s1  }
0x8c: {  	s17 =	sshll.u32 s0, $0xA;
	s2 =	sadd.s32 s3, s2  }
0x8d: {  	s2 =	sadd.s32 s2, s17  }
0x8e: {  	[smem:$0x3FC5] =	sst s2  }
0x8f: {  	_ = 	snop  }
0x90: {  	s2 =	sld [smem:$0x3FC8]  }
0x91: {  	s18 =	sld [smem:$0x3FC7];
	(tm) =	ssettm $0x1  }
0x92: {  	s4 =	sld [smem:$0x3FFB];
	_ =	sdelay $0x3  }
0x93: {  	_ =	strace s4  }
0x94: {  	s4 =	sld [smem:$0x3FFC];
	_ =	sdelay $0x3  }
0x95: {  	_ =	strace s4  }
0x96: {  	s4 =	sld [smem:$0x3FFD];
	_ =	sdelay $0x3  }
0x97: {  	_ =	strace s4  }
0x98: {  	_ =	strace $0x8FFFFFFF  }
0x99: {  	s19 =	sld [smem:$0x3FDB];
	_ =	sdelay $0x1  }
0x9a: {  	s5 =	simm.s32 $_scs_section_size  }
0x9b: {  	s6 =	simm.s32 $_size__tile_overlayer_lowered;
	s7 =	simm.s32 $_tile_overlayer_lowered  }
0x9c: {  	s22 =	simm.s32 $0x1BFF;
	s21 =	sshll.u32 s7, $0x1;
	s4 =	sadd.s32 s5, s19  }
0x9d: {  	s8 =	simm.s32 $0x0;
	s20 =	sshll.u32 s6, $0x1;
	s6 =	sadd.s32 s21, s4  }
0x9e: {  	[timem:s8], [sflag:s22] =	dma.local [hbm:s6], s20  }
0x9f: {  	_ =	swait.ge [sflag:s22], s20  }
0xa0: {  	s5 =	ssub.s32 $0x0, s20;
	[sflag:s22] =	ssyncset.done $0x0  }
0xa1: {  	[sflag:s22] =	ssyncadd.s32 s5;
	_ =	sdelay $0x1  }
0xa2: {  	s23 =	simm.s32 $0x1B8B  }
0xa3: {  	_ =	swait.ge [sflag:s23], $0x1  }
0xa4: {  	[sflag:s23] =	ssyncset.done $0x0  }
0xa5: {  	s25 =	simm.s32 $0x1B8E;
	s24 =	sld [smem:$0x3FFE];
	[sflag:s23] =	ssyncadd.s32 $0xFFFFFFFF  }
0xa6: {  	s26 =	simm.s32 $execute0_lowered;
	[smem:$0x3FD2] =	sst s25  }
0xa7: {  	s6 =	sshll.u32 s26, $0x1;
	_ =	strace $0x80000049;
	[dreg:$0x1] =	wrdreg $0xFFFFFFFF  }
0xa8: {  	s28 =	simm.s32 $_size_execute0_lowered;
	s4 =	sadd.s32 s4, s6;
	[dreg:$0x0] =	wrdreg $0x0  }
0xa9: {  	s6 =	sshll.u32 s28, $0x1;
	[dreg:$0x2] =	wrdreg s4  }
0xaa: {  	[dreg:$0x3] =	wrdreg s6  }
0xab: {  	[dreg:$0x4] =	wrdreg $0xC0  }
0xac: {  	_ =	task [dreg:s8], $0x5FFFF  }
0xad: {  	[dreg:$0x1] =	wrdreg $0xFFFFFFFF  }
0xae: {  	[dreg:$0x0] =	wrdreg $0x60  }
0xaf: {  	[dreg:$0x2] =	wrdreg s24  }
0xb0: {  	[dreg:$0x3] =	wrdreg s2  }
0xb1: {  	[dreg:$0x4] =	wrdreg s18  }
0xb2: {  	[dreg:$0x5] =	wrdreg $0x9  }
0xb3: {  	_ =	task.clear_ibuf [dreg:s8], $0x6FFFF;
	_ =	strace $0x90000049  }
0xb4: {  	s29 =	simm.s32 $0x9;
	_ =	strace $0x8000004B  }
0xb5: {  	_ =	swait.ge [sflag:s29], $0x1  }
0xb6: {  	[sflag:s29] =	ssyncadd.s32 $0xFFFFFFFF  }
0xb7: {  	_ =	strace $0x9000004B  }
0xb8: {  	_ =	sfence  }
0xb9: {  	s30 =	sld [smem:$0x0];
	_ =	sdelay $0x2  }
0xba: {  	s31 =	sshll.u32 s1, $0xD;
	s1 =	sshrl.u32 s1, $0x2  }
0xbb: {  	s3 =	sand.u32 $0x4000, s31;
	s1 =	sadd.s32 s1, s30  }
0xbc: {  	s0 =	sor.u32 s3, s0;
	s1 =	sshll.u32 s1, $0x11  }
0xbd: {  	s0 =	sor.u32 s1, s0  }
0xbe: {  	s0 =	sadd.s32 $0x8F2B, s0  }
0xbf: {  	[sflag:s0] =	ssyncadd.remote.s32 $0x1  }
0xc0: {  	_ =	sfence.sel $0xFFFF  }
0xc1: {  	[dreg:$0x0] =	wrdreg $0xFFFFFFFF;
	(pc) =	sbr.abs _section_cstart, $3  }
0xc2: {  	[dreg:$0x1] =	wrdreg $0xFFFFFFFF  }
0xc3: {  	_ =	task.clear_ibuf [dreg:s8], $0x2FFFF;
	_ =	strace $0x9FFFFFFF  }
0xc4: {  	(tm) =	ssettm $0x7FFFFFFF  }
0xc5: {  	_ =	shalt  }
tec
execute0_lowered:
.L_overlay_start_1:
0x0: {  	(tag) =	ssettag $0x1  }
0x1: {  	s6 =	rddreg [dreg:$0x0]  }
0x2: {  	s1 =	rddreg [dreg:$0x1]  }
0x3: {  	s5 =	rddreg [dreg:$0x2]  }
0x4: {  	s0 =	rddreg [dreg:$0x3];
	s4 =	srdreg.scid;
	s3 =	simm.s32 $0x0  }
0x5: {  	s2 =	stileid.u32;
	s11 =	simm.s32 $0x10080;
	s12 =	simm.s32 $0x11080  }
0x6: {  	s13 =	simm.s32 $0x12080;
	s14 =	simm.s32 $0x13080;
	s16 =	simm.s32 $0x2  }
0x7: {  	s17 =	simm.s32 $0x0;
	s4 =	sand.u32 $0x1, s4;
	[smem:$0x7FF] =	sst s3  }
0x8: {  	s7 =	sshll.u32 s2, $0x11;
	s8 =	sshll.u32 s4, $0x10;
	_ =	strace $0x8000004A  }
.Ltmp0:
0x9: {  	s31 =	ssub.s32 $0x2, s4;
	s4 =	sadd.s32 $0x81200, s6;
	(pc) =	sbr.rel .LBB2_1-.Ltmp0, $4  }
0xa: {  	s15 =	sor.u32 s8, s7;
	s9 =	sshrl.u32 s31, $0x1;
	s7 =	sadd.s32 $0x3FE00, s1  }
0xb: {  	s8 =	sshrl.u32 s15, $0x3;
	s9 =	ssub.s32 s31, s9;
	v0 =	vmov s15;
	s15 =	simm.s32 $0x1  }
0xc: {  	v1 =	vlaneseq.u32;
	s10 =	sadd.s32 s8, s6;
	s5 =	sadd.s32 s5, s8;
	s6 =	sadd.s32 $0xC1000, s6  }
0xd: {  	v2 =	vimm.f32 $-1.000000000e+00;
	v1 =	vor.u32 $0x10000, v1;
	s9 =	smax.u32 s9, $0x1;
	s8 =	sadd.s32 $0xE00, s10;
	s10 =	simm.s32 $0x3  }
.LBB2_58:
0xe: {  	s19 =	simm.s32 $0x17200  }
.LBB2_66:
0xf: {  	v3 =	vand.u32 $0xFFFF, v3;
	_ =	sdelay $0x1  }
0x10: {  	s19 =	sadd.s32 @p0 $0x1, s19  }
0x11: {  	s18 =	smov.u32 @p0 s19  }
0x12: {  	v5 =	vld [tilespmem:s18+$0x0]  }
0x13: {  	v4 =	vld.idx.msk [tilespmem:v3+s3+$0x0], $0xffff;
	_ =	sdelay $0x4  }
0x14: {  	v4 =	vmax.f32 v4, v5  }
0x15: {  	[tilespmem:v3+s3+$0x0] =	vst.idx.msk $0x1, v4  }
.LBB2_67:
0x16: {  	s17 =	sadd.s32 $0x1, s17  }
0x17: {  	p0 =	sne.s32 s17, s9  }
.Ltmp1:
0x18: {  	_ = 	snop;
	(pc) =	sbr.rel @!p0 .LBB2_68-.Ltmp1, $4  }
0x19: {  	[hbm4b:s8+s3] =	stream.linear.scatter [tilespmem:s3], [sflag:$0x3], $0x10000, $0x38;
	[tilespmem:$0x18280] =	vst v63  }
0x1a: {  	_ =	swait.ge [sflag:s10], $0x10000  }
0x1b: {  	[sflag:s10] =	ssyncset.done $0x0  }
0x1c: {  	[sflag:s10] =	ssyncadd.s32 $0xFFFF0000  }
.LBB2_1:
0x1d: {  	[tilespmem:s3], [sflag:$0x3] =	stream.linear.gather [hbm4b:s5+s3], $0x10000, $0x38;
	[tilespmem:$0x18280] =	vst v63  }
0x1e: {  	_ =	swait.ge [sflag:s10], $0x10000  }
.Ltmp2:
0x1f: {  	[sflag:s10] =	ssyncset.done $0x0;
	(pc) =	sbr.rel .LBB2_2-.Ltmp2, $4  }
0x20: {  	[sflag:s10] =	ssyncadd.s32 $0xFFFF0000  }
0x21: {  	[tilespmem:s11], [sflag:$0x1] =	stream.linear.gather [hbm4b:s4+s3], $0x1000, $0x38;
	[tilespmem:$0x18280] =	vst v63  }
0x22: {  	s18 =	simm.s32 $0x0  }
0x23: {  	[tilespmem:s12], [sflag:$0x1] =	stream.linear.gather [hbm4b:s1+s3], $0x1000, $0x38;
	[tilespmem:$0x18280] =	vst v63  }
.LBB2_25:
0x24: {  	s20 =	simm.s32 $0x17200  }
.LBB2_33:
0x25: {  	v3 =	vand.u32 $0xFFFF, v3;
	_ =	sdelay $0x1  }
0x26: {  	s20 =	sadd.s32 @p0 $0x1, s20  }
0x27: {  	s19 =	smov.u32 @p0 s20  }
0x28: {  	v5 =	vld [tilespmem:s19+$0x0]  }
0x29: {  	v4 =	vld.idx.msk [tilespmem:v3+s3+$0x0], $0xffff;
	_ =	sdelay $0x4  }
0x2a: {  	v4 =	vmax.f32 v4, v5  }
0x2b: {  	[tilespmem:v3+s3+$0x0] =	vst.idx.msk $0x1, v4  }
.LBB2_34:
0x2c: {  	s18 =	sadd.s32 $0x1, s18  }
0x2d: {  	p0 =	sne.s32 s18, $0xFF  }
.Ltmp3:
0x2e: {  	_ = 	snop;
	(pc) =	sbr.rel @!p0 .LBB2_35-.Ltmp3, $1  }
0x2f: {  	_ =	sdelay $0x3  }
.LBB2_2:
0x30: {  	s19 =	sshll.u32 s18, $0xA  }
0x31: {  	s20 =	sor.u32 $0x200, s19  }
0x32: {  	s22 =	simm.s32 $0x0;
	s21 =	sadd.s32 s4, s20  }
0x33: {  	[tilespmem:s13], [sflag:$0x2] =	stream.linear.gather [hbm4b:s21+s22], $0x1000, $0x38;
	[tilespmem:$0x18280] =	vst v63  }
0x34: {  	s20 =	sadd.s32 s1, s20  }
0x35: {  	[tilespmem:s14], [sflag:$0x2] =	stream.linear.gather [hbm4b:s20+s22], $0x1000, $0x38;
	[tilespmem:$0x18280] =	vst v63  }
0x36: {  	_ =	swait.ge [sflag:s15], $0x1000  }
0x37: {  	[sflag:s15] =	ssyncset.done $0x0  }
0x38: {  	[sflag:s15] =	ssyncadd.s32 $0xFFFFF000  }
0x39: {  	_ =	swait.ge [sflag:s15], $0x1000  }
0x3a: {  	[sflag:s15] =	ssyncset.done $0x0  }
0x3b: {  	s20 =	simm.s32 $0x100C0;
	[sflag:s15] =	ssyncadd.s32 $0xFFFFF000  }
0x3c: {  	v3 =	vld [tilespmem:s20+$0xFFFFFFC0];
	_ =	sdelay $0x1  }
0x3d: {  	s24 =	simm.s32 $0x110C0  }
0x3e: {  	v4 =	vld [tilespmem:s24+$0xFFFFFFC0];
	_ =	sdelay $0x1  }
0x3f: {  	v3 =	vsub.s32 v3, v0  }
0x40: {  	vm0 =	vlt.u32 v3, $0x10000  }
0x41: {  	[tilespmem:s22+$0x14080] =	vst.msk vm0, v3;
	v3 =	vmpcnt.ones.xlane vm0  }
0x42: {  	[tilespmem:s22+$0x15100] =	vst.msk vm0, v4  }
0x43: {  	v4 =	vld [tilespmem:s20+$0xFFFFFFD0];
	(v2sf) =	vpush v3, $0x0;
	_ =	sdelay $0x4  }
0x44: {  	v3 =	vsub.s32 v4, v0  }
0x45: {  	vm9 =	vlt.u32 v3, $0x10000  }
0x46: {  	v4 =	vmpcnt.ones.xlane vm9;
	_ =	sdelay $0x1  }
0x47: {  	(v2sf) =	vpush v4, $0x0;
	_ =	sdelay $0x3  }
0x48: {  	v4 =	vld [tilespmem:s24+$0xFFFFFFD0];
	_ =	sdelay $0x1  }
0x49: {  	s25 =	spop (v2sf)  }
0x4a: {  	s22 =	sadd.s32 $0x0, s25  }
0x4b: {  	[tilespmem:s22+$0x14080] =	vst.msk vm9, v3  }
0x4c: {  	[tilespmem:s22+$0x15100] =	vst.msk vm9, v4  }
0x4d: {  	v3 =	vld [tilespmem:s20+$0xFFFFFFE0];
	_ =	sdelay $0x2  }
0x4e: {  	v4 =	vld [tilespmem:s24+$0xFFFFFFE0];
	_ =	sdelay $0x1  }
0x4f: {  	v3 =	vsub.s32 v3, v0;
	s23 =	spop (v2sf)  }
0x50: {  	s22 =	sadd.s32 s22, s23;
	vm10 =	vlt.u32 v3, $0x10000  }
0x51: {  	[tilespmem:s22+$0x14080] =	vst.msk vm10, v3;
	v3 =	vmpcnt.ones.xlane vm10  }
0x52: {  	[tilespmem:s22+$0x15100] =	vst.msk vm10, v4  }
0x53: {  	v4 =	vld [tilespmem:s20+$0xFFFFFFF0];
	(v2sf) =	vpush v3, $0x0;
	_ =	sdelay $0x4  }
0x54: {  	v3 =	vsub.s32 v4, v0  }
0x55: {  	vm11 =	vlt.u32 v3, $0x10000  }
0x56: {  	v4 =	vmpcnt.ones.xlane vm11;
	_ =	sdelay $0x1  }
0x57: {  	(v2sf) =	vpush v4, $0x0;
	_ =	sdelay $0x3  }
0x58: {  	v4 =	vld [tilespmem:s24+$0xFFFFFFF0];
	_ =	sdelay $0x1  }
0x59: {  	s26 =	spop (v2sf)  }
0x5a: {  	s22 =	sadd.s32 s22, s26  }
0x5b: {  	[tilespmem:s22+$0x14080] =	vst.msk vm11, v3  }
0x5c: {  	[tilespmem:s22+$0x15100] =	vst.msk vm11, v4  }
0x5d: {  	v3 =	vld [tilespmem:s20+$0x0];
	_ =	sdelay $0x2  }
0x5e: {  	v4 =	vld [tilespmem:s24+$0x0];
	_ =	sdelay $0x1  }
0x5f: {  	v3 =	vsub.s32 v3, v0;
	s28 =	spop (v2sf)  }
0x60: {  	s22 =	sadd.s32 s22, s28;
	vm12 =	vlt.u32 v3, $0x10000  }
0x61: {  	[tilespmem:s22+$0x14080] =	vst.msk vm12, v3;
	v3 =	vmpcnt.ones.xlane vm12  }
0x62: {  	[tilespmem:s22+$0x15100] =	vst.msk vm12, v4  }
0x63: {  	v4 =	vld [tilespmem:s20+$0x10];
	(v2sf) =	vpush v3, $0x0;
	_ =	sdelay $0x4  }
0x64: {  	v3 =	vsub.s32 v4, v0  }
0x65: {  	vm13 =	vlt.u32 v3, $0x10000  }
0x66: {  	v4 =	vmpcnt.ones.xlane vm13;
	_ =	sdelay $0x1  }
0x67: {  	(v2sf) =	vpush v4, $0x0;
	_ =	sdelay $0x3  }
0x68: {  	v4 =	vld [tilespmem:s24+$0x10];
	_ =	sdelay $0x1  }
0x69: {  	s29 =	spop (v2sf)  }
0x6a: {  	s22 =	sadd.s32 s22, s29  }
0x6b: {  	[tilespmem:s22+$0x14080] =	vst.msk vm13, v3  }
0x6c: {  	[tilespmem:s22+$0x15100] =	vst.msk vm13, v4  }
0x6d: {  	v3 =	vld [tilespmem:s20+$0x20];
	_ =	sdelay $0x2  }
0x6e: {  	v4 =	vld [tilespmem:s24+$0x20];
	_ =	sdelay $0x1  }
0x6f: {  	v3 =	vsub.s32 v3, v0;
	s30 =	spop (v2sf)  }
0x70: {  	s22 =	sadd.s32 s22, s30;
	vm14 =	vlt.u32 v3, $0x10000  }
0x71: {  	[tilespmem:s22+$0x14080] =	vst.msk vm14, v3;
	v3 =	vmpcnt.ones.xlane vm14  }
0x72: {  	[tilespmem:s22+$0x15100] =	vst.msk vm14, v4  }
0x73: {  	v4 =	vld [tilespmem:s20+$0x30];
	(v2sf) =	vpush v3, $0x0;
	_ =	sdelay $0x4  }
0x74: {  	v3 =	vsub.s32 v4, v0  }
0x75: {  	vm15 =	vlt.u32 v3, $0x10000  }
0x76: {  	v4 =	vmpcnt.ones.xlane vm15;
	_ =	sdelay $0x1  }
0x77: {  	(v2sf) =	vpush v4, $0x0;
	_ =	sdelay $0x3  }
0x78: {  	v4 =	vld [tilespmem:s24+$0x30];
	_ =	sdelay $0x1  }
0x79: {  	s31 =	spop (v2sf)  }
0x7a: {  	s23 =	sadd.s32 s22, s31  }
0x7b: {  	[tilespmem:s23+$0x14080] =	vst.msk vm15, v3  }
0x7c: {  	s21 =	simm.s32 $0x10140;
	[tilespmem:s23+$0x15100] =	vst.msk vm15, v4  }
0x7d: {  	v4 =	vld [tilespmem:s21+$0xFFFFFFC0];
	_ =	sdelay $0x1  }
0x7e: {  	s20 =	simm.s32 $0x11140  }
0x7f: {  	v3 =	vld [tilespmem:s20+$0xFFFFFFC0];
	_ =	sdelay $0x1  }
0x80: {  	s22 =	simm.s32 $0x8;
	v4 =	vsub.s32 v4, v0;
	s24 =	spop (v2sf)  }
.LBB2_3:
0x81: {  	s22 =	sadd.s32 $0x8, s22;
	vm0 =	vlt.u32 v4, $0x10000;
	s23 =	sadd.s32 s23, s24  }
0x82: {  	p0 =	slt.u32 s22, $0xF8;
	[tilespmem:s23+$0x14080] =	vst.msk vm0, v4;
	v4 =	vmpcnt.ones.xlane vm0  }
0x83: {  	[tilespmem:s23+$0x15100] =	vst.msk vm0, v3  }
0x84: {  	v3 =	vld [tilespmem:s21+$0xFFFFFFD0];
	(v2sf) =	vpush v4, $0x0;
	_ =	sdelay $0x4  }
0x85: {  	v3 =	vsub.s32 v3, v0  }
0x86: {  	vm0 =	vlt.u32 v3, $0x10000  }
0x87: {  	v4 =	vmpcnt.ones.xlane vm0;
	_ =	sdelay $0x1  }
0x88: {  	(v2sf) =	vpush v4, $0x0;
	_ =	sdelay $0x3  }
0x89: {  	v4 =	vld [tilespmem:s20+$0xFFFFFFD0];
	_ =	sdelay $0x1  }
0x8a: {  	s24 =	spop (v2sf)  }
0x8b: {  	s23 =	sadd.s32 s23, s24  }
0x8c: {  	[tilespmem:s23+$0x14080] =	vst.msk vm0, v3  }
0x8d: {  	[tilespmem:s23+$0x15100] =	vst.msk vm0, v4  }
0x8e: {  	v3 =	vld [tilespmem:s21+$0xFFFFFFE0];
	_ =	sdelay $0x2  }
0x8f: {  	v4 =	vld [tilespmem:s20+$0xFFFFFFE0];
	_ =	sdelay $0x1  }
0x90: {  	v3 =	vsub.s32 v3, v0;
	s24 =	spop (v2sf)  }
0x91: {  	s23 =	sadd.s32 s23, s24;
	vm0 =	vlt.u32 v3, $0x10000  }
0x92: {  	[tilespmem:s23+$0x14080] =	vst.msk vm0, v3;
	v3 =	vmpcnt.ones.xlane vm0  }
0x93: {  	[tilespmem:s23+$0x15100] =	vst.msk vm0, v4  }
0x94: {  	v4 =	vld [tilespmem:s21+$0xFFFFFFF0];
	(v2sf) =	vpush v3, $0x0;
	_ =	sdelay $0x4  }
0x95: {  	v3 =	vsub.s32 v4, v0  }
0x96: {  	vm0 =	vlt.u32 v3, $0x10000  }
0x97: {  	v4 =	vmpcnt.ones.xlane vm0;
	_ =	sdelay $0x1  }
0x98: {  	(v2sf) =	vpush v4, $0x0;
	_ =	sdelay $0x3  }
0x99: {  	v4 =	vld [tilespmem:s20+$0xFFFFFFF0];
	_ =	sdelay $0x1  }
0x9a: {  	s24 =	spop (v2sf)  }
0x9b: {  	s23 =	sadd.s32 s23, s24  }
0x9c: {  	[tilespmem:s23+$0x14080] =	vst.msk vm0, v3  }
0x9d: {  	[tilespmem:s23+$0x15100] =	vst.msk vm0, v4  }
0x9e: {  	v3 =	vld [tilespmem:s21+$0x0];
	_ =	sdelay $0x2  }
0x9f: {  	v4 =	vld [tilespmem:s20+$0x0];
	_ =	sdelay $0x1  }
0xa0: {  	v3 =	vsub.s32 v3, v0;
	s24 =	spop (v2sf)  }
0xa1: {  	s23 =	sadd.s32 s23, s24;
	vm0 =	vlt.u32 v3, $0x10000  }
0xa2: {  	[tilespmem:s23+$0x14080] =	vst.msk vm0, v3;
	v3 =	vmpcnt.ones.xlane vm0  }
0xa3: {  	[tilespmem:s23+$0x15100] =	vst.msk vm0, v4  }
0xa4: {  	v4 =	vld [tilespmem:s21+$0x10];
	(v2sf) =	vpush v3, $0x0  }
0xa5: {  	v3 =	vld [tilespmem:s20+$0x10];
	_ =	sdelay $0x3  }
0xa6: {  	v4 =	vsub.s32 v4, v0  }
0xa7: {  	vm0 =	vlt.u32 v4, $0x10000  }
0xa8: {  	v5 =	vmpcnt.ones.xlane vm0;
	_ =	sdelay $0x1  }
0xa9: {  	(v2sf) =	vpush v5, $0x0;
	_ =	sdelay $0x5  }
0xaa: {  	s24 =	spop (v2sf)  }
0xab: {  	s23 =	sadd.s32 s23, s24  }
0xac: {  	[tilespmem:s23+$0x14080] =	vst.msk vm0, v4  }
0xad: {  	[tilespmem:s23+$0x15100] =	vst.msk vm0, v3  }
0xae: {  	v3 =	vld [tilespmem:s21+$0x20]  }
0xaf: {  	v4 =	vld [tilespmem:s20+$0x20];
	_ =	sdelay $0x3  }
0xb0: {  	v3 =	vsub.s32 v3, v0;
	s24 =	spop (v2sf)  }
0xb1: {  	s23 =	sadd.s32 s23, s24;
	vm0 =	vlt.u32 v3, $0x10000  }
0xb2: {  	[tilespmem:s23+$0x14080] =	vst.msk vm0, v3;
	v3 =	vmpcnt.ones.xlane vm0  }
0xb3: {  	[tilespmem:s23+$0x15100] =	vst.msk vm0, v4  }
0xb4: {  	v4 =	vld [tilespmem:s21+$0x30];
	(v2sf) =	vpush v3, $0x0  }
0xb5: {  	v3 =	vld [tilespmem:s20+$0x30];
	_ =	sdelay $0x3  }
0xb6: {  	v4 =	vsub.s32 v4, v0  }
0xb7: {  	vm0 =	vlt.u32 v4, $0x10000  }
0xb8: {  	v5 =	vmpcnt.ones.xlane vm0;
	_ =	sdelay $0x1  }
0xb9: {  	(v2sf) =	vpush v5, $0x0;
	_ =	sdelay $0x5  }
0xba: {  	s24 =	spop (v2sf)  }
0xbb: {  	s23 =	sadd.s32 s23, s24  }
0xbc: {  	[tilespmem:s23+$0x14080] =	vst.msk vm0, v4  }
0xbd: {  	s21 =	sadd.s32 $0x80, s21;
	[tilespmem:s23+$0x15100] =	vst.msk vm0, v3  }
0xbe: {  	v4 =	vld [tilespmem:s21+$0xFFFFFFC0]  }
.Ltmp4:
0xbf: {  	(pc) =	sbr.rel @p0 .LBB2_3-.Ltmp4, $3  }
0xc0: {  	s20 =	sadd.s32 $0x80, s20  }
0xc1: {  	v3 =	vld [tilespmem:s20+$0xFFFFFFC0];
	_ =	sdelay $0x1  }
0xc2: {  	v4 =	vsub.s32 v4, v0;
	s24 =	spop (v2sf)  }
0xc3: {  	vm0 =	vlt.u32 v4, $0x10000;
	s22 =	sadd.s32 s23, s24  }
0xc4: {  	[tilespmem:s22+$0x14080] =	vst.msk vm0, v4;
	v55 =	vmpcnt.ones.xlane vm0  }
0xc5: {  	[tilespmem:s22+$0x15100] =	vst.msk vm0, v3  }
0xc6: {  	v3 =	vld [tilespmem:s21+$0xFFFFFFD0];
	(v2sf) =	vpush v55, $0x0;
	_ =	sdelay $0x4  }
0xc7: {  	v3 =	vsub.s32 v3, v0  }
0xc8: {  	vm9 =	vlt.u32 v3, $0x10000  }
0xc9: {  	v56 =	vmpcnt.ones.xlane vm9;
	_ =	sdelay $0x1  }
0xca: {  	(v2sf) =	vpush v56, $0x0;
	_ =	sdelay $0x3  }
0xcb: {  	v57 =	vld [tilespmem:s20+$0xFFFFFFD0];
	_ =	sdelay $0x1  }
0xcc: {  	s26 =	spop (v2sf)  }
0xcd: {  	s22 =	sadd.s32 s22, s26  }
0xce: {  	[tilespmem:s22+$0x14080] =	vst.msk vm9, v3  }
0xcf: {  	[tilespmem:s22+$0x15100] =	vst.msk vm9, v57  }
0xd0: {  	v3 =	vld [tilespmem:s21+$0xFFFFFFE0];
	_ =	sdelay $0x2  }
0xd1: {  	v4 =	vld [tilespmem:s20+$0xFFFFFFE0];
	_ =	sdelay $0x1  }
0xd2: {  	v3 =	vsub.s32 v3, v0;
	s28 =	spop (v2sf)  }
0xd3: {  	s22 =	sadd.s32 s22, s28;
	vm10 =	vlt.u32 v3, $0x10000  }
0xd4: {  	[tilespmem:s22+$0x14080] =	vst.msk vm10, v3;
	v3 =	vmpcnt.ones.xlane vm10  }
0xd5: {  	[tilespmem:s22+$0x15100] =	vst.msk vm10, v4  }
0xd6: {  	v4 =	vld [tilespmem:s21+$0xFFFFFFF0];
	(v2sf) =	vpush v3, $0x0;
	_ =	sdelay $0x4  }
0xd7: {  	v3 =	vsub.s32 v4, v0  }
0xd8: {  	vm11 =	vlt.u32 v3, $0x10000  }
0xd9: {  	v58 =	vmpcnt.ones.xlane vm11;
	_ =	sdelay $0x1  }
0xda: {  	(v2sf) =	vpush v58, $0x0;
	_ =	sdelay $0x3  }
0xdb: {  	v59 =	vld [tilespmem:s20+$0xFFFFFFF0];
	_ =	sdelay $0x1  }
0xdc: {  	s29 =	spop (v2sf)  }
0xdd: {  	s22 =	sadd.s32 s22, s29  }
0xde: {  	[tilespmem:s22+$0x14080] =	vst.msk vm11, v3  }
0xdf: {  	[tilespmem:s22+$0x15100] =	vst.msk vm11, v59  }
0xe0: {  	v3 =	vld [tilespmem:s21+$0x0];
	_ =	sdelay $0x2  }
0xe1: {  	v4 =	vld [tilespmem:s20+$0x0];
	_ =	sdelay $0x1  }
0xe2: {  	v3 =	vsub.s32 v3, v0;
	s30 =	spop (v2sf)  }
0xe3: {  	s22 =	sadd.s32 s22, s30;
	vm12 =	vlt.u32 v3, $0x10000  }
0xe4: {  	[tilespmem:s22+$0x14080] =	vst.msk vm12, v3;
	v3 =	vmpcnt.ones.xlane vm12  }
0xe5: {  	[tilespmem:s22+$0x15100] =	vst.msk vm12, v4  }
0xe6: {  	v4 =	vld [tilespmem:s21+$0x10];
	(v2sf) =	vpush v3, $0x0;
	_ =	sdelay $0x4  }
0xe7: {  	v3 =	vsub.s32 v4, v0  }
0xe8: {  	vm13 =	vlt.u32 v3, $0x10000  }
0xe9: {  	v60 =	vmpcnt.ones.xlane vm13;
	_ =	sdelay $0x1  }
0xea: {  	(v2sf) =	vpush v60, $0x0;
	_ =	sdelay $0x3  }
0xeb: {  	v61 =	vld [tilespmem:s20+$0x10];
	_ =	sdelay $0x1  }
0xec: {  	s31 =	spop (v2sf)  }
0xed: {  	s22 =	sadd.s32 s22, s31  }
0xee: {  	[tilespmem:s22+$0x14080] =	vst.msk vm13, v3  }
0xef: {  	[tilespmem:s22+$0x15100] =	vst.msk vm13, v61  }
0xf0: {  	v3 =	vld [tilespmem:s21+$0x20];
	_ =	sdelay $0x2  }
0xf1: {  	v4 =	vld [tilespmem:s20+$0x20];
	_ =	sdelay $0x1  }
0xf2: {  	v3 =	vsub.s32 v3, v0;
	s24 =	spop (v2sf)  }
0xf3: {  	s22 =	sadd.s32 s22, s24;
	vm14 =	vlt.u32 v3, $0x10000  }
0xf4: {  	[tilespmem:s22+$0x14080] =	vst.msk vm14, v3  }
0xf5: {  	[tilespmem:s22+$0x15100] =	vst.msk vm14, v4  }
0xf6: {  	v3 =	vld [tilespmem:s21+$0x30];
	_ =	sdelay $0x4  }
0xf7: {  	v3 =	vsub.s32 v3, v0  }
0xf8: {  	v62 =	vmpcnt.ones.xlane vm14;
	vm15 =	vlt.u32 v3, $0x10000  }
0xf9: {  	v5 =	vmpcnt.ones.xlane vm15  }
0xfa: {  	(v2sf) =	vpush v62, $0x0  }
0xfb: {  	(v2sf) =	vpush v5, $0x0;
	_ =	sdelay $0xd  }
0xfc: {  	s25 =	spop (v2sf)  }
0xfd: {  	s21 =	sadd.s32 s22, s25;
	s26 =	spop (v2sf)  }
0xfe: {  	s22 =	sadd.s32 s21, s26  }
0xff: {  	s28 =	sand.u32 $0xF, s22  }
0x100: {  	s29 =	sshra.s32 s22, $0x1F;
	p0 =	slt.s32 s22, $0x1;
	p1 =	sne.s32 s28, $0x0  }
0x101: {  	s30 =	sshrl.u32 s29, $0x1C;
	p0 =	por !p0, !p1  }
0x102: {  	s23 =	simm.s32 $0x1;
	v63 =	vld [tilespmem:s20+$0x30];
	s20 =	sadd.s32 s30, s22;
	p0 =	por !p0, !p0  }
0x103: {  	s20 =	sshra.s32 s20, $0x4;
	s23 =	simm.s32 @!p0 $0x0  }
0x104: {  	s31 =	ssub.s32 s20, s23  }
0x105: {  	p1 =	slt.s32 s31, $0x0  }
.Ltmp5:
0x106: {  	_ = 	snop;
	(pc) =	sbr.rel @p1 .LBB2_18-.Ltmp5, $4  }
0x107: {  	[tilespmem:s21+$0x14080] =	vst.msk vm15, v3  }
0x108: {  	[tilespmem:s21+$0x15100] =	vst.msk vm15, v63  }
0x109: {  	[tilespmem:s22+$0x14080] =	vst v1  }
0x10a: {  	[tilespmem:s22+$0x15100] =	vst v2  }
0x10b: {  	s21 =	simm.s32 $0xFFFFFFFF  }
0x10c: {  	s21 =	simm.s32 @!p0 $0x0  }
0x10d: {  	s20 =	sadd.s32 s21, s20  }
0x10e: {  	s22 =	sadd.s32 $0x1, s20  }
0x10f: {  	p1 =	seq.s32 s22, $0x1  }
.Ltmp6:
0x110: {  	_ = 	snop;
	(pc) =	sbr.rel @p1 .LBB2_6-.Ltmp6, $3  }
0x111: {  	_ =	sdelay $0x1  }
0x112: {  	s23 =	simm.s32 $0x14080;
	p0 =	por $0x0, $0x0  }
0x113: {  	v3 =	vld [tilespmem:s23+$0x0];
	s21 =	simm.s32 $0x15100;
	s20 =	simm.s32 $0x0;
	s22 =	sadd.s32 $0xFFFFFFFF, s22  }
0x114: {  	_ =	sdelay $0x6  }
0x115: {  	v4 =	vld [tilespmem:s21+$0x0]  }
0x116: {  	v5 =	vld.idx.msk [tilespmem:v3+s3+$0x0], $0xffff;
	_ =	sdelay $0x4  }
0x117: {  	v5 =	vmax.f32 v5, v4  }
0x118: {  	[tilespmem:v3+s3+$0x0] =	vst.idx.msk $0xffff, v5  }
0x119: {  	v5 =	vld.idx.msk [tilespmem:v3+s3+$0x0], $0xffff;
	_ =	sdelay $0x3  }
0x11a: {  	p1 =	seq.s32 s22, $0x1  }
.Ltmp7:
0x11b: {  	vm0 =	vlt.s32 v3, $0x10000;
	vm1 =	vlt.f32 v5, v4;
	(pc) =	sbr.rel @p1 .LBB2_11-.Ltmp7, $4  }
0x11c: {  	vm0 =	vmand vm0, vm1  }
0x11d: {  	[tilespmem:s20+$0x16180] =	vst.msk vm0, v3;
	v5 =	vmpcnt.ones.xlane vm0  }
0x11e: {  	s23 =	simm.s32 $0x14090;
	s24 =	sadd.s32 $0xFFFFFFFF, s22;
	[tilespmem:s20+$0x17200] =	vst.msk vm0, v4  }
0x11f: {  	s21 =	simm.s32 $0x15110;
	p0 =	por $0x1, $0x1;
	s22 =	simm.s32 $0x0;
	v3 =	vld [tilespmem:s23+$0x0];
	(v2sf) =	vpush v5, $0x0  }
.LBB2_12:
0x120: {  	p1 =	seq.s32 s24, $0x1;
	v4 =	vld [tilespmem:s21+$0x0];
	_ =	sdelay $0x3  }
0x121: {  	vm0 =	vlt.s32 v3, $0x10000;
	_ =	sdelay $0x2  }
0x122: {  	v5 =	vld.idx.msk [tilespmem:v3+s3+$0x0], $0xffff;
	_ =	sdelay $0x5  }
0x123: {  	v5 =	vmax.f32 v5, v4  }
0x124: {  	[tilespmem:v3+s3+$0x0] =	vst.idx.msk $0xffff, v5;
	s25 =	spop (v2sf)  }
0x125: {  	v5 =	vld.idx.msk [tilespmem:v3+s3+$0x0], $0xffff;
	s22 =	sadd.s32 s22, s25;
	_ =	sdelay $0x5  }
.Ltmp8:
0x126: {  	vm1 =	vlt.f32 v5, v4;
	(pc) =	sbr.rel @!p1 .LBB2_12-.Ltmp8, $4  }
0x127: {  	vm0 =	vmand vm0, vm1  }
0x128: {  	v5 =	vmpcnt.ones.xlane vm0;
	[tilespmem:s22+$0x16180] =	vst.msk vm0, v3  }
0x129: {  	s23 =	sadd.s32 $0x10, s23;
	[tilespmem:s22+$0x17200] =	vst.msk vm0, v4  }
0x12a: {  	s24 =	sadd.s32 $0xFFFFFFFF, s24;
	s21 =	sadd.s32 $0x10, s21;
	v3 =	vld [tilespmem:s23+$0x0];
	(v2sf) =	vpush v5, $0x0  }
.LBB2_13:
0x12b: {  	_ =	sdelay $0x6  }
0x12c: {  	v4 =	vld [tilespmem:s21+$0x0]  }
0x12d: {  	v5 =	vld.idx.msk [tilespmem:v3+s3+$0x0], $0xffff;
	_ =	sdelay $0x4  }
0x12e: {  	v5 =	vmax.f32 v5, v4  }
0x12f: {  	[tilespmem:v3+s3+$0x0] =	vst.idx.msk $0xffff, v5  }
0x130: {  	v5 =	vld.idx.msk [tilespmem:v3+s3+$0x0], $0xffff;
	_ =	sdelay $0x4  }
0x131: {  	vm0 =	vlt.s32 v3, $0x10000;
	vm1 =	vlt.f32 v5, v4  }
0x132: {  	vm0 =	vmand vm0, vm1  }
0x133: {  	v63 =	vmpcnt.ones.xlane vm0;
	_ =	sdelay $0x1  }
0x134: {  	(v2sf) =	vpush v63, $0x0;
	_ =	sdelay $0xb  }
0x135: {  	s21 =	spop @p0 (v2sf)  }
0x136: {  	s21 =	sadd.s32 @p0 s22, s21  }
0x137: {  	s20 =	smov.u32 @p0 s21  }
0x138: {  	[tilespmem:s20+$0x16180] =	vst.msk vm0, v3;
	s31 =	spop (v2sf)  }
0x139: {  	[tilespmem:s20+$0x17200] =	vst.msk vm0, v4;
	s21 =	sadd.s32 s20, s31  }
0x13a: {  	p0 =	slt.s32 s21, $0x1  }
.Ltmp9:
0x13b: {  	_ = 	snop;
	(pc) =	sbr.rel @p0 .LBB2_18-.Ltmp9, $1  }
0x13c: {  	_ =	sdelay $0x3  }
0x13d: {  	p1 =	sne.s32 s21, $0x1  }
.Ltmp10:
0x13e: {  	_ = 	snop;
	(pc) =	sbr.rel @!p1 .LBB2_9-.Ltmp10, $3  }
0x13f: {  	_ =	sdelay $0x1  }
0x140: {  	s22 =	simm.s32 $0x16180  }
0x141: {  	s20 =	simm.s32 $0x17200;
	s21 =	sadd.s32 $0xFFFFFFFF, s21;
	p0 =	por $0x0, $0x0;
	v3 =	vld [tilespmem:s22+$0x0]  }
0x142: {  	_ =	sdelay $0x3  }
0x143: {  	v3 =	vand.u32 $0xFFFF, v3;
	_ =	sdelay $0x3  }
0x144: {  	v5 =	vld [tilespmem:s20+$0x0]  }
0x145: {  	v4 =	vld.idx.msk [tilespmem:v3+s3+$0x0], $0xffff;
	_ =	sdelay $0x1  }
0x146: {  	p1 =	sne.s32 s21, $0x1  }
.Ltmp11:
0x147: {  	_ = 	snop;
	(pc) =	sbr.rel @!p1 .LBB2_15-.Ltmp11, $4  }
0x148: {  	_ = 	snop  }
0x149: {  	v4 =	vmax.f32 v4, v5  }
0x14a: {  	s22 =	simm.s32 $0x16181;
	[tilespmem:v3+s3+$0x0] =	vst.idx.msk $0x1, v4  }
0x14b: {  	s23 =	sadd.s32 $0xFFFFFFFF, s21;
	p0 =	por $0x1, $0x1;
	s21 =	simm.s32 $0x17200;
	v3 =	vld [tilespmem:s22+$0x0]  }
.LBB2_16:
0x14c: {  	p1 =	sne.s32 s23, $0x1;
	_ =	sdelay $0x3  }
0x14d: {  	v3 =	vand.u32 $0xFFFF, v3;
	_ =	sdelay $0x4  }
0x14e: {  	s21 =	sadd.s32 $0x1, s21;
	v4 =	vld.idx.msk [tilespmem:v3+s3+$0x0], $0xffff  }
0x14f: {  	v5 =	vld [tilespmem:s21+$0x0];
	_ =	sdelay $0x2  }
.Ltmp12:
0x150: {  	(pc) =	sbr.rel @p1 .LBB2_16-.Ltmp12, $4  }
0x151: {  	_ = 	snop  }
0x152: {  	v4 =	vmax.f32 v4, v5  }
0x153: {  	s22 =	sadd.s32 $0x1, s22;
	[tilespmem:v3+s3+$0x0] =	vst.idx.msk $0x1, v4  }
0x154: {  	s23 =	sadd.s32 $0xFFFFFFFF, s23;
	v3 =	vld [tilespmem:s22+$0x0]  }
.LBB2_17:
0x155: {  	_ =	sdelay $0x3  }
0x156: {  	v3 =	vand.u32 $0xFFFF, v3;
	_ =	sdelay $0x1  }
0x157: {  	s21 =	sadd.s32 @p0 $0x1, s21  }
0x158: {  	s20 =	smov.u32 @p0 s21  }
0x159: {  	v5 =	vld [tilespmem:s20+$0x0]  }
0x15a: {  	v4 =	vld.idx.msk [tilespmem:v3+s3+$0x0], $0xffff;
	_ =	sdelay $0x4  }
0x15b: {  	v4 =	vmax.f32 v4, v5  }
0x15c: {  	[tilespmem:v3+s3+$0x0] =	vst.idx.msk $0x1, v4  }
.LBB2_18:
0x15d: {  	s19 =	sadd.s32 $0x400, s19  }
0x15e: {  	s21 =	simm.s32 $0x0;
	s20 =	sadd.s32 s4, s19  }
0x15f: {  	[tilespmem:s11], [sflag:$0x1] =	stream.linear.gather [hbm4b:s20+s21], $0x1000, $0x38;
	[tilespmem:$0x18280] =	vst v63  }
0x160: {  	s19 =	sadd.s32 s1, s19  }
0x161: {  	[tilespmem:s12], [sflag:$0x1] =	stream.linear.gather [hbm4b:s19+s21], $0x1000, $0x38;
	[tilespmem:$0x18280] =	vst v63  }
0x162: {  	_ =	swait.ge [sflag:s16], $0x1000  }
0x163: {  	[sflag:s16] =	ssyncset.done $0x0  }
0x164: {  	[sflag:s16] =	ssyncadd.s32 $0xFFFFF000  }
0x165: {  	_ =	swait.ge [sflag:s16], $0x1000  }
0x166: {  	[sflag:s16] =	ssyncset.done $0x0  }
0x167: {  	s23 =	simm.s32 $0x120C0;
	[sflag:s16] =	ssyncadd.s32 $0xFFFFF000  }
0x168: {  	v3 =	vld [tilespmem:s23+$0xFFFFFFC0];
	_ =	sdelay $0x1  }
0x169: {  	s24 =	simm.s32 $0x130C0  }
0x16a: {  	v4 =	vld [tilespmem:s24+$0xFFFFFFC0];
	_ =	sdelay $0x1  }
0x16b: {  	v3 =	vsub.s32 v3, v0  }
0x16c: {  	vm0 =	vlt.u32 v3, $0x10000  }
0x16d: {  	[tilespmem:s21+$0x14080] =	vst.msk vm0, v3;
	v3 =	vmpcnt.ones.xlane vm0  }
0x16e: {  	[tilespmem:s21+$0x15100] =	vst.msk vm0, v4  }
0x16f: {  	v4 =	vld [tilespmem:s23+$0xFFFFFFD0];
	(v2sf) =	vpush v3, $0x0;
	_ =	sdelay $0x4  }
0x170: {  	v3 =	vsub.s32 v4, v0  }
0x171: {  	vm9 =	vlt.u32 v3, $0x10000  }
0x172: {  	v4 =	vmpcnt.ones.xlane vm9;
	_ =	sdelay $0x1  }
0x173: {  	(v2sf) =	vpush v4, $0x0;
	_ =	sdelay $0x3  }
0x174: {  	v4 =	vld [tilespmem:s24+$0xFFFFFFD0];
	_ =	sdelay $0x1  }
0x175: {  	s25 =	spop (v2sf)  }
0x176: {  	s21 =	sadd.s32 $0x0, s25  }
0x177: {  	[tilespmem:s21+$0x14080] =	vst.msk vm9, v3  }
0x178: {  	[tilespmem:s21+$0x15100] =	vst.msk vm9, v4  }
0x179: {  	v3 =	vld [tilespmem:s23+$0xFFFFFFE0];
	_ =	sdelay $0x2  }
0x17a: {  	v4 =	vld [tilespmem:s24+$0xFFFFFFE0];
	_ =	sdelay $0x1  }
0x17b: {  	v3 =	vsub.s32 v3, v0;
	s22 =	spop (v2sf)  }
0x17c: {  	s21 =	sadd.s32 s21, s22;
	vm10 =	vlt.u32 v3, $0x10000  }
0x17d: {  	[tilespmem:s21+$0x14080] =	vst.msk vm10, v3;
	v3 =	vmpcnt.ones.xlane vm10  }
0x17e: {  	[tilespmem:s21+$0x15100] =	vst.msk vm10, v4  }
0x17f: {  	v4 =	vld [tilespmem:s23+$0xFFFFFFF0];
	(v2sf) =	vpush v3, $0x0;
	_ =	sdelay $0x4  }
0x180: {  	v3 =	vsub.s32 v4, v0  }
0x181: {  	vm11 =	vlt.u32 v3, $0x10000  }
0x182: {  	v4 =	vmpcnt.ones.xlane vm11;
	_ =	sdelay $0x1  }
0x183: {  	(v2sf) =	vpush v4, $0x0;
	_ =	sdelay $0x3  }
0x184: {  	v4 =	vld [tilespmem:s24+$0xFFFFFFF0];
	_ =	sdelay $0x1  }
0x185: {  	s26 =	spop (v2sf)  }
0x186: {  	s21 =	sadd.s32 s21, s26  }
0x187: {  	[tilespmem:s21+$0x14080] =	vst.msk vm11, v3  }
0x188: {  	[tilespmem:s21+$0x15100] =	vst.msk vm11, v4  }
0x189: {  	v3 =	vld [tilespmem:s23+$0x0];
	_ =	sdelay $0x2  }
0x18a: {  	v4 =	vld [tilespmem:s24+$0x0];
	_ =	sdelay $0x1  }
0x18b: {  	v3 =	vsub.s32 v3, v0;
	s28 =	spop (v2sf)  }
0x18c: {  	s21 =	sadd.s32 s21, s28;
	vm12 =	vlt.u32 v3, $0x10000  }
0x18d: {  	[tilespmem:s21+$0x14080] =	vst.msk vm12, v3;
	v3 =	vmpcnt.ones.xlane vm12  }
0x18e: {  	[tilespmem:s21+$0x15100] =	vst.msk vm12, v4  }
0x18f: {  	v4 =	vld [tilespmem:s23+$0x10];
	(v2sf) =	vpush v3, $0x0;
	_ =	sdelay $0x4  }
0x190: {  	v3 =	vsub.s32 v4, v0  }
0x191: {  	vm13 =	vlt.u32 v3, $0x10000  }
0x192: {  	v4 =	vmpcnt.ones.xlane vm13;
	_ =	sdelay $0x1  }
0x193: {  	(v2sf) =	vpush v4, $0x0;
	_ =	sdelay $0x3  }
0x194: {  	v4 =	vld [tilespmem:s24+$0x10];
	_ =	sdelay $0x1  }
0x195: {  	s29 =	spop (v2sf)  }
0x196: {  	s21 =	sadd.s32 s21, s29  }
0x197: {  	[tilespmem:s21+$0x14080] =	vst.msk vm13, v3  }
0x198: {  	[tilespmem:s21+$0x15100] =	vst.msk vm13, v4  }
0x199: {  	v3 =	vld [tilespmem:s23+$0x20];
	_ =	sdelay $0x2  }
0x19a: {  	v4 =	vld [tilespmem:s24+$0x20];
	_ =	sdelay $0x1  }
0x19b: {  	v3 =	vsub.s32 v3, v0;
	s30 =	spop (v2sf)  }
0x19c: {  	s21 =	sadd.s32 s21, s30;
	vm14 =	vlt.u32 v3, $0x10000  }
0x19d: {  	[tilespmem:s21+$0x14080] =	vst.msk vm14, v3;
	v3 =	vmpcnt.ones.xlane vm14  }
0x19e: {  	[tilespmem:s21+$0x15100] =	vst.msk vm14, v4  }
0x19f: {  	v4 =	vld [tilespmem:s23+$0x30];
	(v2sf) =	vpush v3, $0x0;
	_ =	sdelay $0x4  }
0x1a0: {  	v3 =	vsub.s32 v4, v0  }
0x1a1: {  	vm15 =	vlt.u32 v3, $0x10000  }
0x1a2: {  	v4 =	vmpcnt.ones.xlane vm15;
	_ =	sdelay $0x1  }
0x1a3: {  	(v2sf) =	vpush v4, $0x0;
	_ =	sdelay $0x3  }
0x1a4: {  	v4 =	vld [tilespmem:s24+$0x30];
	_ =	sdelay $0x1  }
0x1a5: {  	s31 =	spop (v2sf)  }
0x1a6: {  	s22 =	sadd.s32 s21, s31  }
0x1a7: {  	[tilespmem:s22+$0x14080] =	vst.msk vm15, v3  }
0x1a8: {  	s20 =	simm.s32 $0x12140;
	[tilespmem:s22+$0x15100] =	vst.msk vm15, v4  }
0x1a9: {  	v4 =	vld [tilespmem:s20+$0xFFFFFFC0];
	_ =	sdelay $0x1  }
0x1aa: {  	s19 =	simm.s32 $0x13140  }
0x1ab: {  	v3 =	vld [tilespmem:s19+$0xFFFFFFC0];
	_ =	sdelay $0x1  }
0x1ac: {  	s21 =	simm.s32 $0x8;
	v4 =	vsub.s32 v4, v0;
	s23 =	spop (v2sf)  }
.LBB2_19:
0x1ad: {  	s21 =	sadd.s32 $0x8, s21;
	vm0 =	vlt.u32 v4, $0x10000;
	s22 =	sadd.s32 s22, s23  }
0x1ae: {  	p0 =	slt.u32 s21, $0xF8;
	[tilespmem:s22+$0x14080] =	vst.msk vm0, v4;
	v4 =	vmpcnt.ones.xlane vm0  }
0x1af: {  	[tilespmem:s22+$0x15100] =	vst.msk vm0, v3  }
0x1b0: {  	v3 =	vld [tilespmem:s20+$0xFFFFFFD0];
	(v2sf) =	vpush v4, $0x0;
	_ =	sdelay $0x4  }
0x1b1: {  	v3 =	vsub.s32 v3, v0  }
0x1b2: {  	vm0 =	vlt.u32 v3, $0x10000  }
0x1b3: {  	v4 =	vmpcnt.ones.xlane vm0;
	_ =	sdelay $0x1  }
0x1b4: {  	(v2sf) =	vpush v4, $0x0;
	_ =	sdelay $0x3  }
0x1b5: {  	v4 =	vld [tilespmem:s19+$0xFFFFFFD0];
	_ =	sdelay $0x1  }
0x1b6: {  	s23 =	spop (v2sf)  }
0x1b7: {  	s22 =	sadd.s32 s22, s23  }
0x1b8: {  	[tilespmem:s22+$0x14080] =	vst.msk vm0, v3  }
0x1b9: {  	[tilespmem:s22+$0x15100] =	vst.msk vm0, v4  }
0x1ba: {  	v3 =	vld [tilespmem:s20+$0xFFFFFFE0];
	_ =	sdelay $0x2  }
0x1bb: {  	v4 =	vld [tilespmem:s19+$0xFFFFFFE0];
	_ =	sdelay $0x1  }
0x1bc: {  	v3 =	vsub.s32 v3, v0;
	s23 =	spop (v2sf)  }
0x1bd: {  	s22 =	sadd.s32 s22, s23;
	vm0 =	vlt.u32 v3, $0x10000  }
0x1be: {  	[tilespmem:s22+$0x14080] =	vst.msk vm0, v3;
	v3 =	vmpcnt.ones.xlane vm0  }
0x1bf: {  	[tilespmem:s22+$0x15100] =	vst.msk vm0, v4  }
0x1c0: {  	v4 =	vld [tilespmem:s20+$0xFFFFFFF0];
	(v2sf) =	vpush v3, $0x0;
	_ =	sdelay $0x4  }
0x1c1: {  	v3 =	vsub.s32 v4, v0  }
0x1c2: {  	vm0 =	vlt.u32 v3, $0x10000  }
0x1c3: {  	v4 =	vmpcnt.ones.xlane vm0;
	_ =	sdelay $0x1  }
0x1c4: {  	(v2sf) =	vpush v4, $0x0;
	_ =	sdelay $0x3  }
0x1c5: {  	v4 =	vld [tilespmem:s19+$0xFFFFFFF0];
	_ =	sdelay $0x1  }
0x1c6: {  	s23 =	spop (v2sf)  }
0x1c7: {  	s22 =	sadd.s32 s22, s23  }
0x1c8: {  	[tilespmem:s22+$0x14080] =	vst.msk vm0, v3  }
0x1c9: {  	[tilespmem:s22+$0x15100] =	vst.msk vm0, v4  }
0x1ca: {  	v3 =	vld [tilespmem:s20+$0x0];
	_ =	sdelay $0x2  }
0x1cb: {  	v4 =	vld [tilespmem:s19+$0x0];
	_ =	sdelay $0x1  }
0x1cc: {  	v3 =	vsub.s32 v3, v0;
	s23 =	spop (v2sf)  }
0x1cd: {  	s22 =	sadd.s32 s22, s23;
	vm0 =	vlt.u32 v3, $0x10000  }
0x1ce: {  	[tilespmem:s22+$0x14080] =	vst.msk vm0, v3;
	v3 =	vmpcnt.ones.xlane vm0  }
0x1cf: {  	[tilespmem:s22+$0x15100] =	vst.msk vm0, v4  }
0x1d0: {  	v4 =	vld [tilespmem:s20+$0x10];
	(v2sf) =	vpush v3, $0x0  }
0x1d1: {  	v3 =	vld [tilespmem:s19+$0x10];
	_ =	sdelay $0x3  }
0x1d2: {  	v4 =	vsub.s32 v4, v0  }
0x1d3: {  	vm0 =	vlt.u32 v4, $0x10000  }
0x1d4: {  	v5 =	vmpcnt.ones.xlane vm0;
	_ =	sdelay $0x1  }
0x1d5: {  	(v2sf) =	vpush v5, $0x0;
	_ =	sdelay $0x5  }
0x1d6: {  	s23 =	spop (v2sf)  }
0x1d7: {  	s22 =	sadd.s32 s22, s23  }
0x1d8: {  	[tilespmem:s22+$0x14080] =	vst.msk vm0, v4  }
0x1d9: {  	[tilespmem:s22+$0x15100] =	vst.msk vm0, v3  }
0x1da: {  	v3 =	vld [tilespmem:s20+$0x20]  }
0x1db: {  	v4 =	vld [tilespmem:s19+$0x20];
	_ =	sdelay $0x3  }
0x1dc: {  	v3 =	vsub.s32 v3, v0;
	s23 =	spop (v2sf)  }
0x1dd: {  	s22 =	sadd.s32 s22, s23;
	vm0 =	vlt.u32 v3, $0x10000  }
0x1de: {  	[tilespmem:s22+$0x14080] =	vst.msk vm0, v3;
	v3 =	vmpcnt.ones.xlane vm0  }
0x1df: {  	[tilespmem:s22+$0x15100] =	vst.msk vm0, v4  }
0x1e0: {  	v4 =	vld [tilespmem:s20+$0x30];
	(v2sf) =	vpush v3, $0x0  }
0x1e1: {  	v3 =	vld [tilespmem:s19+$0x30];
	_ =	sdelay $0x3  }
0x1e2: {  	v4 =	vsub.s32 v4, v0  }
0x1e3: {  	vm0 =	vlt.u32 v4, $0x10000  }
0x1e4: {  	v5 =	vmpcnt.ones.xlane vm0;
	_ =	sdelay $0x1  }
0x1e5: {  	(v2sf) =	vpush v5, $0x0;
	_ =	sdelay $0x5  }
0x1e6: {  	s23 =	spop (v2sf)  }
0x1e7: {  	s22 =	sadd.s32 s22, s23  }
0x1e8: {  	[tilespmem:s22+$0x14080] =	vst.msk vm0, v4  }
0x1e9: {  	s20 =	sadd.s32 $0x80, s20;
	[tilespmem:s22+$0x15100] =	vst.msk vm0, v3  }
0x1ea: {  	v4 =	vld [tilespmem:s20+$0xFFFFFFC0]  }
.Ltmp13:
0x1eb: {  	(pc) =	sbr.rel @p0 .LBB2_19-.Ltmp13, $3  }
0x1ec: {  	s19 =	sadd.s32 $0x80, s19  }
0x1ed: {  	v3 =	vld [tilespmem:s19+$0xFFFFFFC0];
	_ =	sdelay $0x1  }
0x1ee: {  	v4 =	vsub.s32 v4, v0;
	s23 =	spop (v2sf)  }
0x1ef: {  	vm0 =	vlt.u32 v4, $0x10000;
	s21 =	sadd.s32 s22, s23  }
0x1f0: {  	[tilespmem:s21+$0x14080] =	vst.msk vm0, v4;
	v55 =	vmpcnt.ones.xlane vm0  }
0x1f1: {  	[tilespmem:s21+$0x15100] =	vst.msk vm0, v3  }
0x1f2: {  	v3 =	vld [tilespmem:s20+$0xFFFFFFD0];
	(v2sf) =	vpush v55, $0x0;
	_ =	sdelay $0x4  }
0x1f3: {  	v3 =	vsub.s32 v3, v0  }
0x1f4: {  	vm9 =	vlt.u32 v3, $0x10000  }
0x1f5: {  	v56 =	vmpcnt.ones.xlane vm9;
	_ =	sdelay $0x1  }
0x1f6: {  	(v2sf) =	vpush v56, $0x0;
	_ =	sdelay $0x3  }
0x1f7: {  	v57 =	vld [tilespmem:s19+$0xFFFFFFD0];
	_ =	sdelay $0x1  }
0x1f8: {  	s28 =	spop (v2sf)  }
0x1f9: {  	s21 =	sadd.s32 s21, s28  }
0x1fa: {  	[tilespmem:s21+$0x14080] =	vst.msk vm9, v3  }
0x1fb: {  	[tilespmem:s21+$0x15100] =	vst.msk vm9, v57  }
0x1fc: {  	v3 =	vld [tilespmem:s20+$0xFFFFFFE0];
	_ =	sdelay $0x2  }
0x1fd: {  	v4 =	vld [tilespmem:s19+$0xFFFFFFE0];
	_ =	sdelay $0x1  }
0x1fe: {  	v3 =	vsub.s32 v3, v0;
	s29 =	spop (v2sf)  }
0x1ff: {  	s21 =	sadd.s32 s21, s29;
	vm10 =	vlt.u32 v3, $0x10000  }
0x200: {  	[tilespmem:s21+$0x14080] =	vst.msk vm10, v3;
	v3 =	vmpcnt.ones.xlane vm10  }
0x201: {  	[tilespmem:s21+$0x15100] =	vst.msk vm10, v4  }
0x202: {  	v4 =	vld [tilespmem:s20+$0xFFFFFFF0];
	(v2sf) =	vpush v3, $0x0;
	_ =	sdelay $0x4  }
0x203: {  	v3 =	vsub.s32 v4, v0  }
0x204: {  	vm11 =	vlt.u32 v3, $0x10000  }
0x205: {  	v58 =	vmpcnt.ones.xlane vm11;
	_ =	sdelay $0x1  }
0x206: {  	(v2sf) =	vpush v58, $0x0;
	_ =	sdelay $0x3  }
0x207: {  	v59 =	vld [tilespmem:s19+$0xFFFFFFF0];
	_ =	sdelay $0x1  }
0x208: {  	s30 =	spop (v2sf)  }
0x209: {  	s21 =	sadd.s32 s21, s30  }
0x20a: {  	[tilespmem:s21+$0x14080] =	vst.msk vm11, v3  }
0x20b: {  	[tilespmem:s21+$0x15100] =	vst.msk vm11, v59  }
0x20c: {  	v3 =	vld [tilespmem:s20+$0x0];
	_ =	sdelay $0x2  }
0x20d: {  	v4 =	vld [tilespmem:s19+$0x0];
	_ =	sdelay $0x1  }
0x20e: {  	v3 =	vsub.s32 v3, v0;
	s31 =	spop (v2sf)  }
0x20f: {  	s21 =	sadd.s32 s21, s31;
	vm12 =	vlt.u32 v3, $0x10000  }
0x210: {  	[tilespmem:s21+$0x14080] =	vst.msk vm12, v3;
	v3 =	vmpcnt.ones.xlane vm12  }
0x211: {  	[tilespmem:s21+$0x15100] =	vst.msk vm12, v4  }
0x212: {  	v4 =	vld [tilespmem:s20+$0x10];
	(v2sf) =	vpush v3, $0x0;
	_ =	sdelay $0x4  }
0x213: {  	v3 =	vsub.s32 v4, v0  }
0x214: {  	vm13 =	vlt.u32 v3, $0x10000  }
0x215: {  	v60 =	vmpcnt.ones.xlane vm13;
	_ =	sdelay $0x1  }
0x216: {  	(v2sf) =	vpush v60, $0x0;
	_ =	sdelay $0x3  }
0x217: {  	v61 =	vld [tilespmem:s19+$0x10];
	_ =	sdelay $0x1  }
0x218: {  	s23 =	spop (v2sf)  }
0x219: {  	s21 =	sadd.s32 s21, s23  }
0x21a: {  	[tilespmem:s21+$0x14080] =	vst.msk vm13, v3  }
0x21b: {  	[tilespmem:s21+$0x15100] =	vst.msk vm13, v61  }
0x21c: {  	v3 =	vld [tilespmem:s20+$0x20];
	_ =	sdelay $0x2  }
0x21d: {  	v4 =	vld [tilespmem:s19+$0x20];
	_ =	sdelay $0x1  }
0x21e: {  	v3 =	vsub.s32 v3, v0;
	s24 =	spop (v2sf)  }
0x21f: {  	s21 =	sadd.s32 s21, s24;
	vm14 =	vlt.u32 v3, $0x10000  }
0x220: {  	[tilespmem:s21+$0x14080] =	vst.msk vm14, v3  }
0x221: {  	[tilespmem:s21+$0x15100] =	vst.msk vm14, v4  }
0x222: {  	v3 =	vld [tilespmem:s20+$0x30];
	_ =	sdelay $0x4  }
0x223: {  	v3 =	vsub.s32 v3, v0  }
0x224: {  	v62 =	vmpcnt.ones.xlane vm14;
	vm15 =	vlt.u32 v3, $0x10000  }
0x225: {  	v5 =	vmpcnt.ones.xlane vm15  }
0x226: {  	(v2sf) =	vpush v62, $0x0  }
0x227: {  	(v2sf) =	vpush v5, $0x0;
	_ =	sdelay $0xd  }
0x228: {  	s25 =	spop (v2sf)  }
0x229: {  	s20 =	sadd.s32 s21, s25;
	s26 =	spop (v2sf)  }
0x22a: {  	s21 =	sadd.s32 s20, s26  }
0x22b: {  	s28 =	sand.u32 $0xF, s21  }
0x22c: {  	s29 =	sshra.s32 s21, $0x1F;
	p0 =	slt.s32 s21, $0x1;
	p1 =	sne.s32 s28, $0x0  }
0x22d: {  	s30 =	sshrl.u32 s29, $0x1C;
	p0 =	por !p0, !p1  }
0x22e: {  	s22 =	simm.s32 $0x1;
	v63 =	vld [tilespmem:s19+$0x30];
	s19 =	sadd.s32 s30, s21;
	p0 =	por !p0, !p0  }
0x22f: {  	s19 =	sshra.s32 s19, $0x4;
	s22 =	simm.s32 @!p0 $0x0  }
0x230: {  	s31 =	ssub.s32 s19, s22  }
0x231: {  	p1 =	slt.s32 s31, $0x0  }
.Ltmp14:
0x232: {  	_ = 	snop;
	(pc) =	sbr.rel @p1 .LBB2_34-.Ltmp14, $4  }
0x233: {  	[tilespmem:s20+$0x14080] =	vst.msk vm15, v3  }
0x234: {  	[tilespmem:s20+$0x15100] =	vst.msk vm15, v63  }
0x235: {  	[tilespmem:s21+$0x14080] =	vst v1  }
0x236: {  	[tilespmem:s21+$0x15100] =	vst v2  }
0x237: {  	s20 =	simm.s32 $0xFFFFFFFF  }
0x238: {  	s20 =	simm.s32 @!p0 $0x0  }
0x239: {  	s19 =	sadd.s32 s20, s19  }
0x23a: {  	s21 =	sadd.s32 $0x1, s19  }
0x23b: {  	p1 =	seq.s32 s21, $0x1  }
.Ltmp15:
0x23c: {  	_ = 	snop;
	(pc) =	sbr.rel @p1 .LBB2_22-.Ltmp15, $3  }
0x23d: {  	_ =	sdelay $0x1  }
0x23e: {  	s22 =	simm.s32 $0x14080;
	p0 =	por $0x0, $0x0  }
0x23f: {  	v3 =	vld [tilespmem:s22+$0x0];
	s20 =	simm.s32 $0x15100;
	s19 =	simm.s32 $0x0;
	s21 =	sadd.s32 $0xFFFFFFFF, s21  }
0x240: {  	_ =	sdelay $0x6  }
0x241: {  	v4 =	vld [tilespmem:s20+$0x0]  }
0x242: {  	v5 =	vld.idx.msk [tilespmem:v3+s3+$0x0], $0xffff;
	_ =	sdelay $0x4  }
0x243: {  	v5 =	vmax.f32 v5, v4  }
0x244: {  	[tilespmem:v3+s3+$0x0] =	vst.idx.msk $0xffff, v5  }
0x245: {  	v5 =	vld.idx.msk [tilespmem:v3+s3+$0x0], $0xffff;
	_ =	sdelay $0x3  }
0x246: {  	p1 =	seq.s32 s21, $0x1  }
.Ltmp16:
0x247: {  	vm0 =	vlt.s32 v3, $0x10000;
	vm1 =	vlt.f32 v5, v4;
	(pc) =	sbr.rel @p1 .LBB2_27-.Ltmp16, $4  }
0x248: {  	vm0 =	vmand vm0, vm1  }
0x249: {  	[tilespmem:s19+$0x16180] =	vst.msk vm0, v3;
	v5 =	vmpcnt.ones.xlane vm0  }
0x24a: {  	s22 =	simm.s32 $0x14090;
	s23 =	sadd.s32 $0xFFFFFFFF, s21;
	[tilespmem:s19+$0x17200] =	vst.msk vm0, v4  }
0x24b: {  	s20 =	simm.s32 $0x15110;
	p0 =	por $0x1, $0x1;
	s21 =	simm.s32 $0x0;
	v3 =	vld [tilespmem:s22+$0x0];
	(v2sf) =	vpush v5, $0x0  }
.LBB2_28:
0x24c: {  	p1 =	seq.s32 s23, $0x1;
	v4 =	vld [tilespmem:s20+$0x0];
	_ =	sdelay $0x3  }
0x24d: {  	vm0 =	vlt.s32 v3, $0x10000;
	_ =	sdelay $0x2  }
0x24e: {  	v5 =	vld.idx.msk [tilespmem:v3+s3+$0x0], $0xffff;
	_ =	sdelay $0x5  }
0x24f: {  	v5 =	vmax.f32 v5, v4  }
0x250: {  	[tilespmem:v3+s3+$0x0] =	vst.idx.msk $0xffff, v5;
	s24 =	spop (v2sf)  }
0x251: {  	v5 =	vld.idx.msk [tilespmem:v3+s3+$0x0], $0xffff;
	s21 =	sadd.s32 s21, s24;
	_ =	sdelay $0x5  }
.Ltmp17:
0x252: {  	vm1 =	vlt.f32 v5, v4;
	(pc) =	sbr.rel @!p1 .LBB2_28-.Ltmp17, $4  }
0x253: {  	vm0 =	vmand vm0, vm1  }
0x254: {  	v5 =	vmpcnt.ones.xlane vm0;
	[tilespmem:s21+$0x16180] =	vst.msk vm0, v3  }
0x255: {  	s22 =	sadd.s32 $0x10, s22;
	[tilespmem:s21+$0x17200] =	vst.msk vm0, v4  }
0x256: {  	s23 =	sadd.s32 $0xFFFFFFFF, s23;
	s20 =	sadd.s32 $0x10, s20;
	v3 =	vld [tilespmem:s22+$0x0];
	(v2sf) =	vpush v5, $0x0  }
.LBB2_29:
0x257: {  	_ =	sdelay $0x6  }
0x258: {  	v4 =	vld [tilespmem:s20+$0x0]  }
0x259: {  	v5 =	vld.idx.msk [tilespmem:v3+s3+$0x0], $0xffff;
	_ =	sdelay $0x4  }
0x25a: {  	v5 =	vmax.f32 v5, v4  }
0x25b: {  	[tilespmem:v3+s3+$0x0] =	vst.idx.msk $0xffff, v5  }
0x25c: {  	v5 =	vld.idx.msk [tilespmem:v3+s3+$0x0], $0xffff;
	_ =	sdelay $0x4  }
0x25d: {  	vm0 =	vlt.s32 v3, $0x10000;
	vm1 =	vlt.f32 v5, v4  }
0x25e: {  	vm0 =	vmand vm0, vm1  }
0x25f: {  	v63 =	vmpcnt.ones.xlane vm0;
	_ =	sdelay $0x1  }
0x260: {  	(v2sf) =	vpush v63, $0x0;
	_ =	sdelay $0xb  }
0x261: {  	s20 =	spop @p0 (v2sf)  }
0x262: {  	s20 =	sadd.s32 @p0 s21, s20  }
0x263: {  	s19 =	smov.u32 @p0 s20  }
0x264: {  	[tilespmem:s19+$0x16180] =	vst.msk vm0, v3;
	s31 =	spop (v2sf)  }
0x265: {  	[tilespmem:s19+$0x17200] =	vst.msk vm0, v4;
	s20 =	sadd.s32 s19, s31  }
0x266: {  	p0 =	slt.s32 s20, $0x1  }
.Ltmp18:
0x267: {  	_ = 	snop;
	(pc) =	sbr.rel @p0 .LBB2_34-.Ltmp18, $1  }
0x268: {  	_ =	sdelay $0x3  }
0x269: {  	s21 =	simm.s32 $0x16180;
	p1 =	sne.s32 s20, $0x1  }
.Ltmp19:
0x26a: {  	v3 =	vld [tilespmem:s21+$0x0];
	(pc) =	sbr.rel @!p1 .LBB2_25-.Ltmp19, $2  }
0x26b: {  	_ =	sdelay $0x2  }
0x26c: {  	s19 =	simm.s32 $0x17200;
	s20 =	sadd.s32 $0xFFFFFFFF, s20;
	p0 =	por $0x0, $0x0  }
0x26d: {  	v3 =	vand.u32 $0xFFFF, v3;
	_ =	sdelay $0x3  }
0x26e: {  	v5 =	vld [tilespmem:s19+$0x0]  }
0x26f: {  	v4 =	vld.idx.msk [tilespmem:v3+s3+$0x0], $0xffff;
	_ =	sdelay $0x4  }
0x270: {  	v4 =	vmax.f32 v4, v5  }
0x271: {  	p1 =	sne.s32 s20, $0x1;
	s21 =	simm.s32 $0x16181;
	[tilespmem:v3+s3+$0x0] =	vst.idx.msk $0x1, v4  }
.Ltmp20:
0x272: {  	v3 =	vld [tilespmem:s21+$0x0];
	(pc) =	sbr.rel @!p1 .LBB2_31-.Ltmp20, $2  }
0x273: {  	_ =	sdelay $0x2  }
0x274: {  	s22 =	sadd.s32 $0xFFFFFFFF, s20;
	p0 =	por $0x1, $0x1;
	s20 =	simm.s32 $0x17200  }
.LBB2_32:
0x275: {  	p1 =	sne.s32 s22, $0x1;
	_ =	sdelay $0x3  }
0x276: {  	v3 =	vand.u32 $0xFFFF, v3;
	_ =	sdelay $0x4  }
0x277: {  	s20 =	sadd.s32 $0x1, s20;
	v4 =	vld.idx.msk [tilespmem:v3+s3+$0x0], $0xffff  }
0x278: {  	v5 =	vld [tilespmem:s20+$0x0];
	_ =	sdelay $0x2  }
.Ltmp21:
0x279: {  	(pc) =	sbr.rel @p1 .LBB2_32-.Ltmp21, $4  }
0x27a: {  	_ = 	snop  }
0x27b: {  	v4 =	vmax.f32 v4, v5  }
0x27c: {  	s21 =	sadd.s32 $0x1, s21;
	[tilespmem:v3+s3+$0x0] =	vst.idx.msk $0x1, v4  }
0x27d: {  	s22 =	sadd.s32 $0xFFFFFFFF, s22;
	v3 =	vld [tilespmem:s21+$0x0]  }
.Ltmp22:
0x27e: {  	_ = 	snop;
	(pc) =	sbr.rel .LBB2_33-.Ltmp22, $1  }
0x27f: {  	_ =	sdelay $0x3  }
.LBB2_6:
.Ltmp23:
0x280: {  	(pc) =	sbr.rel .LBB2_13-.Ltmp23, $2  }
0x281: {  	_ =	sdelay $0x2  }
0x282: {  	s22 =	simm.s32 $0x0  }
.LBB2_22:
.Ltmp24:
0x283: {  	(pc) =	sbr.rel .LBB2_29-.Ltmp24, $2  }
0x284: {  	_ =	sdelay $0x2  }
0x285: {  	s21 =	simm.s32 $0x0  }
.LBB2_11:
.Ltmp25:
0x286: {  	(pc) =	sbr.rel .LBB2_13-.Ltmp25, $2  }
0x287: {  	_ =	sdelay $0x2  }
0x288: {  	s22 =	simm.s32 $0x0  }
.LBB2_27:
.Ltmp26:
0x289: {  	(pc) =	sbr.rel .LBB2_29-.Ltmp26, $2  }
0x28a: {  	_ =	sdelay $0x2  }
0x28b: {  	s21 =	simm.s32 $0x0  }
.LBB2_9:
.Ltmp27:
0x28c: {  	(pc) =	sbr.rel .LBB2_17-.Ltmp27, $2  }
0x28d: {  	_ =	sdelay $0x2  }
0x28e: {  	s21 =	simm.s32 $0x17200  }
.LBB2_15:
.Ltmp28:
0x28f: {  	(pc) =	sbr.rel .LBB2_17-.Ltmp28, $2  }
0x290: {  	_ =	sdelay $0x2  }
0x291: {  	s21 =	simm.s32 $0x17200  }
.LBB2_31:
.Ltmp29:
0x292: {  	(pc) =	sbr.rel .LBB2_33-.Ltmp29, $2  }
0x293: {  	_ =	sdelay $0x2  }
0x294: {  	s20 =	simm.s32 $0x17200  }
.LBB2_35:
0x295: {  	s20 =	simm.s32 $0x0  }
0x296: {  	[tilespmem:s13], [sflag:$0x2] =	stream.linear.gather [hbm4b:s6+s20], $0x1000, $0x38;
	[tilespmem:$0x18280] =	vst v63  }
0x297: {  	_ = 	snop  }
0x298: {  	[tilespmem:s14], [sflag:$0x2] =	stream.linear.gather [hbm4b:s7+s20], $0x1000, $0x38;
	[tilespmem:$0x18280] =	vst v63  }
0x299: {  	_ =	swait.ge [sflag:s15], $0x1000  }
0x29a: {  	[sflag:s15] =	ssyncset.done $0x0  }
0x29b: {  	[sflag:s15] =	ssyncadd.s32 $0xFFFFF000  }
0x29c: {  	_ =	swait.ge [sflag:s15], $0x1000  }
0x29d: {  	[sflag:s15] =	ssyncset.done $0x0  }
0x29e: {  	s19 =	simm.s32 $0x100C0;
	[sflag:s15] =	ssyncadd.s32 $0xFFFFF000  }
0x29f: {  	v3 =	vld [tilespmem:s19+$0xFFFFFFC0];
	_ =	sdelay $0x1  }
0x2a0: {  	s18 =	simm.s32 $0x110C0  }
0x2a1: {  	v4 =	vld [tilespmem:s18+$0xFFFFFFC0];
	_ =	sdelay $0x1  }
0x2a2: {  	v3 =	vsub.s32 v3, v0  }
0x2a3: {  	vm0 =	vlt.u32 v3, $0x10000  }
0x2a4: {  	[tilespmem:s20+$0x14080] =	vst.msk vm0, v3;
	v3 =	vmpcnt.ones.xlane vm0  }
0x2a5: {  	[tilespmem:s20+$0x15100] =	vst.msk vm0, v4  }
0x2a6: {  	v4 =	vld [tilespmem:s19+$0xFFFFFFD0];
	(v2sf) =	vpush v3, $0x0;
	_ =	sdelay $0x4  }
0x2a7: {  	v3 =	vsub.s32 v4, v0  }
0x2a8: {  	vm9 =	vlt.u32 v3, $0x10000  }
0x2a9: {  	v4 =	vmpcnt.ones.xlane vm9;
	_ =	sdelay $0x1  }
0x2aa: {  	(v2sf) =	vpush v4, $0x0;
	_ =	sdelay $0x3  }
0x2ab: {  	v4 =	vld [tilespmem:s18+$0xFFFFFFD0];
	_ =	sdelay $0x1  }
0x2ac: {  	s25 =	spop (v2sf)  }
0x2ad: {  	s20 =	sadd.s32 $0x0, s25  }
0x2ae: {  	[tilespmem:s20+$0x14080] =	vst.msk vm9, v3  }
0x2af: {  	[tilespmem:s20+$0x15100] =	vst.msk vm9, v4  }
0x2b0: {  	v3 =	vld [tilespmem:s19+$0xFFFFFFE0];
	_ =	sdelay $0x2  }
0x2b1: {  	v4 =	vld [tilespmem:s18+$0xFFFFFFE0];
	_ =	sdelay $0x1  }
0x2b2: {  	v3 =	vsub.s32 v3, v0;
	s21 =	spop (v2sf)  }
0x2b3: {  	s20 =	sadd.s32 s20, s21;
	vm10 =	vlt.u32 v3, $0x10000  }
0x2b4: {  	[tilespmem:s20+$0x14080] =	vst.msk vm10, v3;
	v3 =	vmpcnt.ones.xlane vm10  }
0x2b5: {  	[tilespmem:s20+$0x15100] =	vst.msk vm10, v4  }
0x2b6: {  	v4 =	vld [tilespmem:s19+$0xFFFFFFF0];
	(v2sf) =	vpush v3, $0x0;
	_ =	sdelay $0x4  }
0x2b7: {  	v3 =	vsub.s32 v4, v0  }
0x2b8: {  	vm11 =	vlt.u32 v3, $0x10000  }
0x2b9: {  	v4 =	vmpcnt.ones.xlane vm11;
	_ =	sdelay $0x1  }
0x2ba: {  	(v2sf) =	vpush v4, $0x0;
	_ =	sdelay $0x3  }
0x2bb: {  	v4 =	vld [tilespmem:s18+$0xFFFFFFF0];
	_ =	sdelay $0x1  }
0x2bc: {  	s26 =	spop (v2sf)  }
0x2bd: {  	s20 =	sadd.s32 s20, s26  }
0x2be: {  	[tilespmem:s20+$0x14080] =	vst.msk vm11, v3  }
0x2bf: {  	[tilespmem:s20+$0x15100] =	vst.msk vm11, v4  }
0x2c0: {  	v3 =	vld [tilespmem:s19+$0x0];
	_ =	sdelay $0x2  }
0x2c1: {  	v4 =	vld [tilespmem:s18+$0x0];
	_ =	sdelay $0x1  }
0x2c2: {  	v3 =	vsub.s32 v3, v0;
	s28 =	spop (v2sf)  }
0x2c3: {  	s20 =	sadd.s32 s20, s28;
	vm12 =	vlt.u32 v3, $0x10000  }
0x2c4: {  	[tilespmem:s20+$0x14080] =	vst.msk vm12, v3;
	v3 =	vmpcnt.ones.xlane vm12  }
0x2c5: {  	[tilespmem:s20+$0x15100] =	vst.msk vm12, v4  }
0x2c6: {  	v4 =	vld [tilespmem:s19+$0x10];
	(v2sf) =	vpush v3, $0x0;
	_ =	sdelay $0x4  }
0x2c7: {  	v3 =	vsub.s32 v4, v0  }
0x2c8: {  	vm13 =	vlt.u32 v3, $0x10000  }
0x2c9: {  	v4 =	vmpcnt.ones.xlane vm13;
	_ =	sdelay $0x1  }
0x2ca: {  	(v2sf) =	vpush v4, $0x0;
	_ =	sdelay $0x3  }
0x2cb: {  	v4 =	vld [tilespmem:s18+$0x10];
	_ =	sdelay $0x1  }
0x2cc: {  	s29 =	spop (v2sf)  }
0x2cd: {  	s20 =	sadd.s32 s20, s29  }
0x2ce: {  	[tilespmem:s20+$0x14080] =	vst.msk vm13, v3  }
0x2cf: {  	[tilespmem:s20+$0x15100] =	vst.msk vm13, v4  }
0x2d0: {  	v3 =	vld [tilespmem:s19+$0x20];
	_ =	sdelay $0x2  }
0x2d1: {  	v4 =	vld [tilespmem:s18+$0x20];
	_ =	sdelay $0x1  }
0x2d2: {  	v3 =	vsub.s32 v3, v0;
	s30 =	spop (v2sf)  }
0x2d3: {  	s20 =	sadd.s32 s20, s30;
	vm14 =	vlt.u32 v3, $0x10000  }
0x2d4: {  	[tilespmem:s20+$0x14080] =	vst.msk vm14, v3;
	v3 =	vmpcnt.ones.xlane vm14  }
0x2d5: {  	[tilespmem:s20+$0x15100] =	vst.msk vm14, v4  }
0x2d6: {  	v4 =	vld [tilespmem:s19+$0x30];
	(v2sf) =	vpush v3, $0x0;
	_ =	sdelay $0x4  }
0x2d7: {  	v3 =	vsub.s32 v4, v0  }
0x2d8: {  	vm15 =	vlt.u32 v3, $0x10000  }
0x2d9: {  	v4 =	vmpcnt.ones.xlane vm15;
	_ =	sdelay $0x1  }
0x2da: {  	(v2sf) =	vpush v4, $0x0;
	_ =	sdelay $0x3  }
0x2db: {  	v4 =	vld [tilespmem:s18+$0x30];
	_ =	sdelay $0x1  }
0x2dc: {  	s31 =	spop (v2sf)  }
0x2dd: {  	s21 =	sadd.s32 s20, s31  }
0x2de: {  	[tilespmem:s21+$0x14080] =	vst.msk vm15, v3  }
0x2df: {  	s19 =	simm.s32 $0x10140;
	[tilespmem:s21+$0x15100] =	vst.msk vm15, v4  }
0x2e0: {  	v4 =	vld [tilespmem:s19+$0xFFFFFFC0];
	_ =	sdelay $0x1  }
0x2e1: {  	s18 =	simm.s32 $0x11140  }
0x2e2: {  	v3 =	vld [tilespmem:s18+$0xFFFFFFC0];
	_ =	sdelay $0x1  }
0x2e3: {  	s20 =	simm.s32 $0x8;
	v4 =	vsub.s32 v4, v0;
	s22 =	spop (v2sf)  }
.LBB2_36:
0x2e4: {  	s20 =	sadd.s32 $0x8, s20;
	vm0 =	vlt.u32 v4, $0x10000;
	s21 =	sadd.s32 s21, s22  }
0x2e5: {  	p0 =	slt.u32 s20, $0xF8;
	[tilespmem:s21+$0x14080] =	vst.msk vm0, v4;
	v4 =	vmpcnt.ones.xlane vm0  }
0x2e6: {  	[tilespmem:s21+$0x15100] =	vst.msk vm0, v3  }
0x2e7: {  	v3 =	vld [tilespmem:s19+$0xFFFFFFD0];
	(v2sf) =	vpush v4, $0x0;
	_ =	sdelay $0x4  }
0x2e8: {  	v3 =	vsub.s32 v3, v0  }
0x2e9: {  	vm0 =	vlt.u32 v3, $0x10000  }
0x2ea: {  	v4 =	vmpcnt.ones.xlane vm0;
	_ =	sdelay $0x1  }
0x2eb: {  	(v2sf) =	vpush v4, $0x0;
	_ =	sdelay $0x3  }
0x2ec: {  	v4 =	vld [tilespmem:s18+$0xFFFFFFD0];
	_ =	sdelay $0x1  }
0x2ed: {  	s22 =	spop (v2sf)  }
0x2ee: {  	s21 =	sadd.s32 s21, s22  }
0x2ef: {  	[tilespmem:s21+$0x14080] =	vst.msk vm0, v3  }
0x2f0: {  	[tilespmem:s21+$0x15100] =	vst.msk vm0, v4  }
0x2f1: {  	v3 =	vld [tilespmem:s19+$0xFFFFFFE0];
	_ =	sdelay $0x2  }
0x2f2: {  	v4 =	vld [tilespmem:s18+$0xFFFFFFE0];
	_ =	sdelay $0x1  }
0x2f3: {  	v3 =	vsub.s32 v3, v0;
	s22 =	spop (v2sf)  }
0x2f4: {  	s21 =	sadd.s32 s21, s22;
	vm0 =	vlt.u32 v3, $0x10000  }
0x2f5: {  	[tilespmem:s21+$0x14080] =	vst.msk vm0, v3;
	v3 =	vmpcnt.ones.xlane vm0  }
0x2f6: {  	[tilespmem:s21+$0x15100] =	vst.msk vm0, v4  }
0x2f7: {  	v4 =	vld [tilespmem:s19+$0xFFFFFFF0];
	(v2sf) =	vpush v3, $0x0;
	_ =	sdelay $0x4  }
0x2f8: {  	v3 =	vsub.s32 v4, v0  }
0x2f9: {  	vm0 =	vlt.u32 v3, $0x10000  }
0x2fa: {  	v4 =	vmpcnt.ones.xlane vm0;
	_ =	sdelay $0x1  }
0x2fb: {  	(v2sf) =	vpush v4, $0x0;
	_ =	sdelay $0x3  }
0x2fc: {  	v4 =	vld [tilespmem:s18+$0xFFFFFFF0];
	_ =	sdelay $0x1  }
0x2fd: {  	s22 =	spop (v2sf)  }
0x2fe: {  	s21 =	sadd.s32 s21, s22  }
0x2ff: {  	[tilespmem:s21+$0x14080] =	vst.msk vm0, v3  }
0x300: {  	[tilespmem:s21+$0x15100] =	vst.msk vm0, v4  }
0x301: {  	v3 =	vld [tilespmem:s19+$0x0];
	_ =	sdelay $0x2  }
0x302: {  	v4 =	vld [tilespmem:s18+$0x0];
	_ =	sdelay $0x1  }
0x303: {  	v3 =	vsub.s32 v3, v0;
	s22 =	spop (v2sf)  }
0x304: {  	s21 =	sadd.s32 s21, s22;
	vm0 =	vlt.u32 v3, $0x10000  }
0x305: {  	[tilespmem:s21+$0x14080] =	vst.msk vm0, v3;
	v3 =	vmpcnt.ones.xlane vm0  }
0x306: {  	[tilespmem:s21+$0x15100] =	vst.msk vm0, v4  }
0x307: {  	v4 =	vld [tilespmem:s19+$0x10];
	(v2sf) =	vpush v3, $0x0  }
0x308: {  	v3 =	vld [tilespmem:s18+$0x10];
	_ =	sdelay $0x3  }
0x309: {  	v4 =	vsub.s32 v4, v0  }
0x30a: {  	vm0 =	vlt.u32 v4, $0x10000  }
0x30b: {  	v5 =	vmpcnt.ones.xlane vm0;
	_ =	sdelay $0x1  }
0x30c: {  	(v2sf) =	vpush v5, $0x0;
	_ =	sdelay $0x5  }
0x30d: {  	s22 =	spop (v2sf)  }
0x30e: {  	s21 =	sadd.s32 s21, s22  }
0x30f: {  	[tilespmem:s21+$0x14080] =	vst.msk vm0, v4  }
0x310: {  	[tilespmem:s21+$0x15100] =	vst.msk vm0, v3  }
0x311: {  	v3 =	vld [tilespmem:s19+$0x20]  }
0x312: {  	v4 =	vld [tilespmem:s18+$0x20];
	_ =	sdelay $0x3  }
0x313: {  	v3 =	vsub.s32 v3, v0;
	s22 =	spop (v2sf)  }
0x314: {  	s21 =	sadd.s32 s21, s22;
	vm0 =	vlt.u32 v3, $0x10000  }
0x315: {  	[tilespmem:s21+$0x14080] =	vst.msk vm0, v3;
	v3 =	vmpcnt.ones.xlane vm0  }
0x316: {  	[tilespmem:s21+$0x15100] =	vst.msk vm0, v4  }
0x317: {  	v4 =	vld [tilespmem:s19+$0x30];
	(v2sf) =	vpush v3, $0x0  }
0x318: {  	v3 =	vld [tilespmem:s18+$0x30];
	_ =	sdelay $0x3  }
0x319: {  	v4 =	vsub.s32 v4, v0  }
0x31a: {  	vm0 =	vlt.u32 v4, $0x10000  }
0x31b: {  	v5 =	vmpcnt.ones.xlane vm0;
	_ =	sdelay $0x1  }
0x31c: {  	(v2sf) =	vpush v5, $0x0;
	_ =	sdelay $0x5  }
0x31d: {  	s22 =	spop (v2sf)  }
0x31e: {  	s21 =	sadd.s32 s21, s22  }
0x31f: {  	[tilespmem:s21+$0x14080] =	vst.msk vm0, v4  }
0x320: {  	s19 =	sadd.s32 $0x80, s19;
	[tilespmem:s21+$0x15100] =	vst.msk vm0, v3  }
0x321: {  	v4 =	vld [tilespmem:s19+$0xFFFFFFC0]  }
.Ltmp30:
0x322: {  	(pc) =	sbr.rel @p0 .LBB2_36-.Ltmp30, $3  }
0x323: {  	s18 =	sadd.s32 $0x80, s18  }
0x324: {  	v3 =	vld [tilespmem:s18+$0xFFFFFFC0];
	_ =	sdelay $0x1  }
0x325: {  	v4 =	vsub.s32 v4, v0;
	s22 =	spop (v2sf)  }
0x326: {  	vm0 =	vlt.u32 v4, $0x10000;
	s20 =	sadd.s32 s21, s22  }
0x327: {  	[tilespmem:s20+$0x14080] =	vst.msk vm0, v4;
	v55 =	vmpcnt.ones.xlane vm0  }
0x328: {  	[tilespmem:s20+$0x15100] =	vst.msk vm0, v3  }
0x329: {  	v3 =	vld [tilespmem:s19+$0xFFFFFFD0];
	(v2sf) =	vpush v55, $0x0;
	_ =	sdelay $0x4  }
0x32a: {  	v3 =	vsub.s32 v3, v0  }
0x32b: {  	vm9 =	vlt.u32 v3, $0x10000  }
0x32c: {  	v56 =	vmpcnt.ones.xlane vm9;
	_ =	sdelay $0x1  }
0x32d: {  	(v2sf) =	vpush v56, $0x0;
	_ =	sdelay $0x3  }
0x32e: {  	v57 =	vld [tilespmem:s18+$0xFFFFFFD0];
	_ =	sdelay $0x1  }
0x32f: {  	s29 =	spop (v2sf)  }
0x330: {  	s20 =	sadd.s32 s20, s29  }
0x331: {  	[tilespmem:s20+$0x14080] =	vst.msk vm9, v3  }
0x332: {  	[tilespmem:s20+$0x15100] =	vst.msk vm9, v57  }
0x333: {  	v3 =	vld [tilespmem:s19+$0xFFFFFFE0];
	_ =	sdelay $0x2  }
0x334: {  	v4 =	vld [tilespmem:s18+$0xFFFFFFE0];
	_ =	sdelay $0x1  }
0x335: {  	v3 =	vsub.s32 v3, v0;
	s30 =	spop (v2sf)  }
0x336: {  	s20 =	sadd.s32 s20, s30;
	vm10 =	vlt.u32 v3, $0x10000  }
0x337: {  	[tilespmem:s20+$0x14080] =	vst.msk vm10, v3;
	v3 =	vmpcnt.ones.xlane vm10  }
0x338: {  	[tilespmem:s20+$0x15100] =	vst.msk vm10, v4  }
0x339: {  	v4 =	vld [tilespmem:s19+$0xFFFFFFF0];
	(v2sf) =	vpush v3, $0x0;
	_ =	sdelay $0x4  }
0x33a: {  	v3 =	vsub.s32 v4, v0  }
0x33b: {  	vm11 =	vlt.u32 v3, $0x10000  }
0x33c: {  	v58 =	vmpcnt.ones.xlane vm11;
	_ =	sdelay $0x1  }
0x33d: {  	(v2sf) =	vpush v58, $0x0;
	_ =	sdelay $0x3  }
0x33e: {  	v59 =	vld [tilespmem:s18+$0xFFFFFFF0];
	_ =	sdelay $0x1  }
0x33f: {  	s31 =	spop (v2sf)  }
0x340: {  	s20 =	sadd.s32 s20, s31  }
0x341: {  	[tilespmem:s20+$0x14080] =	vst.msk vm11, v3  }
0x342: {  	[tilespmem:s20+$0x15100] =	vst.msk vm11, v59  }
0x343: {  	v3 =	vld [tilespmem:s19+$0x0];
	_ =	sdelay $0x2  }
0x344: {  	v4 =	vld [tilespmem:s18+$0x0];
	_ =	sdelay $0x1  }
0x345: {  	v3 =	vsub.s32 v3, v0;
	s22 =	spop (v2sf)  }
0x346: {  	s20 =	sadd.s32 s20, s22;
	vm12 =	vlt.u32 v3, $0x10000  }
0x347: {  	[tilespmem:s20+$0x14080] =	vst.msk vm12, v3;
	v3 =	vmpcnt.ones.xlane vm12  }
0x348: {  	[tilespmem:s20+$0x15100] =	vst.msk vm12, v4  }
0x349: {  	v4 =	vld [tilespmem:s19+$0x10];
	(v2sf) =	vpush v3, $0x0;
	_ =	sdelay $0x4  }
0x34a: {  	v3 =	vsub.s32 v4, v0  }
0x34b: {  	vm13 =	vlt.u32 v3, $0x10000  }
0x34c: {  	v60 =	vmpcnt.ones.xlane vm13;
	_ =	sdelay $0x1  }
0x34d: {  	(v2sf) =	vpush v60, $0x0;
	_ =	sdelay $0x3  }
0x34e: {  	v61 =	vld [tilespmem:s18+$0x10];
	_ =	sdelay $0x1  }
0x34f: {  	s23 =	spop (v2sf)  }
0x350: {  	s20 =	sadd.s32 s20, s23  }
0x351: {  	[tilespmem:s20+$0x14080] =	vst.msk vm13, v3  }
0x352: {  	[tilespmem:s20+$0x15100] =	vst.msk vm13, v61  }
0x353: {  	v3 =	vld [tilespmem:s19+$0x20];
	_ =	sdelay $0x2  }
0x354: {  	v4 =	vld [tilespmem:s18+$0x20];
	_ =	sdelay $0x1  }
0x355: {  	v3 =	vsub.s32 v3, v0;
	s24 =	spop (v2sf)  }
0x356: {  	s20 =	sadd.s32 s20, s24;
	vm14 =	vlt.u32 v3, $0x10000  }
0x357: {  	[tilespmem:s20+$0x14080] =	vst.msk vm14, v3  }
0x358: {  	[tilespmem:s20+$0x15100] =	vst.msk vm14, v4  }
0x359: {  	v3 =	vld [tilespmem:s19+$0x30];
	_ =	sdelay $0x4  }
0x35a: {  	v3 =	vsub.s32 v3, v0  }
0x35b: {  	v62 =	vmpcnt.ones.xlane vm14;
	vm15 =	vlt.u32 v3, $0x10000  }
0x35c: {  	v5 =	vmpcnt.ones.xlane vm15  }
0x35d: {  	(v2sf) =	vpush v62, $0x0  }
0x35e: {  	(v2sf) =	vpush v5, $0x0;
	_ =	sdelay $0xd  }
0x35f: {  	s25 =	spop (v2sf)  }
0x360: {  	s19 =	sadd.s32 s20, s25;
	s26 =	spop (v2sf)  }
0x361: {  	s20 =	sadd.s32 s19, s26  }
0x362: {  	s28 =	sand.u32 $0xF, s20  }
0x363: {  	s29 =	sshra.s32 s20, $0x1F;
	p0 =	slt.s32 s20, $0x1;
	p1 =	sne.s32 s28, $0x0  }
0x364: {  	s30 =	sshrl.u32 s29, $0x1C;
	p0 =	por !p0, !p1  }
0x365: {  	s21 =	simm.s32 $0x1;
	v63 =	vld [tilespmem:s18+$0x30];
	s18 =	sadd.s32 s30, s20;
	p0 =	por !p0, !p0  }
0x366: {  	s18 =	sshra.s32 s18, $0x4;
	s21 =	simm.s32 @!p0 $0x0  }
0x367: {  	s31 =	ssub.s32 s18, s21  }
0x368: {  	p1 =	slt.s32 s31, $0x0  }
.Ltmp31:
0x369: {  	_ = 	snop;
	(pc) =	sbr.rel @p1 .LBB2_51-.Ltmp31, $4  }
0x36a: {  	[tilespmem:s19+$0x14080] =	vst.msk vm15, v3  }
0x36b: {  	[tilespmem:s19+$0x15100] =	vst.msk vm15, v63  }
0x36c: {  	[tilespmem:s20+$0x14080] =	vst v1  }
0x36d: {  	[tilespmem:s20+$0x15100] =	vst v2  }
0x36e: {  	s19 =	simm.s32 $0xFFFFFFFF  }
0x36f: {  	s19 =	simm.s32 @!p0 $0x0  }
0x370: {  	s18 =	sadd.s32 s19, s18  }
0x371: {  	s20 =	sadd.s32 $0x1, s18  }
0x372: {  	p1 =	seq.s32 s20, $0x1  }
.Ltmp32:
0x373: {  	_ = 	snop;
	(pc) =	sbr.rel @p1 .LBB2_39-.Ltmp32, $3  }
0x374: {  	_ =	sdelay $0x1  }
0x375: {  	s21 =	simm.s32 $0x14080;
	p0 =	por $0x0, $0x0  }
0x376: {  	v3 =	vld [tilespmem:s21+$0x0];
	s19 =	simm.s32 $0x15100;
	s18 =	simm.s32 $0x0;
	s20 =	sadd.s32 $0xFFFFFFFF, s20  }
0x377: {  	_ =	sdelay $0x6  }
0x378: {  	v4 =	vld [tilespmem:s19+$0x0]  }
0x379: {  	v5 =	vld.idx.msk [tilespmem:v3+s3+$0x0], $0xffff;
	_ =	sdelay $0x4  }
0x37a: {  	v5 =	vmax.f32 v5, v4  }
0x37b: {  	[tilespmem:v3+s3+$0x0] =	vst.idx.msk $0xffff, v5  }
0x37c: {  	v5 =	vld.idx.msk [tilespmem:v3+s3+$0x0], $0xffff;
	_ =	sdelay $0x3  }
0x37d: {  	p1 =	seq.s32 s20, $0x1  }
.Ltmp33:
0x37e: {  	vm0 =	vlt.s32 v3, $0x10000;
	vm1 =	vlt.f32 v5, v4;
	(pc) =	sbr.rel @p1 .LBB2_44-.Ltmp33, $4  }
0x37f: {  	vm0 =	vmand vm0, vm1  }
0x380: {  	[tilespmem:s18+$0x16180] =	vst.msk vm0, v3;
	v5 =	vmpcnt.ones.xlane vm0  }
0x381: {  	s21 =	simm.s32 $0x14090;
	s22 =	sadd.s32 $0xFFFFFFFF, s20;
	[tilespmem:s18+$0x17200] =	vst.msk vm0, v4  }
0x382: {  	s19 =	simm.s32 $0x15110;
	p0 =	por $0x1, $0x1;
	s20 =	simm.s32 $0x0;
	v3 =	vld [tilespmem:s21+$0x0];
	(v2sf) =	vpush v5, $0x0  }
.LBB2_45:
0x383: {  	p1 =	seq.s32 s22, $0x1;
	v4 =	vld [tilespmem:s19+$0x0];
	_ =	sdelay $0x3  }
0x384: {  	vm0 =	vlt.s32 v3, $0x10000;
	_ =	sdelay $0x2  }
0x385: {  	v5 =	vld.idx.msk [tilespmem:v3+s3+$0x0], $0xffff;
	_ =	sdelay $0x5  }
0x386: {  	v5 =	vmax.f32 v5, v4  }
0x387: {  	[tilespmem:v3+s3+$0x0] =	vst.idx.msk $0xffff, v5;
	s23 =	spop (v2sf)  }
0x388: {  	v5 =	vld.idx.msk [tilespmem:v3+s3+$0x0], $0xffff;
	s20 =	sadd.s32 s20, s23;
	_ =	sdelay $0x5  }
.Ltmp34:
0x389: {  	vm1 =	vlt.f32 v5, v4;
	(pc) =	sbr.rel @!p1 .LBB2_45-.Ltmp34, $4  }
0x38a: {  	vm0 =	vmand vm0, vm1  }
0x38b: {  	v5 =	vmpcnt.ones.xlane vm0;
	[tilespmem:s20+$0x16180] =	vst.msk vm0, v3  }
0x38c: {  	s21 =	sadd.s32 $0x10, s21;
	[tilespmem:s20+$0x17200] =	vst.msk vm0, v4  }
0x38d: {  	s22 =	sadd.s32 $0xFFFFFFFF, s22;
	s19 =	sadd.s32 $0x10, s19;
	v3 =	vld [tilespmem:s21+$0x0];
	(v2sf) =	vpush v5, $0x0  }
.LBB2_46:
0x38e: {  	_ =	sdelay $0x6  }
0x38f: {  	v4 =	vld [tilespmem:s19+$0x0]  }
0x390: {  	v5 =	vld.idx.msk [tilespmem:v3+s3+$0x0], $0xffff;
	_ =	sdelay $0x4  }
0x391: {  	v5 =	vmax.f32 v5, v4  }
0x392: {  	[tilespmem:v3+s3+$0x0] =	vst.idx.msk $0xffff, v5  }
0x393: {  	v5 =	vld.idx.msk [tilespmem:v3+s3+$0x0], $0xffff;
	_ =	sdelay $0x4  }
0x394: {  	vm0 =	vlt.s32 v3, $0x10000;
	vm1 =	vlt.f32 v5, v4  }
0x395: {  	vm0 =	vmand vm0, vm1  }
0x396: {  	v63 =	vmpcnt.ones.xlane vm0;
	_ =	sdelay $0x1  }
0x397: {  	(v2sf) =	vpush v63, $0x0;
	_ =	sdelay $0xb  }
0x398: {  	s19 =	spop @p0 (v2sf)  }
0x399: {  	s19 =	sadd.s32 @p0 s20, s19  }
0x39a: {  	s18 =	smov.u32 @p0 s19  }
0x39b: {  	[tilespmem:s18+$0x16180] =	vst.msk vm0, v3;
	s31 =	spop (v2sf)  }
0x39c: {  	[tilespmem:s18+$0x17200] =	vst.msk vm0, v4;
	s19 =	sadd.s32 s18, s31  }
0x39d: {  	p0 =	slt.s32 s19, $0x1  }
.Ltmp35:
0x39e: {  	_ = 	snop;
	(pc) =	sbr.rel @p0 .LBB2_51-.Ltmp35, $1  }
0x39f: {  	_ =	sdelay $0x3  }
0x3a0: {  	p1 =	sne.s32 s19, $0x1  }
.Ltmp36:
0x3a1: {  	_ = 	snop;
	(pc) =	sbr.rel @!p1 .LBB2_42-.Ltmp36, $3  }
0x3a2: {  	_ =	sdelay $0x1  }
0x3a3: {  	s20 =	simm.s32 $0x16180  }
0x3a4: {  	s18 =	simm.s32 $0x17200;
	s19 =	sadd.s32 $0xFFFFFFFF, s19;
	p0 =	por $0x0, $0x0;
	v3 =	vld [tilespmem:s20+$0x0]  }
0x3a5: {  	_ =	sdelay $0x3  }
0x3a6: {  	v3 =	vand.u32 $0xFFFF, v3;
	_ =	sdelay $0x3  }
0x3a7: {  	v5 =	vld [tilespmem:s18+$0x0]  }
0x3a8: {  	v4 =	vld.idx.msk [tilespmem:v3+s3+$0x0], $0xffff;
	_ =	sdelay $0x1  }
0x3a9: {  	p1 =	sne.s32 s19, $0x1  }
.Ltmp37:
0x3aa: {  	_ = 	snop;
	(pc) =	sbr.rel @!p1 .LBB2_48-.Ltmp37, $4  }
0x3ab: {  	_ = 	snop  }
0x3ac: {  	v4 =	vmax.f32 v4, v5  }
0x3ad: {  	s20 =	simm.s32 $0x16181;
	[tilespmem:v3+s3+$0x0] =	vst.idx.msk $0x1, v4  }
0x3ae: {  	s21 =	sadd.s32 $0xFFFFFFFF, s19;
	p0 =	por $0x1, $0x1;
	s19 =	simm.s32 $0x17200;
	v3 =	vld [tilespmem:s20+$0x0]  }
.LBB2_49:
0x3af: {  	p1 =	sne.s32 s21, $0x1;
	_ =	sdelay $0x3  }
0x3b0: {  	v3 =	vand.u32 $0xFFFF, v3;
	_ =	sdelay $0x4  }
0x3b1: {  	s19 =	sadd.s32 $0x1, s19;
	v4 =	vld.idx.msk [tilespmem:v3+s3+$0x0], $0xffff  }
0x3b2: {  	v5 =	vld [tilespmem:s19+$0x0];
	_ =	sdelay $0x2  }
.Ltmp38:
0x3b3: {  	(pc) =	sbr.rel @p1 .LBB2_49-.Ltmp38, $4  }
0x3b4: {  	_ = 	snop  }
0x3b5: {  	v4 =	vmax.f32 v4, v5  }
0x3b6: {  	s20 =	sadd.s32 $0x1, s20;
	[tilespmem:v3+s3+$0x0] =	vst.idx.msk $0x1, v4  }
0x3b7: {  	s21 =	sadd.s32 $0xFFFFFFFF, s21;
	v3 =	vld [tilespmem:s20+$0x0]  }
.LBB2_50:
0x3b8: {  	_ =	sdelay $0x3  }
0x3b9: {  	v3 =	vand.u32 $0xFFFF, v3;
	_ =	sdelay $0x1  }
0x3ba: {  	s19 =	sadd.s32 @p0 $0x1, s19  }
0x3bb: {  	s18 =	smov.u32 @p0 s19  }
0x3bc: {  	v5 =	vld [tilespmem:s18+$0x0]  }
0x3bd: {  	v4 =	vld.idx.msk [tilespmem:v3+s3+$0x0], $0xffff;
	_ =	sdelay $0x4  }
0x3be: {  	v4 =	vmax.f32 v4, v5  }
0x3bf: {  	[tilespmem:v3+s3+$0x0] =	vst.idx.msk $0x1, v4  }
.LBB2_51:
0x3c0: {  	_ =	swait.ge [sflag:s16], $0x1000  }
0x3c1: {  	[sflag:s16] =	ssyncset.done $0x0  }
0x3c2: {  	[sflag:s16] =	ssyncadd.s32 $0xFFFFF000  }
0x3c3: {  	_ =	swait.ge [sflag:s16], $0x1000  }
0x3c4: {  	[sflag:s16] =	ssyncset.done $0x0  }
0x3c5: {  	s19 =	simm.s32 $0x120C0;
	[sflag:s16] =	ssyncadd.s32 $0xFFFFF000  }
0x3c6: {  	v3 =	vld [tilespmem:s19+$0xFFFFFFC0];
	_ =	sdelay $0x1  }
0x3c7: {  	s18 =	simm.s32 $0x130C0  }
0x3c8: {  	v4 =	vld [tilespmem:s18+$0xFFFFFFC0];
	_ =	sdelay $0x1  }
0x3c9: {  	v3 =	vsub.s32 v3, v0  }
0x3ca: {  	s20 =	simm.s32 $0x0;
	vm0 =	vlt.u32 v3, $0x10000  }
0x3cb: {  	[tilespmem:s20+$0x14080] =	vst.msk vm0, v3;
	v3 =	vmpcnt.ones.xlane vm0  }
0x3cc: {  	[tilespmem:s20+$0x15100] =	vst.msk vm0, v4  }
0x3cd: {  	v4 =	vld [tilespmem:s19+$0xFFFFFFD0];
	(v2sf) =	vpush v3, $0x0;
	_ =	sdelay $0x4  }
0x3ce: {  	v3 =	vsub.s32 v4, v0  }
0x3cf: {  	vm9 =	vlt.u32 v3, $0x10000  }
0x3d0: {  	v4 =	vmpcnt.ones.xlane vm9;
	_ =	sdelay $0x1  }
0x3d1: {  	(v2sf) =	vpush v4, $0x0;
	_ =	sdelay $0x3  }
0x3d2: {  	v4 =	vld [tilespmem:s18+$0xFFFFFFD0];
	_ =	sdelay $0x1  }
0x3d3: {  	s25 =	spop (v2sf)  }
0x3d4: {  	s20 =	sadd.s32 $0x0, s25  }
0x3d5: {  	[tilespmem:s20+$0x14080] =	vst.msk vm9, v3  }
0x3d6: {  	[tilespmem:s20+$0x15100] =	vst.msk vm9, v4  }
0x3d7: {  	v3 =	vld [tilespmem:s19+$0xFFFFFFE0];
	_ =	sdelay $0x2  }
0x3d8: {  	v4 =	vld [tilespmem:s18+$0xFFFFFFE0];
	_ =	sdelay $0x1  }
0x3d9: {  	v3 =	vsub.s32 v3, v0;
	s21 =	spop (v2sf)  }
0x3da: {  	s20 =	sadd.s32 s20, s21;
	vm10 =	vlt.u32 v3, $0x10000  }
0x3db: {  	[tilespmem:s20+$0x14080] =	vst.msk vm10, v3;
	v3 =	vmpcnt.ones.xlane vm10  }
0x3dc: {  	[tilespmem:s20+$0x15100] =	vst.msk vm10, v4  }
0x3dd: {  	v4 =	vld [tilespmem:s19+$0xFFFFFFF0];
	(v2sf) =	vpush v3, $0x0;
	_ =	sdelay $0x4  }
0x3de: {  	v3 =	vsub.s32 v4, v0  }
0x3df: {  	vm11 =	vlt.u32 v3, $0x10000  }
0x3e0: {  	v4 =	vmpcnt.ones.xlane vm11;
	_ =	sdelay $0x1  }
0x3e1: {  	(v2sf) =	vpush v4, $0x0;
	_ =	sdelay $0x3  }
0x3e2: {  	v4 =	vld [tilespmem:s18+$0xFFFFFFF0];
	_ =	sdelay $0x1  }
0x3e3: {  	s26 =	spop (v2sf)  }
0x3e4: {  	s20 =	sadd.s32 s20, s26  }
0x3e5: {  	[tilespmem:s20+$0x14080] =	vst.msk vm11, v3  }
0x3e6: {  	[tilespmem:s20+$0x15100] =	vst.msk vm11, v4  }
0x3e7: {  	v3 =	vld [tilespmem:s19+$0x0];
	_ =	sdelay $0x2  }
0x3e8: {  	v4 =	vld [tilespmem:s18+$0x0];
	_ =	sdelay $0x1  }
0x3e9: {  	v3 =	vsub.s32 v3, v0;
	s28 =	spop (v2sf)  }
0x3ea: {  	s20 =	sadd.s32 s20, s28;
	vm12 =	vlt.u32 v3, $0x10000  }
0x3eb: {  	[tilespmem:s20+$0x14080] =	vst.msk vm12, v3;
	v3 =	vmpcnt.ones.xlane vm12  }
0x3ec: {  	[tilespmem:s20+$0x15100] =	vst.msk vm12, v4  }
0x3ed: {  	v4 =	vld [tilespmem:s19+$0x10];
	(v2sf) =	vpush v3, $0x0;
	_ =	sdelay $0x4  }
0x3ee: {  	v3 =	vsub.s32 v4, v0  }
0x3ef: {  	vm13 =	vlt.u32 v3, $0x10000  }
0x3f0: {  	v4 =	vmpcnt.ones.xlane vm13;
	_ =	sdelay $0x1  }
0x3f1: {  	(v2sf) =	vpush v4, $0x0;
	_ =	sdelay $0x3  }
0x3f2: {  	v4 =	vld [tilespmem:s18+$0x10];
	_ =	sdelay $0x1  }
0x3f3: {  	s29 =	spop (v2sf)  }
0x3f4: {  	s20 =	sadd.s32 s20, s29  }
0x3f5: {  	[tilespmem:s20+$0x14080] =	vst.msk vm13, v3  }
0x3f6: {  	[tilespmem:s20+$0x15100] =	vst.msk vm13, v4  }
0x3f7: {  	v3 =	vld [tilespmem:s19+$0x20];
	_ =	sdelay $0x2  }
0x3f8: {  	v4 =	vld [tilespmem:s18+$0x20];
	_ =	sdelay $0x1  }
0x3f9: {  	v3 =	vsub.s32 v3, v0;
	s30 =	spop (v2sf)  }
0x3fa: {  	s20 =	sadd.s32 s20, s30;
	vm14 =	vlt.u32 v3, $0x10000  }
0x3fb: {  	[tilespmem:s20+$0x14080] =	vst.msk vm14, v3;
	v3 =	vmpcnt.ones.xlane vm14  }
0x3fc: {  	[tilespmem:s20+$0x15100] =	vst.msk vm14, v4  }
0x3fd: {  	v4 =	vld [tilespmem:s19+$0x30];
	(v2sf) =	vpush v3, $0x0;
	_ =	sdelay $0x4  }
0x3fe: {  	v3 =	vsub.s32 v4, v0  }
0x3ff: {  	vm15 =	vlt.u32 v3, $0x10000  }
0x400: {  	v4 =	vmpcnt.ones.xlane vm15;
	_ =	sdelay $0x1  }
0x401: {  	(v2sf) =	vpush v4, $0x0;
	_ =	sdelay $0x3  }
0x402: {  	v4 =	vld [tilespmem:s18+$0x30];
	_ =	sdelay $0x1  }
0x403: {  	s31 =	spop (v2sf)  }
0x404: {  	s21 =	sadd.s32 s20, s31  }
0x405: {  	[tilespmem:s21+$0x14080] =	vst.msk vm15, v3  }
0x406: {  	s19 =	simm.s32 $0x12140;
	[tilespmem:s21+$0x15100] =	vst.msk vm15, v4  }
0x407: {  	v4 =	vld [tilespmem:s19+$0xFFFFFFC0];
	_ =	sdelay $0x1  }
0x408: {  	s18 =	simm.s32 $0x13140  }
0x409: {  	v3 =	vld [tilespmem:s18+$0xFFFFFFC0];
	_ =	sdelay $0x1  }
0x40a: {  	s20 =	simm.s32 $0x8;
	v4 =	vsub.s32 v4, v0;
	s22 =	spop (v2sf)  }
.LBB2_52:
0x40b: {  	s20 =	sadd.s32 $0x8, s20;
	vm0 =	vlt.u32 v4, $0x10000;
	s21 =	sadd.s32 s21, s22  }
0x40c: {  	p0 =	slt.u32 s20, $0xF8;
	[tilespmem:s21+$0x14080] =	vst.msk vm0, v4;
	v4 =	vmpcnt.ones.xlane vm0  }
0x40d: {  	[tilespmem:s21+$0x15100] =	vst.msk vm0, v3  }
0x40e: {  	v3 =	vld [tilespmem:s19+$0xFFFFFFD0];
	(v2sf) =	vpush v4, $0x0;
	_ =	sdelay $0x4  }
0x40f: {  	v3 =	vsub.s32 v3, v0  }
0x410: {  	vm0 =	vlt.u32 v3, $0x10000  }
0x411: {  	v4 =	vmpcnt.ones.xlane vm0;
	_ =	sdelay $0x1  }
0x412: {  	(v2sf) =	vpush v4, $0x0;
	_ =	sdelay $0x3  }
0x413: {  	v4 =	vld [tilespmem:s18+$0xFFFFFFD0];
	_ =	sdelay $0x1  }
0x414: {  	s22 =	spop (v2sf)  }
0x415: {  	s21 =	sadd.s32 s21, s22  }
0x416: {  	[tilespmem:s21+$0x14080] =	vst.msk vm0, v3  }
0x417: {  	[tilespmem:s21+$0x15100] =	vst.msk vm0, v4  }
0x418: {  	v3 =	vld [tilespmem:s19+$0xFFFFFFE0];
	_ =	sdelay $0x2  }
0x419: {  	v4 =	vld [tilespmem:s18+$0xFFFFFFE0];
	_ =	sdelay $0x1  }
0x41a: {  	v3 =	vsub.s32 v3, v0;
	s22 =	spop (v2sf)  }
0x41b: {  	s21 =	sadd.s32 s21, s22;
	vm0 =	vlt.u32 v3, $0x10000  }
0x41c: {  	[tilespmem:s21+$0x14080] =	vst.msk vm0, v3;
	v3 =	vmpcnt.ones.xlane vm0  }
0x41d: {  	[tilespmem:s21+$0x15100] =	vst.msk vm0, v4  }
0x41e: {  	v4 =	vld [tilespmem:s19+$0xFFFFFFF0];
	(v2sf) =	vpush v3, $0x0;
	_ =	sdelay $0x4  }
0x41f: {  	v3 =	vsub.s32 v4, v0  }
0x420: {  	vm0 =	vlt.u32 v3, $0x10000  }
0x421: {  	v4 =	vmpcnt.ones.xlane vm0;
	_ =	sdelay $0x1  }
0x422: {  	(v2sf) =	vpush v4, $0x0;
	_ =	sdelay $0x3  }
0x423: {  	v4 =	vld [tilespmem:s18+$0xFFFFFFF0];
	_ =	sdelay $0x1  }
0x424: {  	s22 =	spop (v2sf)  }
0x425: {  	s21 =	sadd.s32 s21, s22  }
0x426: {  	[tilespmem:s21+$0x14080] =	vst.msk vm0, v3  }
0x427: {  	[tilespmem:s21+$0x15100] =	vst.msk vm0, v4  }
0x428: {  	v3 =	vld [tilespmem:s19+$0x0];
	_ =	sdelay $0x2  }
0x429: {  	v4 =	vld [tilespmem:s18+$0x0];
	_ =	sdelay $0x1  }
0x42a: {  	v3 =	vsub.s32 v3, v0;
	s22 =	spop (v2sf)  }
0x42b: {  	s21 =	sadd.s32 s21, s22;
	vm0 =	vlt.u32 v3, $0x10000  }
0x42c: {  	[tilespmem:s21+$0x14080] =	vst.msk vm0, v3;
	v3 =	vmpcnt.ones.xlane vm0  }
0x42d: {  	[tilespmem:s21+$0x15100] =	vst.msk vm0, v4  }
0x42e: {  	v4 =	vld [tilespmem:s19+$0x10];
	(v2sf) =	vpush v3, $0x0  }
0x42f: {  	v3 =	vld [tilespmem:s18+$0x10];
	_ =	sdelay $0x3  }
0x430: {  	v4 =	vsub.s32 v4, v0  }
0x431: {  	vm0 =	vlt.u32 v4, $0x10000  }
0x432: {  	v5 =	vmpcnt.ones.xlane vm0;
	_ =	sdelay $0x1  }
0x433: {  	(v2sf) =	vpush v5, $0x0;
	_ =	sdelay $0x5  }
0x434: {  	s22 =	spop (v2sf)  }
0x435: {  	s21 =	sadd.s32 s21, s22  }
0x436: {  	[tilespmem:s21+$0x14080] =	vst.msk vm0, v4  }
0x437: {  	[tilespmem:s21+$0x15100] =	vst.msk vm0, v3  }
0x438: {  	v3 =	vld [tilespmem:s19+$0x20]  }
0x439: {  	v4 =	vld [tilespmem:s18+$0x20];
	_ =	sdelay $0x3  }
0x43a: {  	v3 =	vsub.s32 v3, v0;
	s22 =	spop (v2sf)  }
0x43b: {  	s21 =	sadd.s32 s21, s22;
	vm0 =	vlt.u32 v3, $0x10000  }
0x43c: {  	[tilespmem:s21+$0x14080] =	vst.msk vm0, v3;
	v3 =	vmpcnt.ones.xlane vm0  }
0x43d: {  	[tilespmem:s21+$0x15100] =	vst.msk vm0, v4  }
0x43e: {  	v4 =	vld [tilespmem:s19+$0x30];
	(v2sf) =	vpush v3, $0x0  }
0x43f: {  	v3 =	vld [tilespmem:s18+$0x30];
	_ =	sdelay $0x3  }
0x440: {  	v4 =	vsub.s32 v4, v0  }
0x441: {  	vm0 =	vlt.u32 v4, $0x10000  }
0x442: {  	v5 =	vmpcnt.ones.xlane vm0;
	_ =	sdelay $0x1  }
0x443: {  	(v2sf) =	vpush v5, $0x0;
	_ =	sdelay $0x5  }
0x444: {  	s22 =	spop (v2sf)  }
0x445: {  	s21 =	sadd.s32 s21, s22  }
0x446: {  	[tilespmem:s21+$0x14080] =	vst.msk vm0, v4  }
0x447: {  	s19 =	sadd.s32 $0x80, s19;
	[tilespmem:s21+$0x15100] =	vst.msk vm0, v3  }
0x448: {  	v4 =	vld [tilespmem:s19+$0xFFFFFFC0]  }
.Ltmp39:
0x449: {  	(pc) =	sbr.rel @p0 .LBB2_52-.Ltmp39, $3  }
0x44a: {  	s18 =	sadd.s32 $0x80, s18  }
0x44b: {  	v3 =	vld [tilespmem:s18+$0xFFFFFFC0];
	_ =	sdelay $0x1  }
0x44c: {  	v4 =	vsub.s32 v4, v0;
	s22 =	spop (v2sf)  }
0x44d: {  	vm0 =	vlt.u32 v4, $0x10000;
	s20 =	sadd.s32 s21, s22  }
0x44e: {  	[tilespmem:s20+$0x14080] =	vst.msk vm0, v4;
	v55 =	vmpcnt.ones.xlane vm0  }
0x44f: {  	[tilespmem:s20+$0x15100] =	vst.msk vm0, v3  }
0x450: {  	v3 =	vld [tilespmem:s19+$0xFFFFFFD0];
	(v2sf) =	vpush v55, $0x0;
	_ =	sdelay $0x4  }
0x451: {  	v3 =	vsub.s32 v3, v0  }
0x452: {  	vm9 =	vlt.u32 v3, $0x10000  }
0x453: {  	v56 =	vmpcnt.ones.xlane vm9;
	_ =	sdelay $0x1  }
0x454: {  	(v2sf) =	vpush v56, $0x0;
	_ =	sdelay $0x3  }
0x455: {  	v57 =	vld [tilespmem:s18+$0xFFFFFFD0];
	_ =	sdelay $0x1  }
0x456: {  	s29 =	spop (v2sf)  }
0x457: {  	s20 =	sadd.s32 s20, s29  }
0x458: {  	[tilespmem:s20+$0x14080] =	vst.msk vm9, v3  }
0x459: {  	[tilespmem:s20+$0x15100] =	vst.msk vm9, v57  }
0x45a: {  	v3 =	vld [tilespmem:s19+$0xFFFFFFE0];
	_ =	sdelay $0x2  }
0x45b: {  	v4 =	vld [tilespmem:s18+$0xFFFFFFE0];
	_ =	sdelay $0x1  }
0x45c: {  	v3 =	vsub.s32 v3, v0;
	s30 =	spop (v2sf)  }
0x45d: {  	s20 =	sadd.s32 s20, s30;
	vm10 =	vlt.u32 v3, $0x10000  }
0x45e: {  	[tilespmem:s20+$0x14080] =	vst.msk vm10, v3;
	v3 =	vmpcnt.ones.xlane vm10  }
0x45f: {  	[tilespmem:s20+$0x15100] =	vst.msk vm10, v4  }
0x460: {  	v4 =	vld [tilespmem:s19+$0xFFFFFFF0];
	(v2sf) =	vpush v3, $0x0;
	_ =	sdelay $0x4  }
0x461: {  	v3 =	vsub.s32 v4, v0  }
0x462: {  	vm11 =	vlt.u32 v3, $0x10000  }
0x463: {  	v58 =	vmpcnt.ones.xlane vm11;
	_ =	sdelay $0x1  }
0x464: {  	(v2sf) =	vpush v58, $0x0;
	_ =	sdelay $0x3  }
0x465: {  	v59 =	vld [tilespmem:s18+$0xFFFFFFF0];
	_ =	sdelay $0x1  }
0x466: {  	s31 =	spop (v2sf)  }
0x467: {  	s20 =	sadd.s32 s20, s31  }
0x468: {  	[tilespmem:s20+$0x14080] =	vst.msk vm11, v3  }
0x469: {  	[tilespmem:s20+$0x15100] =	vst.msk vm11, v59  }
0x46a: {  	v3 =	vld [tilespmem:s19+$0x0];
	_ =	sdelay $0x2  }
0x46b: {  	v4 =	vld [tilespmem:s18+$0x0];
	_ =	sdelay $0x1  }
0x46c: {  	v3 =	vsub.s32 v3, v0;
	s22 =	spop (v2sf)  }
0x46d: {  	s20 =	sadd.s32 s20, s22;
	vm12 =	vlt.u32 v3, $0x10000  }
0x46e: {  	[tilespmem:s20+$0x14080] =	vst.msk vm12, v3;
	v3 =	vmpcnt.ones.xlane vm12  }
0x46f: {  	[tilespmem:s20+$0x15100] =	vst.msk vm12, v4  }
0x470: {  	v4 =	vld [tilespmem:s19+$0x10];
	(v2sf) =	vpush v3, $0x0;
	_ =	sdelay $0x4  }
0x471: {  	v3 =	vsub.s32 v4, v0  }
0x472: {  	vm13 =	vlt.u32 v3, $0x10000  }
0x473: {  	v60 =	vmpcnt.ones.xlane vm13;
	_ =	sdelay $0x1  }
0x474: {  	(v2sf) =	vpush v60, $0x0;
	_ =	sdelay $0x3  }
0x475: {  	v61 =	vld [tilespmem:s18+$0x10];
	_ =	sdelay $0x1  }
0x476: {  	s23 =	spop (v2sf)  }
0x477: {  	s20 =	sadd.s32 s20, s23  }
0x478: {  	[tilespmem:s20+$0x14080] =	vst.msk vm13, v3  }
0x479: {  	[tilespmem:s20+$0x15100] =	vst.msk vm13, v61  }
0x47a: {  	v3 =	vld [tilespmem:s19+$0x20];
	_ =	sdelay $0x2  }
0x47b: {  	v4 =	vld [tilespmem:s18+$0x20];
	_ =	sdelay $0x1  }
0x47c: {  	v3 =	vsub.s32 v3, v0;
	s24 =	spop (v2sf)  }
0x47d: {  	s20 =	sadd.s32 s20, s24;
	vm14 =	vlt.u32 v3, $0x10000  }
0x47e: {  	[tilespmem:s20+$0x14080] =	vst.msk vm14, v3  }
0x47f: {  	[tilespmem:s20+$0x15100] =	vst.msk vm14, v4  }
0x480: {  	v3 =	vld [tilespmem:s19+$0x30];
	_ =	sdelay $0x4  }
0x481: {  	v3 =	vsub.s32 v3, v0  }
0x482: {  	v62 =	vmpcnt.ones.xlane vm14;
	vm15 =	vlt.u32 v3, $0x10000  }
0x483: {  	v5 =	vmpcnt.ones.xlane vm15  }
0x484: {  	(v2sf) =	vpush v62, $0x0  }
0x485: {  	(v2sf) =	vpush v5, $0x0;
	_ =	sdelay $0xd  }
0x486: {  	s25 =	spop (v2sf)  }
0x487: {  	s19 =	sadd.s32 s20, s25;
	s26 =	spop (v2sf)  }
0x488: {  	s20 =	sadd.s32 s19, s26  }
0x489: {  	s28 =	sand.u32 $0xF, s20  }
0x48a: {  	s29 =	sshra.s32 s20, $0x1F;
	p0 =	slt.s32 s20, $0x1;
	p1 =	sne.s32 s28, $0x0  }
0x48b: {  	s30 =	sshrl.u32 s29, $0x1C;
	p0 =	por !p0, !p1  }
0x48c: {  	s21 =	simm.s32 $0x1;
	v63 =	vld [tilespmem:s18+$0x30];
	s18 =	sadd.s32 s30, s20;
	p0 =	por !p0, !p0  }
0x48d: {  	s18 =	sshra.s32 s18, $0x4;
	s21 =	simm.s32 @!p0 $0x0  }
0x48e: {  	s31 =	ssub.s32 s18, s21  }
0x48f: {  	p1 =	slt.s32 s31, $0x0  }
.Ltmp40:
0x490: {  	_ = 	snop;
	(pc) =	sbr.rel @p1 .LBB2_67-.Ltmp40, $4  }
0x491: {  	[tilespmem:s19+$0x14080] =	vst.msk vm15, v3  }
0x492: {  	[tilespmem:s19+$0x15100] =	vst.msk vm15, v63  }
0x493: {  	[tilespmem:s20+$0x14080] =	vst v1  }
0x494: {  	[tilespmem:s20+$0x15100] =	vst v2  }
0x495: {  	s19 =	simm.s32 $0xFFFFFFFF  }
0x496: {  	s19 =	simm.s32 @!p0 $0x0  }
0x497: {  	s18 =	sadd.s32 s19, s18  }
0x498: {  	s20 =	sadd.s32 $0x1, s18  }
0x499: {  	p1 =	seq.s32 s20, $0x1  }
.Ltmp41:
0x49a: {  	_ = 	snop;
	(pc) =	sbr.rel @p1 .LBB2_55-.Ltmp41, $3  }
0x49b: {  	_ =	sdelay $0x1  }
0x49c: {  	s21 =	simm.s32 $0x14080;
	p0 =	por $0x0, $0x0  }
0x49d: {  	v3 =	vld [tilespmem:s21+$0x0];
	s19 =	simm.s32 $0x15100;
	s18 =	simm.s32 $0x0;
	s20 =	sadd.s32 $0xFFFFFFFF, s20  }
0x49e: {  	_ =	sdelay $0x6  }
0x49f: {  	v4 =	vld [tilespmem:s19+$0x0]  }
0x4a0: {  	v5 =	vld.idx.msk [tilespmem:v3+s3+$0x0], $0xffff;
	_ =	sdelay $0x4  }
0x4a1: {  	v5 =	vmax.f32 v5, v4  }
0x4a2: {  	[tilespmem:v3+s3+$0x0] =	vst.idx.msk $0xffff, v5  }
0x4a3: {  	v5 =	vld.idx.msk [tilespmem:v3+s3+$0x0], $0xffff;
	_ =	sdelay $0x3  }
0x4a4: {  	p1 =	seq.s32 s20, $0x1  }
.Ltmp42:
0x4a5: {  	vm0 =	vlt.s32 v3, $0x10000;
	vm1 =	vlt.f32 v5, v4;
	(pc) =	sbr.rel @p1 .LBB2_60-.Ltmp42, $4  }
0x4a6: {  	vm0 =	vmand vm0, vm1  }
0x4a7: {  	[tilespmem:s18+$0x16180] =	vst.msk vm0, v3;
	v5 =	vmpcnt.ones.xlane vm0  }
0x4a8: {  	s21 =	simm.s32 $0x14090;
	s22 =	sadd.s32 $0xFFFFFFFF, s20;
	[tilespmem:s18+$0x17200] =	vst.msk vm0, v4  }
0x4a9: {  	s19 =	simm.s32 $0x15110;
	p0 =	por $0x1, $0x1;
	s20 =	simm.s32 $0x0;
	v3 =	vld [tilespmem:s21+$0x0];
	(v2sf) =	vpush v5, $0x0  }
.LBB2_61:
0x4aa: {  	p1 =	seq.s32 s22, $0x1;
	v4 =	vld [tilespmem:s19+$0x0];
	_ =	sdelay $0x3  }
0x4ab: {  	vm0 =	vlt.s32 v3, $0x10000;
	_ =	sdelay $0x2  }
0x4ac: {  	v5 =	vld.idx.msk [tilespmem:v3+s3+$0x0], $0xffff;
	_ =	sdelay $0x5  }
0x4ad: {  	v5 =	vmax.f32 v5, v4  }
0x4ae: {  	[tilespmem:v3+s3+$0x0] =	vst.idx.msk $0xffff, v5;
	s23 =	spop (v2sf)  }
0x4af: {  	v5 =	vld.idx.msk [tilespmem:v3+s3+$0x0], $0xffff;
	s20 =	sadd.s32 s20, s23;
	_ =	sdelay $0x5  }
.Ltmp43:
0x4b0: {  	vm1 =	vlt.f32 v5, v4;
	(pc) =	sbr.rel @!p1 .LBB2_61-.Ltmp43, $4  }
0x4b1: {  	vm0 =	vmand vm0, vm1  }
0x4b2: {  	v5 =	vmpcnt.ones.xlane vm0;
	[tilespmem:s20+$0x16180] =	vst.msk vm0, v3  }
0x4b3: {  	s21 =	sadd.s32 $0x10, s21;
	[tilespmem:s20+$0x17200] =	vst.msk vm0, v4  }
0x4b4: {  	s22 =	sadd.s32 $0xFFFFFFFF, s22;
	s19 =	sadd.s32 $0x10, s19;
	v3 =	vld [tilespmem:s21+$0x0];
	(v2sf) =	vpush v5, $0x0  }
.LBB2_62:
0x4b5: {  	_ =	sdelay $0x6  }
0x4b6: {  	v4 =	vld [tilespmem:s19+$0x0]  }
0x4b7: {  	v5 =	vld.idx.msk [tilespmem:v3+s3+$0x0], $0xffff;
	_ =	sdelay $0x4  }
0x4b8: {  	v5 =	vmax.f32 v5, v4  }
0x4b9: {  	[tilespmem:v3+s3+$0x0] =	vst.idx.msk $0xffff, v5  }
0x4ba: {  	v5 =	vld.idx.msk [tilespmem:v3+s3+$0x0], $0xffff;
	_ =	sdelay $0x4  }
0x4bb: {  	vm0 =	vlt.s32 v3, $0x10000;
	vm1 =	vlt.f32 v5, v4  }
0x4bc: {  	vm0 =	vmand vm0, vm1  }
0x4bd: {  	v63 =	vmpcnt.ones.xlane vm0;
	_ =	sdelay $0x1  }
0x4be: {  	(v2sf) =	vpush v63, $0x0;
	_ =	sdelay $0xb  }
0x4bf: {  	s19 =	spop @p0 (v2sf)  }
0x4c0: {  	s19 =	sadd.s32 @p0 s20, s19  }
0x4c1: {  	s18 =	smov.u32 @p0 s19  }
0x4c2: {  	[tilespmem:s18+$0x16180] =	vst.msk vm0, v3;
	s31 =	spop (v2sf)  }
0x4c3: {  	[tilespmem:s18+$0x17200] =	vst.msk vm0, v4;
	s19 =	sadd.s32 s18, s31  }
0x4c4: {  	p0 =	slt.s32 s19, $0x1  }
.Ltmp44:
0x4c5: {  	_ = 	snop;
	(pc) =	sbr.rel @p0 .LBB2_67-.Ltmp44, $1  }
0x4c6: {  	_ =	sdelay $0x3  }
0x4c7: {  	s20 =	simm.s32 $0x16180;
	p1 =	sne.s32 s19, $0x1  }
.Ltmp45:
0x4c8: {  	v3 =	vld [tilespmem:s20+$0x0];
	(pc) =	sbr.rel @!p1 .LBB2_58-.Ltmp45, $2  }
0x4c9: {  	_ =	sdelay $0x2  }
0x4ca: {  	s18 =	simm.s32 $0x17200;
	s19 =	sadd.s32 $0xFFFFFFFF, s19;
	p0 =	por $0x0, $0x0  }
0x4cb: {  	v3 =	vand.u32 $0xFFFF, v3;
	_ =	sdelay $0x3  }
0x4cc: {  	v5 =	vld [tilespmem:s18+$0x0]  }
0x4cd: {  	v4 =	vld.idx.msk [tilespmem:v3+s3+$0x0], $0xffff;
	_ =	sdelay $0x4  }
0x4ce: {  	v4 =	vmax.f32 v4, v5  }
0x4cf: {  	p1 =	sne.s32 s19, $0x1;
	s20 =	simm.s32 $0x16181;
	[tilespmem:v3+s3+$0x0] =	vst.idx.msk $0x1, v4  }
.Ltmp46:
0x4d0: {  	v3 =	vld [tilespmem:s20+$0x0];
	(pc) =	sbr.rel @!p1 .LBB2_64-.Ltmp46, $2  }
0x4d1: {  	_ =	sdelay $0x2  }
0x4d2: {  	s21 =	sadd.s32 $0xFFFFFFFF, s19;
	p0 =	por $0x1, $0x1;
	s19 =	simm.s32 $0x17200  }
.LBB2_65:
0x4d3: {  	p1 =	sne.s32 s21, $0x1;
	_ =	sdelay $0x3  }
0x4d4: {  	v3 =	vand.u32 $0xFFFF, v3;
	_ =	sdelay $0x4  }
0x4d5: {  	s19 =	sadd.s32 $0x1, s19;
	v4 =	vld.idx.msk [tilespmem:v3+s3+$0x0], $0xffff  }
0x4d6: {  	v5 =	vld [tilespmem:s19+$0x0];
	_ =	sdelay $0x2  }
.Ltmp47:
0x4d7: {  	(pc) =	sbr.rel @p1 .LBB2_65-.Ltmp47, $4  }
0x4d8: {  	_ = 	snop  }
0x4d9: {  	v4 =	vmax.f32 v4, v5  }
0x4da: {  	s20 =	sadd.s32 $0x1, s20;
	[tilespmem:v3+s3+$0x0] =	vst.idx.msk $0x1, v4  }
0x4db: {  	s21 =	sadd.s32 $0xFFFFFFFF, s21;
	v3 =	vld [tilespmem:s20+$0x0]  }
.Ltmp48:
0x4dc: {  	_ = 	snop;
	(pc) =	sbr.rel .LBB2_66-.Ltmp48, $1  }
0x4dd: {  	_ =	sdelay $0x3  }
.LBB2_39:
.Ltmp49:
0x4de: {  	(pc) =	sbr.rel .LBB2_46-.Ltmp49, $2  }
0x4df: {  	_ =	sdelay $0x2  }
0x4e0: {  	s20 =	simm.s32 $0x0  }
.LBB2_55:
.Ltmp50:
0x4e1: {  	(pc) =	sbr.rel .LBB2_62-.Ltmp50, $2  }
0x4e2: {  	_ =	sdelay $0x2  }
0x4e3: {  	s20 =	simm.s32 $0x0  }
.LBB2_44:
.Ltmp51:
0x4e4: {  	(pc) =	sbr.rel .LBB2_46-.Ltmp51, $2  }
0x4e5: {  	_ =	sdelay $0x2  }
0x4e6: {  	s20 =	simm.s32 $0x0  }
.LBB2_60:
.Ltmp52:
0x4e7: {  	(pc) =	sbr.rel .LBB2_62-.Ltmp52, $2  }
0x4e8: {  	_ =	sdelay $0x2  }
0x4e9: {  	s20 =	simm.s32 $0x0  }
.LBB2_42:
.Ltmp53:
0x4ea: {  	(pc) =	sbr.rel .LBB2_50-.Ltmp53, $2  }
0x4eb: {  	_ =	sdelay $0x2  }
0x4ec: {  	s19 =	simm.s32 $0x17200  }
.LBB2_48:
.Ltmp54:
0x4ed: {  	(pc) =	sbr.rel .LBB2_50-.Ltmp54, $2  }
0x4ee: {  	_ =	sdelay $0x2  }
0x4ef: {  	s19 =	simm.s32 $0x17200  }
.LBB2_64:
.Ltmp55:
0x4f0: {  	(pc) =	sbr.rel .LBB2_66-.Ltmp55, $2  }
0x4f1: {  	_ =	sdelay $0x2  }
0x4f2: {  	s19 =	simm.s32 $0x17200  }
.LBB2_68:
0x4f3: {  	_ =	sfence.sel $0x180000  }
0x4f4: {  	[bflag:$0x0] =	sbarrier.arrive $0xFFFF  }
0x4f5: {  	p0 =	sne.s32 s2, $0x0;
	_ =	strace $0x9000004A  }
0x4f6: {  	s0 =	sadd.s32 @!p0 $0x100000, s0;
	[bflag:$0x2] =	sbarrier.arrive $0xFFFF  }
0x4f7: {  	[sflag:s0] =	ssyncadd.tile.s32 @!p0 $0x1;
	_ =	shalt  }
.Lfunc_end2:
_tile_overlayer_lowered:
.L_overlay_start_2:
0x4f8: {  	(tag) =	ssettag $0x2  }
0x4f9: {  	s0 =	rddreg [dreg:$0x0];
	s2 =	stileid.u32  }
0x4fa: {  	s1 =	rddreg [dreg:$0x1];
	p0 =	sne.s32 s2, $0x0  }
0x4fb: {  	s3 =	rddreg [dreg:$0x2];
	[bflag:$0x3] =	sbarrier.arrive $0xFFFF;
	s2 =	simm.s32 @!p0 $0x1C03  }
0x4fc: {  	[timem:s3], [sflag:s2] =	dma.local @!p0 [hbm:s0], s1  }
0x4fd: {  	s0 =	simm.s32 @!p0 $0x3  }
0x4fe: {  	_ =	swait.ge @!p0 [sflag:s0], s1  }
0x4ff: {  	s1 =	ssub.s32 @!p0 $0x0, s1;
	[sflag:s0] =	ssyncset.done @!p0 $0x0  }
0x500: {  	[sflag:s0] =	ssyncadd.s32 @!p0 s1  }
0x501: {  	[bflag:$0x3] =	sbarrier.arrive $0xFFFF  }
0x502: {  	_ =	shalt  }

</sc_bundles>
